<compile_context>
chip_gen: v7x
topology: tpu7x:2x2x1
jax: 0.10.2.dev20260603
libtpu: 0.0.44.dev20260713+nightly
codegen_flags: <defaults>
</compile_context>

<pallas_src>
import functools

import jax
import jax.numpy as jnp
from jax import lax
from jax.experimental import pallas as pl
from jax.experimental.pallas import tpu as pltpu
from jax.experimental.pallas import tpu_sc as plsc

N_NODES = 10000
N_EDGES = 320000
NPAD = 10240
D1 = 128
D2 = 16
NC = 2
NS = 16
NW = NC * NS
B = 125
NBLK = N_EDGES // (NW * B)
RING = 2
ROWS_PER_TILE = NPAD // NS

_MESH = plsc.VectorSubcoreMesh(
    core_axis_name="c", subcore_axis_name="s", num_cores=NC, num_subcores=NS)


def _fill_f32(ref, n, val):
    def body(i, _):
        ref[pl.ds(i * 16, 16)] = jnp.full((16,), val, jnp.float32)
        return 0
    lax.fori_loop(0, n // 16, body, 0)


def _deg_body(dst3d, degp0, degp1, deg_sh, idxbuf, onesbuf, zbuf, ssem):
    c = lax.axis_index("c")
    s = lax.axis_index("s")
    w = c * NS + s
    pltpu.sync_copy(dst3d.at[w], idxbuf)
    _fill_f32(zbuf, ROWS_PER_TILE, 0.0)
    _fill_f32(onesbuf, 128, 1.0)
    pltpu.sync_copy(zbuf, deg_sh.at[pl.ds(s * ROWS_PER_TILE, ROWS_PER_TILE)])
    plsc.subcore_barrier()
    ones = onesbuf.at[pl.ds(0, B)]
    def fire(j, _):
        pltpu.async_copy(ones, deg_sh.at[idxbuf.at[j]], ssem, add=True)
        return 0
    lax.fori_loop(0, NBLK, fire, 0)
    def drain(j, _):
        pltpu.make_async_copy(ones, deg_sh.at[idxbuf.at[j]], ssem).wait()
        return 0
    lax.fori_loop(0, NBLK, drain, 0)
    plsc.subcore_barrier()
    sl = pl.ds(s * ROWS_PER_TILE, ROWS_PER_TILE)
    @pl.when(c == 0)
    def _():
        pltpu.sync_copy(deg_sh.at[sl], degp0.at[sl])
    @pl.when(c == 1)
    def _():
        pltpu.sync_copy(deg_sh.at[sl], degp1.at[sl])


_deg_kernel = functools.partial(
    pl.kernel, _deg_body,
    out_type=[jax.ShapeDtypeStruct((NPAD,), jnp.float32),
              jax.ShapeDtypeStruct((NPAD,), jnp.float32)],
    mesh=_MESH,
    scratch_types=[
        pltpu.VMEM_SHARED((NPAD,), jnp.float32),
        pltpu.VMEM((NBLK, B), jnp.int32),
        pltpu.VMEM((128,), jnp.float32),
        pltpu.VMEM((ROWS_PER_TILE,), jnp.float32),
        pltpu.SemaphoreType.DMA,
    ],
)()


B3 = 125
NBLK3 = N_EDGES // (NW * B3)
CHUNK = 8
NCHUNK = NBLK3 // CHUNK
RING3 = 2


def _agg_body(d, table, src3d, dst3d, accp, acc_sh, sbuf, dbuf, rows, gsem,
              isem):
    c = lax.axis_index("c")
    s = lax.axis_index("s")
    w = c * NS + s
    r0 = s * ROWS_PER_TILE

    def idx_load(ci, slot):
        return (
            pltpu.make_async_copy(src3d.at[w, ci], sbuf.at[slot], isem),
            pltpu.make_async_copy(dst3d.at[w, ci], dbuf.at[slot], isem),
        )

    for cp in idx_load(0, 0):
        cp.start()
    pltpu.sync_copy(table.at[pl.ds(r0, ROWS_PER_TILE)],
                    acc_sh.at[pl.ds(r0, ROWS_PER_TILE)])
    plsc.subcore_barrier()

    def chunk_body(ci, _):
        slot = lax.rem(ci, 2)
        for cp in idx_load(ci, slot):
            cp.wait()
        @pl.when(ci < NCHUNK - 1)
        def _():
            for cp in idx_load(ci + 1, 1 - slot):
                cp.start()

        def gather(j, r):
            return pltpu.make_async_copy(
                table.at[sbuf.at[slot, j]], rows.at[r], gsem.at[r])

        for r in range(RING3):
            gather(r, r).start()

        def blk(j, _):
            r = lax.rem(j, RING3)
            gather(j, r).wait()
            pltpu.sync_copy(rows.at[r], acc_sh.at[dbuf.at[slot, j]],
                            add=True)
            @pl.when(j + RING3 < CHUNK)
            def _():
                gather(j + RING3, r).start()
            return 0
        lax.fori_loop(0, CHUNK, blk, 0)
        return 0
    lax.fori_loop(0, NCHUNK, chunk_body, 0)
    plsc.subcore_barrier()
    pltpu.sync_copy(acc_sh.at[pl.ds(r0, ROWS_PER_TILE)],
                    accp.at[c, pl.ds(r0, ROWS_PER_TILE)])


GRP = 5


def _agg16_body(table, src3d, dst3d, accp, acc_sh, sbuf, dbuf, rows, gsem,
                ssem):
    c = lax.axis_index("c")
    s = lax.axis_index("s")
    w = c * NS + s
    r0 = s * ROWS_PER_TILE
    pltpu.sync_copy(src3d.at[w], sbuf)
    pltpu.sync_copy(dst3d.at[w], dbuf)
    pltpu.sync_copy(table.at[pl.ds(r0, ROWS_PER_TILE)],
                    acc_sh.at[pl.ds(r0, ROWS_PER_TILE)])
    plsc.subcore_barrier()

    def gather(j, slot):
        return pltpu.make_async_copy(
            table.at[sbuf.at[j]], rows.at[slot], gsem.at[slot])

    def scat(j, slot):
        return pltpu.make_async_copy(
            rows.at[slot], acc_sh.at[dbuf.at[j]], ssem.at[slot])

    for r in range(GRP):
        gather(r, r).start()

    ngrp = NBLK // GRP
    def grp_body(g, _):
        base = lax.rem(g, 2) * GRP
        for r in range(GRP):
            j = g * GRP + r
            gather(j, base + r).wait()
            pltpu.async_copy(rows.at[base + r], acc_sh.at[dbuf.at[j]],
                             ssem.at[base + r], add=True)
        @pl.when(g < ngrp - 1)
        def _():
            base2 = lax.rem(g + 1, 2) * GRP
            for r in range(GRP):
                j2 = (g + 1) * GRP + r
                @pl.when(g >= 1)
                def _():
                    scat(j2 - 2 * GRP, base2 + r).wait()
                gather(j2, base2 + r).start()
        return 0
    lax.fori_loop(0, ngrp, grp_body, 0)
    for r in range(GRP):
        scat((ngrp - 2) * GRP + r, ((ngrp - 2) % 2) * GRP + r).wait()
        scat((ngrp - 1) * GRP + r, ((ngrp - 1) % 2) * GRP + r).wait()
    plsc.subcore_barrier()
    pltpu.sync_copy(acc_sh.at[pl.ds(r0, ROWS_PER_TILE)],
                    accp.at[c, pl.ds(r0, ROWS_PER_TILE)])


_agg16_kernel = functools.partial(
    pl.kernel, _agg16_body,
    out_type=jax.ShapeDtypeStruct((NC, NPAD, D2), jnp.float32),
    mesh=_MESH,
    compiler_params=pltpu.CompilerParams(use_tc_tiling_on_sc=False),
    scratch_types=[
        pltpu.VMEM_SHARED((NPAD, D2), jnp.float32),
        pltpu.VMEM((NBLK, B), jnp.int32),
        pltpu.VMEM((NBLK, B), jnp.int32),
        pltpu.VMEM((2 * GRP, B, D2), jnp.float32),
        pltpu.SemaphoreType.DMA((2 * GRP,)),
        pltpu.SemaphoreType.DMA((2 * GRP,)),
    ],
)()


def _agg_kernel(d):
    return functools.partial(
        pl.kernel, functools.partial(_agg_body, d),
        out_type=jax.ShapeDtypeStruct((NC, NPAD, d), jnp.float32),
        mesh=_MESH,
        compiler_params=pltpu.CompilerParams(use_tc_tiling_on_sc=(d == D1)),
        scratch_types=[
            pltpu.VMEM_SHARED((NPAD, d), jnp.float32),
            pltpu.VMEM((2, CHUNK, B3), jnp.int32),
            pltpu.VMEM((2, CHUNK, B3), jnp.int32),
            pltpu.VMEM((RING3, B3, d), jnp.float32),
            pltpu.SemaphoreType.DMA((RING3,)),
            pltpu.SemaphoreType.DMA,
        ],
    )()


def _scale_body(x_ref, degp0_ref, degp1_ref, xs_ref, dinv_ref):
    deg = degp0_ref[...] + degp1_ref[...] + 1.0
    dinv = lax.rsqrt(deg)
    xs_ref[...] = x_ref[...] * dinv
    dinv_ref[...] = dinv


def _mm_body(accp_ref, xs_ref, dinv_ref, W1_ref, b1_ref, W2_ref, b2_ref,
             ys_ref):
    dinv = dinv_ref[...]
    t1 = dinv * (accp_ref[0] + accp_ref[1] - xs_ref[...])
    h1 = jnp.dot(t1, W1_ref[...], preferred_element_type=jnp.float32) \
        + b1_ref[...]
    z = jnp.where(h1 > 0, h1, jnp.exp(h1) - 1.0)
    y = jnp.dot(z, W2_ref[...], preferred_element_type=jnp.float32)
    ys_ref[...] = dinv * y


def _pool_body(acc2p_ref, ys_ref, dinv_ref, batch_ref, b2_ref, out_ref):
    t2 = dinv_ref[...] * (acc2p_ref[0] + acc2p_ref[1] - ys_ref[...]) \
        + b2_ref[...]
    b = jnp.broadcast_to(batch_ref[...], (D2, NPAD))
    gid = lax.broadcasted_iota(jnp.int32, (D2, NPAD), 0)
    m = (b == gid).astype(jnp.float32)
    cnt = jnp.sum(m, axis=1, keepdims=True)
    pool = jnp.dot(m, t2, preferred_element_type=jnp.float32)
    out_ref[...] = pool / jnp.maximum(cnt, 1.0)


def kernel(x, edge_idx, batch, W1, b1, W2, b2):
    src3d = edge_idx[0].reshape(NW, NCHUNK, CHUNK, B3)
    dst3d = edge_idx[1].reshape(NW, NCHUNK, CHUNK, B3)
    dst3d_l1 = edge_idx[1].reshape(NW, NBLK, B)
    pad = NPAD - N_NODES
    x_p = jnp.concatenate([x, jnp.zeros((pad, D1), jnp.float32)])
    batch_p = jnp.concatenate(
        [batch, jnp.full((pad,), D2, jnp.int32)]).reshape(1, NPAD)

    degp0, degp1 = _deg_kernel(dst3d_l1)
    degp0 = degp0.reshape(NPAD, 1)
    degp1 = degp1.reshape(NPAD, 1)
    xs, dinv = pl.pallas_call(
        _scale_body,
        out_shape=[jax.ShapeDtypeStruct((NPAD, D1), jnp.float32),
                   jax.ShapeDtypeStruct((NPAD, 1), jnp.float32)],
    )(x_p, degp0, degp1)
    accp = _agg_kernel(D1)(xs, src3d, dst3d)
    ys = pl.pallas_call(
        _mm_body,
        out_shape=jax.ShapeDtypeStruct((NPAD, D2), jnp.float32),
    )(accp, xs, dinv, W1, b1.reshape(1, D1), W2, b2.reshape(1, D2))
    src3d_l1 = edge_idx[0].reshape(NW, NBLK, B)
    acc2p = _agg16_kernel(ys, src3d_l1, dst3d_l1)
    out = pl.pallas_call(
        _pool_body,
        out_shape=jax.ShapeDtypeStruct((D2, D2), jnp.float32),
    )(acc2p, ys, dinv, batch_p, b2.reshape(1, D2))
    return out

# --- scband reference (transcript-rebuilt; emitter-appended) ---
"""Pipeline reference for scband-graph-model-38714835206273 (READ-ONLY COPY).

The authoritative reference and input builder live on the scoring server;
editing this copy changes nothing except your own understanding.
"""

import jax, jax.numpy as jnp
import numpy as np

N_NODES = 10000
N_EDGES = 320000
D_INPUT = 128
D_HIDDEN = 32
N_HEADS = 4
NCLASSES = 16
NUM_GRAPHS = 16


def setup_inputs(seed: int = 0) -> dict:
    key = jax.random.key(seed)
    ks = jax.random.split(key, 8)
    x = jax.random.normal(ks[0], (N_NODES, D_INPUT), dtype=jnp.float32)
    edge_idx = jax.random.randint(ks[1], (2, N_EDGES), 0, N_NODES, dtype=jnp.int64 if jax.config.jax_enable_x64 else jnp.int32).astype(jnp.int32)
    batch = jnp.sort(jax.random.randint(ks[2], (N_NODES,), 0, NUM_GRAPHS)).astype(jnp.int32)
    d_out1 = D_HIDDEN * N_HEADS  # 128
    # GCNConv parameters (glorot-ish init)
    W1 = jax.random.normal(ks[3], (D_INPUT, d_out1), dtype=jnp.float32) * (1.0 / np.sqrt(D_INPUT))
    b1 = jnp.zeros((d_out1,), dtype=jnp.float32)
    W2 = jax.random.normal(ks[4], (d_out1, NCLASSES), dtype=jnp.float32) * (1.0 / np.sqrt(d_out1))
    b2 = jnp.zeros((NCLASSES,), dtype=jnp.float32)
    return {"x": x, "edge_idx": edge_idx, "batch": batch, "W1": W1, "b1": b1, "W2": W2, "b2": b2}


def _gcn_conv(x, src, dst, W, b, n_nodes):
    # torch_geometric-style GCNConv: add self loops, symmetric normalization,
    # linear transform, scatter-add aggregation, bias.
    loop = jnp.arange(n_nodes, dtype=src.dtype)
    src_sl = jnp.concatenate([src, loop])
    dst_sl = jnp.concatenate([dst, loop])
    h = x @ W
    deg = jnp.zeros((n_nodes,), dtype=x.dtype).at[dst_sl].add(1.0)
    dinv = jnp.where(deg > 0, 1.0 / jnp.sqrt(deg), 0.0)
    norm = dinv[src_sl] * dinv[dst_sl]
    msg = h[src_sl] * norm[:, None]
    out = jnp.zeros((n_nodes, W.shape[1]), dtype=x.dtype).at[dst_sl].add(msg)
    return out + b


def _global_mean_pool(h, batch, num_graphs):
    sums = jax.ops.segment_sum(h, batch, num_segments=num_graphs)
    counts = jax.ops.segment_sum(jnp.ones((h.shape[0],), dtype=h.dtype), batch, num_segments=num_graphs)
    return sums / jnp.maximum(counts, 1.0)[:, None]


def reference(x, edge_idx, batch, W1, b1, W2, b2):
    # eval mode: dropout (dp_rate) is identity
    n_nodes = x.shape[0]
    src = edge_idx[0]
    dst = edge_idx[1]
    h1 = _gcn_conv(x, src, dst, W1, b1, n_nodes)
    h1 = jax.nn.elu(h1)
    h2 = _gcn_conv(h1, src, dst, W2, b2, n_nodes)
    h3 = _global_mean_pool(h2, batch, NUM_GRAPHS)
    return h3

if __name__ == "__main__":
    import jax
    _d = setup_inputs()
    print(jax.jit(kernel)(*tuple(_d.values())))

</pallas_src>

<mosaic_0001>
#map = affine_map<(d0, d1) -> (0, 0)>
#map1 = affine_map<(d0, d1) -> (0, 0, 0)>
module attributes {stable_mosaic.version = 14 : i64} {
  func.func @_agg16_body(%arg0: i32, %arg1: i32, %arg2: memref<10240x16xf32, #tpu.memory_space<hbm>>, %arg3: memref<32x80x125xi32, #tpu.memory_space<hbm>>, %arg4: memref<32x80x125xi32, #tpu.memory_space<hbm>>, %arg5: memref<2x10240x16xf32, #tpu.memory_space<hbm>>, %arg6: memref<10240x16xf32, #tpu.memory_space<vmem_shared>>, %arg7: memref<80x125xi32, #tpu.memory_space<vmem>>, %arg8: memref<80x125xi32, #tpu.memory_space<vmem>>, %arg9: memref<10x125x16xf32, #tpu.memory_space<vmem>>, %arg10: memref<10x!tpu.dma_semaphore, #tpu.memory_space<semaphore_mem>>, %arg11: memref<10x!tpu.dma_semaphore, #tpu.memory_space<semaphore_mem>>) attributes {dimension_semantics = [#tpu.dimension_semantics<core_parallel>, #tpu.dimension_semantics<subcore_parallel>], iteration_bounds = array<i64: 2, 16>, scalar_prefetch = 0 : i64, scratch_operands = 6 : i64, tpu.core_type = #tpu.core_type<sc_vector_subcore>, window_params = [{transform_indices = #map}, {transform_indices = #map1}, {transform_indices = #map1}, {transform_indices = #map1}]} {
    %mul3A = arith.constant 16 : i32
    %mul3A_0 = arith.muli %arg0, %mul3A : i32
    %add3A = arith.addi %mul3A_0, %arg1 : i32
    %mul3A_1 = arith.constant 640 : i32
    %mul3A_2 = arith.muli %arg1, %mul3A_1 : i32
    "tpu.region"() ({
      %run_scoped3A = tpu.sem_alloc : memref<!tpu.dma_semaphore, #tpu.memory_space<semaphore_mem>>
      %dma_start3A_233 = arith.constant 0 : i32
      %dma_start3A_234 = arith.constant 0 : i32
      %dma_start3A_235 = tpu.memref_slice %arg3[%add3A, %dma_start3A_233, %dma_start3A_234] : memref<32x80x125xi32, #tpu.memory_space<hbm>> -> memref<1x80x125xi32, #tpu.memory_space<hbm>>
      %dma_start3A_236 = tpu.memref_squeeze %dma_start3A_235 : memref<1x80x125xi32, #tpu.memory_space<hbm>> -> memref<80x125xi32, #tpu.memory_space<hbm>>
      %dma_start3A_237 = arith.constant 0 : i32
      %dma_start3A_238 = arith.constant 0 : i32
      %dma_start3A_239 = tpu.memref_slice %arg3[%add3A, %dma_start3A_237, %dma_start3A_238] : memref<32x80x125xi32, #tpu.memory_space<hbm>> -> memref<1x80x125xi32, #tpu.memory_space<hbm>>
      %dma_start3A_240 = tpu.memref_squeeze %dma_start3A_239 : memref<1x80x125xi32, #tpu.memory_space<hbm>> -> memref<80x125xi32, #tpu.memory_space<hbm>>
      tpu.enqueue_dma source(%dma_start3A_240 : memref<80x125xi32, #tpu.memory_space<hbm>>) target(%arg7 : memref<80x125xi32, #tpu.memory_space<vmem>>) target_semaphore(%run_scoped3A : memref<!tpu.dma_semaphore, #tpu.memory_space<semaphore_mem>>)
      %dma_wait3A_241 = arith.constant 0 : i32
      %dma_wait3A_242 = arith.constant 0 : i32
      %dma_wait3A_243 = tpu.memref_slice %arg3[%add3A, %dma_wait3A_241, %dma_wait3A_242] : memref<32x80x125xi32, #tpu.memory_space<hbm>> -> memref<1x80x125xi32, #tpu.memory_space<hbm>>
      %dma_wait3A_244 = tpu.memref_squeeze %dma_wait3A_243 : memref<1x80x125xi32, #tpu.memory_space<hbm>> -> memref<80x125xi32, #tpu.memory_space<hbm>>
      %dma_wait3A_245 = arith.constant 0 : i32
      %dma_wait3A_246 = arith.constant 0 : i32
      %dma_wait3A_247 = tpu.memref_slice %arg3[%add3A, %dma_wait3A_245, %dma_wait3A_246] : memref<32x80x125xi32, #tpu.memory_space<hbm>> -> memref<1x80x125xi32, #tpu.memory_space<hbm>>
      %dma_wait3A_248 = tpu.memref_squeeze %dma_wait3A_247 : memref<1x80x125xi32, #tpu.memory_space<hbm>> -> memref<80x125xi32, #tpu.memory_space<hbm>>
      tpu.wait_dma2 semaphore(%run_scoped3A : memref<!tpu.dma_semaphore, #tpu.memory_space<semaphore_mem>>) src(%dma_wait3A_248 : memref<80x125xi32, #tpu.memory_space<hbm>>) dst(%arg7 : memref<80x125xi32, #tpu.memory_space<vmem>>)
      tpu.yield
    }) : () -> ()
    "tpu.region"() ({
      %run_scoped3A = tpu.sem_alloc : memref<!tpu.dma_semaphore, #tpu.memory_space<semaphore_mem>>
      %dma_start3A_233 = arith.constant 0 : i32
      %dma_start3A_234 = arith.constant 0 : i32
      %dma_start3A_235 = tpu.memref_slice %arg4[%add3A, %dma_start3A_233, %dma_start3A_234] : memref<32x80x125xi32, #tpu.memory_space<hbm>> -> memref<1x80x125xi32, #tpu.memory_space<hbm>>
      %dma_start3A_236 = tpu.memref_squeeze %dma_start3A_235 : memref<1x80x125xi32, #tpu.memory_space<hbm>> -> memref<80x125xi32, #tpu.memory_space<hbm>>
      %dma_start3A_237 = arith.constant 0 : i32
      %dma_start3A_238 = arith.constant 0 : i32
      %dma_start3A_239 = tpu.memref_slice %arg4[%add3A, %dma_start3A_237, %dma_start3A_238] : memref<32x80x125xi32, #tpu.memory_space<hbm>> -> memref<1x80x125xi32, #tpu.memory_space<hbm>>
      %dma_start3A_240 = tpu.memref_squeeze %dma_start3A_239 : memref<1x80x125xi32, #tpu.memory_space<hbm>> -> memref<80x125xi32, #tpu.memory_space<hbm>>
      tpu.enqueue_dma source(%dma_start3A_240 : memref<80x125xi32, #tpu.memory_space<hbm>>) target(%arg8 : memref<80x125xi32, #tpu.memory_space<vmem>>) target_semaphore(%run_scoped3A : memref<!tpu.dma_semaphore, #tpu.memory_space<semaphore_mem>>)
      %dma_wait3A_241 = arith.constant 0 : i32
      %dma_wait3A_242 = arith.constant 0 : i32
      %dma_wait3A_243 = tpu.memref_slice %arg4[%add3A, %dma_wait3A_241, %dma_wait3A_242] : memref<32x80x125xi32, #tpu.memory_space<hbm>> -> memref<1x80x125xi32, #tpu.memory_space<hbm>>
      %dma_wait3A_244 = tpu.memref_squeeze %dma_wait3A_243 : memref<1x80x125xi32, #tpu.memory_space<hbm>> -> memref<80x125xi32, #tpu.memory_space<hbm>>
      %dma_wait3A_245 = arith.constant 0 : i32
      %dma_wait3A_246 = arith.constant 0 : i32
      %dma_wait3A_247 = tpu.memref_slice %arg4[%add3A, %dma_wait3A_245, %dma_wait3A_246] : memref<32x80x125xi32, #tpu.memory_space<hbm>> -> memref<1x80x125xi32, #tpu.memory_space<hbm>>
      %dma_wait3A_248 = tpu.memref_squeeze %dma_wait3A_247 : memref<1x80x125xi32, #tpu.memory_space<hbm>> -> memref<80x125xi32, #tpu.memory_space<hbm>>
      tpu.wait_dma2 semaphore(%run_scoped3A : memref<!tpu.dma_semaphore, #tpu.memory_space<semaphore_mem>>) src(%dma_wait3A_248 : memref<80x125xi32, #tpu.memory_space<hbm>>) dst(%arg8 : memref<80x125xi32, #tpu.memory_space<vmem>>)
      tpu.yield
    }) : () -> ()
    "tpu.region"() ({
      %run_scoped3A = tpu.sem_alloc : memref<!tpu.dma_semaphore, #tpu.memory_space<semaphore_mem>>
      %dma_start3A_233 = arith.constant 0 : i32
      %dma_start3A_234 = tpu.memref_slice %arg6[%mul3A_2, %dma_start3A_233] : memref<10240x16xf32, #tpu.memory_space<vmem_shared>> -> memref<640x16xf32, #tpu.memory_space<vmem_shared>>
      %dma_start3A_235 = arith.constant 0 : i32
      %dma_start3A_236 = tpu.memref_slice %arg2[%mul3A_2, %dma_start3A_235] : memref<10240x16xf32, #tpu.memory_space<hbm>> -> memref<640x16xf32, #tpu.memory_space<hbm>>
      tpu.enqueue_dma source(%dma_start3A_236 : memref<640x16xf32, #tpu.memory_space<hbm>>) target(%dma_start3A_234 : memref<640x16xf32, #tpu.memory_space<vmem_shared>>) target_semaphore(%run_scoped3A : memref<!tpu.dma_semaphore, #tpu.memory_space<semaphore_mem>>)
      %dma_wait3A_237 = arith.constant 0 : i32
      %dma_wait3A_238 = tpu.memref_slice %arg6[%mul3A_2, %dma_wait3A_237] : memref<10240x16xf32, #tpu.memory_space<vmem_shared>> -> memref<640x16xf32, #tpu.memory_space<vmem_shared>>
      %dma_wait3A_239 = arith.constant 0 : i32
      %dma_wait3A_240 = tpu.memref_slice %arg2[%mul3A_2, %dma_wait3A_239] : memref<10240x16xf32, #tpu.memory_space<hbm>> -> memref<640x16xf32, #tpu.memory_space<hbm>>
      tpu.wait_dma2 semaphore(%run_scoped3A : memref<!tpu.dma_semaphore, #tpu.memory_space<semaphore_mem>>) src(%dma_wait3A_240 : memref<640x16xf32, #tpu.memory_space<hbm>>) dst(%dma_wait3A_238 : memref<640x16xf32, #tpu.memory_space<vmem_shared>>)
      tpu.yield
    }) : () -> ()
    %barrier3A = arith.constant 0 : index
    tpu.barrier barrier_id(%barrier3A)
    %dma_start3A = arith.constant 0 : i32
    %dma_start3A_3 = arith.constant 0 : i32
    %dma_start3A_4 = arith.constant 0 : i32
    %dma_start3A_5 = arith.constant 0 : i32
    %dma_start3A_6 = arith.constant 0 : i32
    %dma_start3A_7 = tpu.memref_slice %arg9[%dma_start3A_3, %dma_start3A_5, %dma_start3A_6] : memref<10x125x16xf32, #tpu.memory_space<vmem>> -> memref<1x125x16xf32, #tpu.memory_space<vmem>>
    %dma_start3A_8 = tpu.memref_squeeze %dma_start3A_7 : memref<1x125x16xf32, #tpu.memory_space<vmem>> -> memref<125x16xf32, #tpu.memory_space<vmem>>
    %dma_start3A_9 = arith.constant 0 : i32
    %dma_start3A_10 = tpu.memref_slice %arg7[%dma_start3A, %dma_start3A_9] : memref<80x125xi32, #tpu.memory_space<vmem>> -> memref<1x125xi32, #tpu.memory_space<vmem>>
    %dma_start3A_11 = tpu.memref_squeeze %dma_start3A_10 : memref<1x125xi32, #tpu.memory_space<vmem>> -> memref<125xi32, #tpu.memory_space<vmem>>
    %dma_start3A_12 = arith.constant 0 : i32
    %dma_start3A_13 = arith.constant 0 : i32
    %dma_start3A_14 = tpu.memref_slice %arg2[%dma_start3A_12, %dma_start3A_13] : memref<10240x16xf32, #tpu.memory_space<hbm>> -> memref<10240x16xf32, #tpu.memory_space<hbm>>
    %dma_start3A_15 = tpu.memref_slice %arg10[%dma_start3A_4] : memref<10x!tpu.dma_semaphore, #tpu.memory_space<semaphore_mem>> -> memref<1x!tpu.dma_semaphore, #tpu.memory_space<semaphore_mem>>
    %dma_start3A_16 = tpu.memref_squeeze %dma_start3A_15 : memref<1x!tpu.dma_semaphore, #tpu.memory_space<semaphore_mem>> -> memref<!tpu.dma_semaphore, #tpu.memory_space<semaphore_mem>>
    tpu.enqueue_indirect_dma source(%dma_start3A_14 : memref<10240x16xf32, #tpu.memory_space<hbm>>) target(%dma_start3A_8 : memref<125x16xf32, #tpu.memory_space<vmem>>) offsets(%dma_start3A_11 : memref<125xi32, #tpu.memory_space<vmem>>) semaphore(%dma_start3A_16 : memref<!tpu.dma_semaphore, #tpu.memory_space<semaphore_mem>>)
    %dma_start3A_17 = arith.constant 1 : i32
    %dma_start3A_18 = arith.constant 1 : i32
    %dma_start3A_19 = arith.constant 1 : i32
    %dma_start3A_20 = arith.constant 0 : i32
    %dma_start3A_21 = arith.constant 0 : i32
    %dma_start3A_22 = tpu.memref_slice %arg9[%dma_start3A_18, %dma_start3A_20, %dma_start3A_21] : memref<10x125x16xf32, #tpu.memory_space<vmem>> -> memref<1x125x16xf32, #tpu.memory_space<vmem>>
    %dma_start3A_23 = tpu.memref_squeeze %dma_start3A_22 : memref<1x125x16xf32, #tpu.memory_space<vmem>> -> memref<125x16xf32, #tpu.memory_space<vmem>>
    %dma_start3A_24 = arith.constant 0 : i32
    %dma_start3A_25 = tpu.memref_slice %arg7[%dma_start3A_17, %dma_start3A_24] : memref<80x125xi32, #tpu.memory_space<vmem>> -> memref<1x125xi32, #tpu.memory_space<vmem>>
    %dma_start3A_26 = tpu.memref_squeeze %dma_start3A_25 : memref<1x125xi32, #tpu.memory_space<vmem>> -> memref<125xi32, #tpu.memory_space<vmem>>
    %dma_start3A_27 = arith.constant 0 : i32
    %dma_start3A_28 = arith.constant 0 : i32
    %dma_start3A_29 = tpu.memref_slice %arg2[%dma_start3A_27, %dma_start3A_28] : memref<10240x16xf32, #tpu.memory_space<hbm>> -> memref<10240x16xf32, #tpu.memory_space<hbm>>
    %dma_start3A_30 = tpu.memref_slice %arg10[%dma_start3A_19] : memref<10x!tpu.dma_semaphore, #tpu.memory_space<semaphore_mem>> -> memref<1x!tpu.dma_semaphore, #tpu.memory_space<semaphore_mem>>
    %dma_start3A_31 = tpu.memref_squeeze %dma_start3A_30 : memref<1x!tpu.dma_semaphore, #tpu.memory_space<semaphore_mem>> -> memref<!tpu.dma_semaphore, #tpu.memory_space<semaphore_mem>>
    tpu.enqueue_indirect_dma source(%dma_start3A_29 : memref<10240x16xf32, #tpu.memory_space<hbm>>) target(%dma_start3A_23 : memref<125x16xf32, #tpu.memory_space<vmem>>) offsets(%dma_start3A_26 : memref<125xi32, #tpu.memory_space<vmem>>) semaphore(%dma_start3A_31 : memref<!tpu.dma_semaphore, #tpu.memory_space<semaphore_mem>>)
    %dma_start3A_32 = arith.constant 2 : i32
    %dma_start3A_33 = arith.constant 2 : i32
    %dma_start3A_34 = arith.constant 2 : i32
    %dma_start3A_35 = arith.constant 0 : i32
    %dma_start3A_36 = arith.constant 0 : i32
    %dma_start3A_37 = tpu.memref_slice %arg9[%dma_start3A_33, %dma_start3A_35, %dma_start3A_36] : memref<10x125x16xf32, #tpu.memory_space<vmem>> -> memref<1x125x16xf32, #tpu.memory_space<vmem>>
    %dma_start3A_38 = tpu.memref_squeeze %dma_start3A_37 : memref<1x125x16xf32, #tpu.memory_space<vmem>> -> memref<125x16xf32, #tpu.memory_space<vmem>>
    %dma_start3A_39 = arith.constant 0 : i32
    %dma_start3A_40 = tpu.memref_slice %arg7[%dma_start3A_32, %dma_start3A_39] : memref<80x125xi32, #tpu.memory_space<vmem>> -> memref<1x125xi32, #tpu.memory_space<vmem>>
    %dma_start3A_41 = tpu.memref_squeeze %dma_start3A_40 : memref<1x125xi32, #tpu.memory_space<vmem>> -> memref<125xi32, #tpu.memory_space<vmem>>
    %dma_start3A_42 = arith.constant 0 : i32
    %dma_start3A_43 = arith.constant 0 : i32
    %dma_start3A_44 = tpu.memref_slice %arg2[%dma_start3A_42, %dma_start3A_43] : memref<10240x16xf32, #tpu.memory_space<hbm>> -> memref<10240x16xf32, #tpu.memory_space<hbm>>
    %dma_start3A_45 = tpu.memref_slice %arg10[%dma_start3A_34] : memref<10x!tpu.dma_semaphore, #tpu.memory_space<semaphore_mem>> -> memref<1x!tpu.dma_semaphore, #tpu.memory_space<semaphore_mem>>
    %dma_start3A_46 = tpu.memref_squeeze %dma_start3A_45 : memref<1x!tpu.dma_semaphore, #tpu.memory_space<semaphore_mem>> -> memref<!tpu.dma_semaphore, #tpu.memory_space<semaphore_mem>>
    tpu.enqueue_indirect_dma source(%dma_start3A_44 : memref<10240x16xf32, #tpu.memory_space<hbm>>) target(%dma_start3A_38 : memref<125x16xf32, #tpu.memory_space<vmem>>) offsets(%dma_start3A_41 : memref<125xi32, #tpu.memory_space<vmem>>) semaphore(%dma_start3A_46 : memref<!tpu.dma_semaphore, #tpu.memory_space<semaphore_mem>>)
    %dma_start3A_47 = arith.constant 3 : i32
    %dma_start3A_48 = arith.constant 3 : i32
    %dma_start3A_49 = arith.constant 3 : i32
    %dma_start3A_50 = arith.constant 0 : i32
    %dma_start3A_51 = arith.constant 0 : i32
    %dma_start3A_52 = tpu.memref_slice %arg9[%dma_start3A_48, %dma_start3A_50, %dma_start3A_51] : memref<10x125x16xf32, #tpu.memory_space<vmem>> -> memref<1x125x16xf32, #tpu.memory_space<vmem>>
    %dma_start3A_53 = tpu.memref_squeeze %dma_start3A_52 : memref<1x125x16xf32, #tpu.memory_space<vmem>> -> memref<125x16xf32, #tpu.memory_space<vmem>>
    %dma_start3A_54 = arith.constant 0 : i32
    %dma_start3A_55 = tpu.memref_slice %arg7[%dma_start3A_47, %dma_start3A_54] : memref<80x125xi32, #tpu.memory_space<vmem>> -> memref<1x125xi32, #tpu.memory_space<vmem>>
    %dma_start3A_56 = tpu.memref_squeeze %dma_start3A_55 : memref<1x125xi32, #tpu.memory_space<vmem>> -> memref<125xi32, #tpu.memory_space<vmem>>
    %dma_start3A_57 = arith.constant 0 : i32
    %dma_start3A_58 = arith.constant 0 : i32
    %dma_start3A_59 = tpu.memref_slice %arg2[%dma_start3A_57, %dma_start3A_58] : memref<10240x16xf32, #tpu.memory_space<hbm>> -> memref<10240x16xf32, #tpu.memory_space<hbm>>
    %dma_start3A_60 = tpu.memref_slice %arg10[%dma_start3A_49] : memref<10x!tpu.dma_semaphore, #tpu.memory_space<semaphore_mem>> -> memref<1x!tpu.dma_semaphore, #tpu.memory_space<semaphore_mem>>
    %dma_start3A_61 = tpu.memref_squeeze %dma_start3A_60 : memref<1x!tpu.dma_semaphore, #tpu.memory_space<semaphore_mem>> -> memref<!tpu.dma_semaphore, #tpu.memory_space<semaphore_mem>>
    tpu.enqueue_indirect_dma source(%dma_start3A_59 : memref<10240x16xf32, #tpu.memory_space<hbm>>) target(%dma_start3A_53 : memref<125x16xf32, #tpu.memory_space<vmem>>) offsets(%dma_start3A_56 : memref<125xi32, #tpu.memory_space<vmem>>) semaphore(%dma_start3A_61 : memref<!tpu.dma_semaphore, #tpu.memory_space<semaphore_mem>>)
    %dma_start3A_62 = arith.constant 4 : i32
    %dma_start3A_63 = arith.constant 4 : i32
    %dma_start3A_64 = arith.constant 4 : i32
    %dma_start3A_65 = arith.constant 0 : i32
    %dma_start3A_66 = arith.constant 0 : i32
    %dma_start3A_67 = tpu.memref_slice %arg9[%dma_start3A_63, %dma_start3A_65, %dma_start3A_66] : memref<10x125x16xf32, #tpu.memory_space<vmem>> -> memref<1x125x16xf32, #tpu.memory_space<vmem>>
    %dma_start3A_68 = tpu.memref_squeeze %dma_start3A_67 : memref<1x125x16xf32, #tpu.memory_space<vmem>> -> memref<125x16xf32, #tpu.memory_space<vmem>>
    %dma_start3A_69 = arith.constant 0 : i32
    %dma_start3A_70 = tpu.memref_slice %arg7[%dma_start3A_62, %dma_start3A_69] : memref<80x125xi32, #tpu.memory_space<vmem>> -> memref<1x125xi32, #tpu.memory_space<vmem>>
    %dma_start3A_71 = tpu.memref_squeeze %dma_start3A_70 : memref<1x125xi32, #tpu.memory_space<vmem>> -> memref<125xi32, #tpu.memory_space<vmem>>
    %dma_start3A_72 = arith.constant 0 : i32
    %dma_start3A_73 = arith.constant 0 : i32
    %dma_start3A_74 = tpu.memref_slice %arg2[%dma_start3A_72, %dma_start3A_73] : memref<10240x16xf32, #tpu.memory_space<hbm>> -> memref<10240x16xf32, #tpu.memory_space<hbm>>
    %dma_start3A_75 = tpu.memref_slice %arg10[%dma_start3A_64] : memref<10x!tpu.dma_semaphore, #tpu.memory_space<semaphore_mem>> -> memref<1x!tpu.dma_semaphore, #tpu.memory_space<semaphore_mem>>
    %dma_start3A_76 = tpu.memref_squeeze %dma_start3A_75 : memref<1x!tpu.dma_semaphore, #tpu.memory_space<semaphore_mem>> -> memref<!tpu.dma_semaphore, #tpu.memory_space<semaphore_mem>>
    tpu.enqueue_indirect_dma source(%dma_start3A_74 : memref<10240x16xf32, #tpu.memory_space<hbm>>) target(%dma_start3A_68 : memref<125x16xf32, #tpu.memory_space<vmem>>) offsets(%dma_start3A_71 : memref<125xi32, #tpu.memory_space<vmem>>) semaphore(%dma_start3A_76 : memref<!tpu.dma_semaphore, #tpu.memory_space<semaphore_mem>>)
    %scan3A = arith.constant 0 : i32
    %scan3A_77 = arith.constant 0 : i32
    %scan3A_78 = arith.constant 16 : i32
    %scan3A_79 = arith.addi %scan3A_77, %scan3A_78 : i32
    %scan3A_80 = arith.constant 1 : i32
    %scan3A_81 = scf.for %scan3A_233 = %scan3A_77 to %scan3A_79 step %scan3A_80 iter_args(%scan3A_234 = %scan3A) -> (i32)  : i32 {
      %rem3A = arith.constant 2 : i32
      %rem3A_235 = arith.remsi %scan3A_233, %rem3A : i32
      %mul3A_236 = arith.constant 5 : i32
      %mul3A_237 = arith.muli %rem3A_235, %mul3A_236 : i32
      %mul3A_238 = arith.constant 5 : i32
      %mul3A_239 = arith.muli %scan3A_233, %mul3A_238 : i32
      %add3A_240 = arith.constant 0 : i32
      %add3A_241 = arith.addi %mul3A_239, %add3A_240 : i32
      %add3A_242 = arith.constant 0 : i32
      %add3A_243 = arith.addi %mul3A_237, %add3A_242 : i32
      %dma_wait3A_244 = arith.constant 0 : i32
      %dma_wait3A_245 = arith.constant 0 : i32
      %dma_wait3A_246 = tpu.memref_slice %arg9[%add3A_243, %dma_wait3A_244, %dma_wait3A_245] : memref<10x125x16xf32, #tpu.memory_space<vmem>> -> memref<1x125x16xf32, #tpu.memory_space<vmem>>
      %dma_wait3A_247 = tpu.memref_squeeze %dma_wait3A_246 : memref<1x125x16xf32, #tpu.memory_space<vmem>> -> memref<125x16xf32, #tpu.memory_space<vmem>>
      %dma_wait3A_248 = arith.constant 0 : i32
      %dma_wait3A_249 = tpu.memref_slice %arg7[%add3A_241, %dma_wait3A_248] : memref<80x125xi32, #tpu.memory_space<vmem>> -> memref<1x125xi32, #tpu.memory_space<vmem>>
      %dma_wait3A_250 = tpu.memref_squeeze %dma_wait3A_249 : memref<1x125xi32, #tpu.memory_space<vmem>> -> memref<125xi32, #tpu.memory_space<vmem>>
      %dma_wait3A_251 = arith.constant 0 : i32
      %dma_wait3A_252 = arith.constant 0 : i32
      %dma_wait3A_253 = tpu.memref_slice %arg2[%dma_wait3A_251, %dma_wait3A_252] : memref<10240x16xf32, #tpu.memory_space<hbm>> -> memref<10240x16xf32, #tpu.memory_space<hbm>>
      %dma_wait3A_254 = tpu.memref_slice %arg10[%add3A_243] : memref<10x!tpu.dma_semaphore, #tpu.memory_space<semaphore_mem>> -> memref<1x!tpu.dma_semaphore, #tpu.memory_space<semaphore_mem>>
      %dma_wait3A_255 = tpu.memref_squeeze %dma_wait3A_254 : memref<1x!tpu.dma_semaphore, #tpu.memory_space<semaphore_mem>> -> memref<!tpu.dma_semaphore, #tpu.memory_space<semaphore_mem>>
      tpu.wait_indirect_dma semaphore(%dma_wait3A_255 : memref<!tpu.dma_semaphore, #tpu.memory_space<semaphore_mem>>) src(%dma_wait3A_253 : memref<10240x16xf32, #tpu.memory_space<hbm>>) dst(%dma_wait3A_247 : memref<125x16xf32, #tpu.memory_space<vmem>>)
      %add3A_256 = arith.constant 0 : i32
      %add3A_257 = arith.addi %mul3A_237, %add3A_256 : i32
      %add3A_258 = arith.constant 0 : i32
      %add3A_259 = arith.addi %mul3A_237, %add3A_258 : i32
      %dma_start3A_260 = arith.constant 0 : i32
      %dma_start3A_261 = arith.constant 0 : i32
      %dma_start3A_262 = tpu.memref_slice %arg9[%add3A_257, %dma_start3A_260, %dma_start3A_261] : memref<10x125x16xf32, #tpu.memory_space<vmem>> -> memref<1x125x16xf32, #tpu.memory_space<vmem>>
      %dma_start3A_263 = tpu.memref_squeeze %dma_start3A_262 : memref<1x125x16xf32, #tpu.memory_space<vmem>> -> memref<125x16xf32, #tpu.memory_space<vmem>>
      %dma_start3A_264 = arith.constant 0 : i32
      %dma_start3A_265 = tpu.memref_slice %arg8[%add3A_241, %dma_start3A_264] : memref<80x125xi32, #tpu.memory_space<vmem>> -> memref<1x125xi32, #tpu.memory_space<vmem>>
      %dma_start3A_266 = tpu.memref_squeeze %dma_start3A_265 : memref<1x125xi32, #tpu.memory_space<vmem>> -> memref<125xi32, #tpu.memory_space<vmem>>
      %dma_start3A_267 = arith.constant 0 : i32
      %dma_start3A_268 = arith.constant 0 : i32
      %dma_start3A_269 = tpu.memref_slice %arg6[%dma_start3A_267, %dma_start3A_268] : memref<10240x16xf32, #tpu.memory_space<vmem_shared>> -> memref<10240x16xf32, #tpu.memory_space<vmem_shared>>
      %dma_start3A_270 = tpu.memref_slice %arg11[%add3A_259] : memref<10x!tpu.dma_semaphore, #tpu.memory_space<semaphore_mem>> -> memref<1x!tpu.dma_semaphore, #tpu.memory_space<semaphore_mem>>
      %dma_start3A_271 = tpu.memref_squeeze %dma_start3A_270 : memref<1x!tpu.dma_semaphore, #tpu.memory_space<semaphore_mem>> -> memref<!tpu.dma_semaphore, #tpu.memory_space<semaphore_mem>>
      tpu.enqueue_indirect_dma source(%dma_start3A_263 : memref<125x16xf32, #tpu.memory_space<vmem>>) target(%dma_start3A_269 : memref<10240x16xf32, #tpu.memory_space<vmem_shared>>) offsets(%dma_start3A_266 : memref<125xi32, #tpu.memory_space<vmem>>) semaphore(%dma_start3A_271 : memref<!tpu.dma_semaphore, #tpu.memory_space<semaphore_mem>>) {add = true}
      %mul3A_272 = arith.constant 5 : i32
      %mul3A_273 = arith.muli %scan3A_233, %mul3A_272 : i32
      %add3A_274 = arith.constant 1 : i32
      %add3A_275 = arith.addi %mul3A_273, %add3A_274 : i32
      %add3A_276 = arith.constant 1 : i32
      %add3A_277 = arith.addi %mul3A_237, %add3A_276 : i32
      %dma_wait3A_278 = arith.constant 0 : i32
      %dma_wait3A_279 = arith.constant 0 : i32
      %dma_wait3A_280 = tpu.memref_slice %arg9[%add3A_277, %dma_wait3A_278, %dma_wait3A_279] : memref<10x125x16xf32, #tpu.memory_space<vmem>> -> memref<1x125x16xf32, #tpu.memory_space<vmem>>
      %dma_wait3A_281 = tpu.memref_squeeze %dma_wait3A_280 : memref<1x125x16xf32, #tpu.memory_space<vmem>> -> memref<125x16xf32, #tpu.memory_space<vmem>>
      %dma_wait3A_282 = arith.constant 0 : i32
      %dma_wait3A_283 = tpu.memref_slice %arg7[%add3A_275, %dma_wait3A_282] : memref<80x125xi32, #tpu.memory_space<vmem>> -> memref<1x125xi32, #tpu.memory_space<vmem>>
      %dma_wait3A_284 = tpu.memref_squeeze %dma_wait3A_283 : memref<1x125xi32, #tpu.memory_space<vmem>> -> memref<125xi32, #tpu.memory_space<vmem>>
      %dma_wait3A_285 = arith.constant 0 : i32
      %dma_wait3A_286 = arith.constant 0 : i32
      %dma_wait3A_287 = tpu.memref_slice %arg2[%dma_wait3A_285, %dma_wait3A_286] : memref<10240x16xf32, #tpu.memory_space<hbm>> -> memref<10240x16xf32, #tpu.memory_space<hbm>>
      %dma_wait3A_288 = tpu.memref_slice %arg10[%add3A_277] : memref<10x!tpu.dma_semaphore, #tpu.memory_space<semaphore_mem>> -> memref<1x!tpu.dma_semaphore, #tpu.memory_space<semaphore_mem>>
      %dma_wait3A_289 = tpu.memref_squeeze %dma_wait3A_288 : memref<1x!tpu.dma_semaphore, #tpu.memory_space<semaphore_mem>> -> memref<!tpu.dma_semaphore, #tpu.memory_space<semaphore_mem>>
      tpu.wait_indirect_dma semaphore(%dma_wait3A_289 : memref<!tpu.dma_semaphore, #tpu.memory_space<semaphore_mem>>) src(%dma_wait3A_287 : memref<10240x16xf32, #tpu.memory_space<hbm>>) dst(%dma_wait3A_281 : memref<125x16xf32, #tpu.memory_space<vmem>>)
      %add3A_290 = arith.constant 1 : i32
      %add3A_291 = arith.addi %mul3A_237, %add3A_290 : i32
      %add3A_292 = arith.constant 1 : i32
      %add3A_293 = arith.addi %mul3A_237, %add3A_292 : i32
      %dma_start3A_294 = arith.constant 0 : i32
      %dma_start3A_295 = arith.constant 0 : i32
      %dma_start3A_296 = tpu.memref_slice %arg9[%add3A_291, %dma_start3A_294, %dma_start3A_295] : memref<10x125x16xf32, #tpu.memory_space<vmem>> -> memref<1x125x16xf32, #tpu.memory_space<vmem>>
      %dma_start3A_297 = tpu.memref_squeeze %dma_start3A_296 : memref<1x125x16xf32, #tpu.memory_space<vmem>> -> memref<125x16xf32, #tpu.memory_space<vmem>>
      %dma_start3A_298 = arith.constant 0 : i32
      %dma_start3A_299 = tpu.memref_slice %arg8[%add3A_275, %dma_start3A_298] : memref<80x125xi32, #tpu.memory_space<vmem>> -> memref<1x125xi32, #tpu.memory_space<vmem>>
      %dma_start3A_300 = tpu.memref_squeeze %dma_start3A_299 : memref<1x125xi32, #tpu.memory_space<vmem>> -> memref<125xi32, #tpu.memory_space<vmem>>
      %dma_start3A_301 = arith.constant 0 : i32
      %dma_start3A_302 = arith.constant 0 : i32
      %dma_start3A_303 = tpu.memref_slice %arg6[%dma_start3A_301, %dma_start3A_302] : memref<10240x16xf32, #tpu.memory_space<vmem_shared>> -> memref<10240x16xf32, #tpu.memory_space<vmem_shared>>
      %dma_start3A_304 = tpu.memref_slice %arg11[%add3A_293] : memref<10x!tpu.dma_semaphore, #tpu.memory_space<semaphore_mem>> -> memref<1x!tpu.dma_semaphore, #tpu.memory_space<semaphore_mem>>
      %dma_start3A_305 = tpu.memref_squeeze %dma_start3A_304 : memref<1x!tpu.dma_semaphore, #tpu.memory_space<semaphore_mem>> -> memref<!tpu.dma_semaphore, #tpu.memory_space<semaphore_mem>>
      tpu.enqueue_indirect_dma source(%dma_start3A_297 : memref<125x16xf32, #tpu.memory_space<vmem>>) target(%dma_start3A_303 : memref<10240x16xf32, #tpu.memory_space<vmem_shared>>) offsets(%dma_start3A_300 : memref<125xi32, #tpu.memory_space<vmem>>) semaphore(%dma_start3A_305 : memref<!tpu.dma_semaphore, #tpu.memory_space<semaphore_mem>>) {add = true}
      %mul3A_306 = arith.constant 5 : i32
      %mul3A_307 = arith.muli %scan3A_233, %mul3A_306 : i32
      %add3A_308 = arith.constant 2 : i32
      %add3A_309 = arith.addi %mul3A_307, %add3A_308 : i32
      %add3A_310 = arith.constant 2 : i32
      %add3A_311 = arith.addi %mul3A_237, %add3A_310 : i32
      %dma_wait3A_312 = arith.constant 0 : i32
      %dma_wait3A_313 = arith.constant 0 : i32
      %dma_wait3A_314 = tpu.memref_slice %arg9[%add3A_311, %dma_wait3A_312, %dma_wait3A_313] : memref<10x125x16xf32, #tpu.memory_space<vmem>> -> memref<1x125x16xf32, #tpu.memory_space<vmem>>
      %dma_wait3A_315 = tpu.memref_squeeze %dma_wait3A_314 : memref<1x125x16xf32, #tpu.memory_space<vmem>> -> memref<125x16xf32, #tpu.memory_space<vmem>>
      %dma_wait3A_316 = arith.constant 0 : i32
      %dma_wait3A_317 = tpu.memref_slice %arg7[%add3A_309, %dma_wait3A_316] : memref<80x125xi32, #tpu.memory_space<vmem>> -> memref<1x125xi32, #tpu.memory_space<vmem>>
      %dma_wait3A_318 = tpu.memref_squeeze %dma_wait3A_317 : memref<1x125xi32, #tpu.memory_space<vmem>> -> memref<125xi32, #tpu.memory_space<vmem>>
      %dma_wait3A_319 = arith.constant 0 : i32
      %dma_wait3A_320 = arith.constant 0 : i32
      %dma_wait3A_321 = tpu.memref_slice %arg2[%dma_wait3A_319, %dma_wait3A_320] : memref<10240x16xf32, #tpu.memory_space<hbm>> -> memref<10240x16xf32, #tpu.memory_space<hbm>>
      %dma_wait3A_322 = tpu.memref_slice %arg10[%add3A_311] : memref<10x!tpu.dma_semaphore, #tpu.memory_space<semaphore_mem>> -> memref<1x!tpu.dma_semaphore, #tpu.memory_space<semaphore_mem>>
      %dma_wait3A_323 = tpu.memref_squeeze %dma_wait3A_322 : memref<1x!tpu.dma_semaphore, #tpu.memory_space<semaphore_mem>> -> memref<!tpu.dma_semaphore, #tpu.memory_space<semaphore_mem>>
      tpu.wait_indirect_dma semaphore(%dma_wait3A_323 : memref<!tpu.dma_semaphore, #tpu.memory_space<semaphore_mem>>) src(%dma_wait3A_321 : memref<10240x16xf32, #tpu.memory_space<hbm>>) dst(%dma_wait3A_315 : memref<125x16xf32, #tpu.memory_space<vmem>>)
      %add3A_324 = arith.constant 2 : i32
      %add3A_325 = arith.addi %mul3A_237, %add3A_324 : i32
      %add3A_326 = arith.constant 2 : i32
      %add3A_327 = arith.addi %mul3A_237, %add3A_326 : i32
      %dma_start3A_328 = arith.constant 0 : i32
      %dma_start3A_329 = arith.constant 0 : i32
      %dma_start3A_330 = tpu.memref_slice %arg9[%add3A_325, %dma_start3A_328, %dma_start3A_329] : memref<10x125x16xf32, #tpu.memory_space<vmem>> -> memref<1x125x16xf32, #tpu.memory_space<vmem>>
      %dma_start3A_331 = tpu.memref_squeeze %dma_start3A_330 : memref<1x125x16xf32, #tpu.memory_space<vmem>> -> memref<125x16xf32, #tpu.memory_space<vmem>>
      %dma_start3A_332 = arith.constant 0 : i32
      %dma_start3A_333 = tpu.memref_slice %arg8[%add3A_309, %dma_start3A_332] : memref<80x125xi32, #tpu.memory_space<vmem>> -> memref<1x125xi32, #tpu.memory_space<vmem>>
      %dma_start3A_334 = tpu.memref_squeeze %dma_start3A_333 : memref<1x125xi32, #tpu.memory_space<vmem>> -> memref<125xi32, #tpu.memory_space<vmem>>
      %dma_start3A_335 = arith.constant 0 : i32
      %dma_start3A_336 = arith.constant 0 : i32
      %dma_start3A_337 = tpu.memref_slice %arg6[%dma_start3A_335, %dma_start3A_336] : memref<10240x16xf32, #tpu.memory_space<vmem_shared>> -> memref<10240x16xf32, #tpu.memory_space<vmem_shared>>
      %dma_start3A_338 = tpu.memref_slice %arg11[%add3A_327] : memref<10x!tpu.dma_semaphore, #tpu.memory_space<semaphore_mem>> -> memref<1x!tpu.dma_semaphore, #tpu.memory_space<semaphore_mem>>
      %dma_start3A_339 = tpu.memref_squeeze %dma_start3A_338 : memref<1x!tpu.dma_semaphore, #tpu.memory_space<semaphore_mem>> -> memref<!tpu.dma_semaphore, #tpu.memory_space<semaphore_mem>>
      tpu.enqueue_indirect_dma source(%dma_start3A_331 : memref<125x16xf32, #tpu.memory_space<vmem>>) target(%dma_start3A_337 : memref<10240x16xf32, #tpu.memory_space<vmem_shared>>) offsets(%dma_start3A_334 : memref<125xi32, #tpu.memory_space<vmem>>) semaphore(%dma_start3A_339 : memref<!tpu.dma_semaphore, #tpu.memory_space<semaphore_mem>>) {add = true}
      %mul3A_340 = arith.constant 5 : i32
      %mul3A_341 = arith.muli %scan3A_233, %mul3A_340 : i32
      %add3A_342 = arith.constant 3 : i32
      %add3A_343 = arith.addi %mul3A_341, %add3A_342 : i32
      %add3A_344 = arith.constant 3 : i32
      %add3A_345 = arith.addi %mul3A_237, %add3A_344 : i32
      %dma_wait3A_346 = arith.constant 0 : i32
      %dma_wait3A_347 = arith.constant 0 : i32
      %dma_wait3A_348 = tpu.memref_slice %arg9[%add3A_345, %dma_wait3A_346, %dma_wait3A_347] : memref<10x125x16xf32, #tpu.memory_space<vmem>> -> memref<1x125x16xf32, #tpu.memory_space<vmem>>
      %dma_wait3A_349 = tpu.memref_squeeze %dma_wait3A_348 : memref<1x125x16xf32, #tpu.memory_space<vmem>> -> memref<125x16xf32, #tpu.memory_space<vmem>>
      %dma_wait3A_350 = arith.constant 0 : i32
      %dma_wait3A_351 = tpu.memref_slice %arg7[%add3A_343, %dma_wait3A_350] : memref<80x125xi32, #tpu.memory_space<vmem>> -> memref<1x125xi32, #tpu.memory_space<vmem>>
      %dma_wait3A_352 = tpu.memref_squeeze %dma_wait3A_351 : memref<1x125xi32, #tpu.memory_space<vmem>> -> memref<125xi32, #tpu.memory_space<vmem>>
      %dma_wait3A_353 = arith.constant 0 : i32
      %dma_wait3A_354 = arith.constant 0 : i32
      %dma_wait3A_355 = tpu.memref_slice %arg2[%dma_wait3A_353, %dma_wait3A_354] : memref<10240x16xf32, #tpu.memory_space<hbm>> -> memref<10240x16xf32, #tpu.memory_space<hbm>>
      %dma_wait3A_356 = tpu.memref_slice %arg10[%add3A_345] : memref<10x!tpu.dma_semaphore, #tpu.memory_space<semaphore_mem>> -> memref<1x!tpu.dma_semaphore, #tpu.memory_space<semaphore_mem>>
      %dma_wait3A_357 = tpu.memref_squeeze %dma_wait3A_356 : memref<1x!tpu.dma_semaphore, #tpu.memory_space<semaphore_mem>> -> memref<!tpu.dma_semaphore, #tpu.memory_space<semaphore_mem>>
      tpu.wait_indirect_dma semaphore(%dma_wait3A_357 : memref<!tpu.dma_semaphore, #tpu.memory_space<semaphore_mem>>) src(%dma_wait3A_355 : memref<10240x16xf32, #tpu.memory_space<hbm>>) dst(%dma_wait3A_349 : memref<125x16xf32, #tpu.memory_space<vmem>>)
      %add3A_358 = arith.constant 3 : i32
      %add3A_359 = arith.addi %mul3A_237, %add3A_358 : i32
      %add3A_360 = arith.constant 3 : i32
      %add3A_361 = arith.addi %mul3A_237, %add3A_360 : i32
      %dma_start3A_362 = arith.constant 0 : i32
      %dma_start3A_363 = arith.constant 0 : i32
      %dma_start3A_364 = tpu.memref_slice %arg9[%add3A_359, %dma_start3A_362, %dma_start3A_363] : memref<10x125x16xf32, #tpu.memory_space<vmem>> -> memref<1x125x16xf32, #tpu.memory_space<vmem>>
      %dma_start3A_365 = tpu.memref_squeeze %dma_start3A_364 : memref<1x125x16xf32, #tpu.memory_space<vmem>> -> memref<125x16xf32, #tpu.memory_space<vmem>>
      %dma_start3A_366 = arith.constant 0 : i32
      %dma_start3A_367 = tpu.memref_slice %arg8[%add3A_343, %dma_start3A_366] : memref<80x125xi32, #tpu.memory_space<vmem>> -> memref<1x125xi32, #tpu.memory_space<vmem>>
      %dma_start3A_368 = tpu.memref_squeeze %dma_start3A_367 : memref<1x125xi32, #tpu.memory_space<vmem>> -> memref<125xi32, #tpu.memory_space<vmem>>
      %dma_start3A_369 = arith.constant 0 : i32
      %dma_start3A_370 = arith.constant 0 : i32
      %dma_start3A_371 = tpu.memref_slice %arg6[%dma_start3A_369, %dma_start3A_370] : memref<10240x16xf32, #tpu.memory_space<vmem_shared>> -> memref<10240x16xf32, #tpu.memory_space<vmem_shared>>
      %dma_start3A_372 = tpu.memref_slice %arg11[%add3A_361] : memref<10x!tpu.dma_semaphore, #tpu.memory_space<semaphore_mem>> -> memref<1x!tpu.dma_semaphore, #tpu.memory_space<semaphore_mem>>
      %dma_start3A_373 = tpu.memref_squeeze %dma_start3A_372 : memref<1x!tpu.dma_semaphore, #tpu.memory_space<semaphore_mem>> -> memref<!tpu.dma_semaphore, #tpu.memory_space<semaphore_mem>>
      tpu.enqueue_indirect_dma source(%dma_start3A_365 : memref<125x16xf32, #tpu.memory_space<vmem>>) target(%dma_start3A_371 : memref<10240x16xf32, #tpu.memory_space<vmem_shared>>) offsets(%dma_start3A_368 : memref<125xi32, #tpu.memory_space<vmem>>) semaphore(%dma_start3A_373 : memref<!tpu.dma_semaphore, #tpu.memory_space<semaphore_mem>>) {add = true}
      %mul3A_374 = arith.constant 5 : i32
      %mul3A_375 = arith.muli %scan3A_233, %mul3A_374 : i32
      %add3A_376 = arith.constant 4 : i32
      %add3A_377 = arith.addi %mul3A_375, %add3A_376 : i32
      %add3A_378 = arith.constant 4 : i32
      %add3A_379 = arith.addi %mul3A_237, %add3A_378 : i32
      %dma_wait3A_380 = arith.constant 0 : i32
      %dma_wait3A_381 = arith.constant 0 : i32
      %dma_wait3A_382 = tpu.memref_slice %arg9[%add3A_379, %dma_wait3A_380, %dma_wait3A_381] : memref<10x125x16xf32, #tpu.memory_space<vmem>> -> memref<1x125x16xf32, #tpu.memory_space<vmem>>
      %dma_wait3A_383 = tpu.memref_squeeze %dma_wait3A_382 : memref<1x125x16xf32, #tpu.memory_space<vmem>> -> memref<125x16xf32, #tpu.memory_space<vmem>>
      %dma_wait3A_384 = arith.constant 0 : i32
      %dma_wait3A_385 = tpu.memref_slice %arg7[%add3A_377, %dma_wait3A_384] : memref<80x125xi32, #tpu.memory_space<vmem>> -> memref<1x125xi32, #tpu.memory_space<vmem>>
      %dma_wait3A_386 = tpu.memref_squeeze %dma_wait3A_385 : memref<1x125xi32, #tpu.memory_space<vmem>> -> memref<125xi32, #tpu.memory_space<vmem>>
      %dma_wait3A_387 = arith.constant 0 : i32
      %dma_wait3A_388 = arith.constant 0 : i32
      %dma_wait3A_389 = tpu.memref_slice %arg2[%dma_wait3A_387, %dma_wait3A_388] : memref<10240x16xf32, #tpu.memory_space<hbm>> -> memref<10240x16xf32, #tpu.memory_space<hbm>>
      %dma_wait3A_390 = tpu.memref_slice %arg10[%add3A_379] : memref<10x!tpu.dma_semaphore, #tpu.memory_space<semaphore_mem>> -> memref<1x!tpu.dma_semaphore, #tpu.memory_space<semaphore_mem>>
      %dma_wait3A_391 = tpu.memref_squeeze %dma_wait3A_390 : memref<1x!tpu.dma_semaphore, #tpu.memory_space<semaphore_mem>> -> memref<!tpu.dma_semaphore, #tpu.memory_space<semaphore_mem>>
      tpu.wait_indirect_dma semaphore(%dma_wait3A_391 : memref<!tpu.dma_semaphore, #tpu.memory_space<semaphore_mem>>) src(%dma_wait3A_389 : memref<10240x16xf32, #tpu.memory_space<hbm>>) dst(%dma_wait3A_383 : memref<125x16xf32, #tpu.memory_space<vmem>>)
      %add3A_392 = arith.constant 4 : i32
      %add3A_393 = arith.addi %mul3A_237, %add3A_392 : i32
      %add3A_394 = arith.constant 4 : i32
      %add3A_395 = arith.addi %mul3A_237, %add3A_394 : i32
      %dma_start3A_396 = arith.constant 0 : i32
      %dma_start3A_397 = arith.constant 0 : i32
      %dma_start3A_398 = tpu.memref_slice %arg9[%add3A_393, %dma_start3A_396, %dma_start3A_397] : memref<10x125x16xf32, #tpu.memory_space<vmem>> -> memref<1x125x16xf32, #tpu.memory_space<vmem>>
      %dma_start3A_399 = tpu.memref_squeeze %dma_start3A_398 : memref<1x125x16xf32, #tpu.memory_space<vmem>> -> memref<125x16xf32, #tpu.memory_space<vmem>>
      %dma_start3A_400 = arith.constant 0 : i32
      %dma_start3A_401 = tpu.memref_slice %arg8[%add3A_377, %dma_start3A_400] : memref<80x125xi32, #tpu.memory_space<vmem>> -> memref<1x125xi32, #tpu.memory_space<vmem>>
      %dma_start3A_402 = tpu.memref_squeeze %dma_start3A_401 : memref<1x125xi32, #tpu.memory_space<vmem>> -> memref<125xi32, #tpu.memory_space<vmem>>
      %dma_start3A_403 = arith.constant 0 : i32
      %dma_start3A_404 = arith.constant 0 : i32
      %dma_start3A_405 = tpu.memref_slice %arg6[%dma_start3A_403, %dma_start3A_404] : memref<10240x16xf32, #tpu.memory_space<vmem_shared>> -> memref<10240x16xf32, #tpu.memory_space<vmem_shared>>
      %dma_start3A_406 = tpu.memref_slice %arg11[%add3A_395] : memref<10x!tpu.dma_semaphore, #tpu.memory_space<semaphore_mem>> -> memref<1x!tpu.dma_semaphore, #tpu.memory_space<semaphore_mem>>
      %dma_start3A_407 = tpu.memref_squeeze %dma_start3A_406 : memref<1x!tpu.dma_semaphore, #tpu.memory_space<semaphore_mem>> -> memref<!tpu.dma_semaphore, #tpu.memory_space<semaphore_mem>>
      tpu.enqueue_indirect_dma source(%dma_start3A_399 : memref<125x16xf32, #tpu.memory_space<vmem>>) target(%dma_start3A_405 : memref<10240x16xf32, #tpu.memory_space<vmem_shared>>) offsets(%dma_start3A_402 : memref<125xi32, #tpu.memory_space<vmem>>) semaphore(%dma_start3A_407 : memref<!tpu.dma_semaphore, #tpu.memory_space<semaphore_mem>>) {add = true}
      %lt3A = arith.constant 15 : i32
      %lt3A_408 = arith.cmpi slt, %scan3A_233, %lt3A : i32
      %convert_element_type3A = arith.extui %lt3A_408 : i1 to i32
      %cond3A = arith.constant 0 : i32
      %cond3A_409 = arith.cmpi ne, %convert_element_type3A, %cond3A : i32
      scf.if %cond3A_409 {
        %add3A_411 = arith.constant 1 : i32
        %add3A_412 = arith.addi %scan3A_233, %add3A_411 : i32
        %rem3A_413 = arith.constant 2 : i32
        %rem3A_414 = arith.remsi %add3A_412, %rem3A_413 : i32
        %mul3A_415 = arith.constant 5 : i32
        %mul3A_416 = arith.muli %rem3A_414, %mul3A_415 : i32
        %add3A_417 = arith.constant 1 : i32
        %add3A_418 = arith.addi %scan3A_233, %add3A_417 : i32
        %mul3A_419 = arith.constant 5 : i32
        %mul3A_420 = arith.muli %add3A_418, %mul3A_419 : i32
        %add3A_421 = arith.constant 0 : i32
        %add3A_422 = arith.addi %mul3A_420, %add3A_421 : i32
        %ge3A = arith.constant 1 : i32
        %ge3A_423 = arith.cmpi sge, %scan3A_233, %ge3A : i32
        %convert_element_type3A_424 = arith.extui %ge3A_423 : i1 to i32
        %cond3A_425 = arith.constant 0 : i32
        %cond3A_426 = arith.cmpi ne, %convert_element_type3A_424, %cond3A_425 : i32
        scf.if %cond3A_426 {
          %sub3A = arith.constant 10 : i32
          %sub3A_541 = arith.subi %add3A_422, %sub3A : i32
          %add3A_542 = arith.constant 0 : i32
          %add3A_543 = arith.addi %mul3A_416, %add3A_542 : i32
          %dma_wait3A_544 = arith.constant 0 : i32
          %dma_wait3A_545 = arith.constant 0 : i32
          %dma_wait3A_546 = tpu.memref_slice %arg9[%add3A_543, %dma_wait3A_544, %dma_wait3A_545] : memref<10x125x16xf32, #tpu.memory_space<vmem>> -> memref<1x125x16xf32, #tpu.memory_space<vmem>>
          %dma_wait3A_547 = tpu.memref_squeeze %dma_wait3A_546 : memref<1x125x16xf32, #tpu.memory_space<vmem>> -> memref<125x16xf32, #tpu.memory_space<vmem>>
          %dma_wait3A_548 = arith.constant 0 : i32
          %dma_wait3A_549 = tpu.memref_slice %arg8[%sub3A_541, %dma_wait3A_548] : memref<80x125xi32, #tpu.memory_space<vmem>> -> memref<1x125xi32, #tpu.memory_space<vmem>>
          %dma_wait3A_550 = tpu.memref_squeeze %dma_wait3A_549 : memref<1x125xi32, #tpu.memory_space<vmem>> -> memref<125xi32, #tpu.memory_space<vmem>>
          %dma_wait3A_551 = arith.constant 0 : i32
          %dma_wait3A_552 = arith.constant 0 : i32
          %dma_wait3A_553 = tpu.memref_slice %arg6[%dma_wait3A_551, %dma_wait3A_552] : memref<10240x16xf32, #tpu.memory_space<vmem_shared>> -> memref<10240x16xf32, #tpu.memory_space<vmem_shared>>
          %dma_wait3A_554 = tpu.memref_slice %arg11[%add3A_543] : memref<10x!tpu.dma_semaphore, #tpu.memory_space<semaphore_mem>> -> memref<1x!tpu.dma_semaphore, #tpu.memory_space<semaphore_mem>>
          %dma_wait3A_555 = tpu.memref_squeeze %dma_wait3A_554 : memref<1x!tpu.dma_semaphore, #tpu.memory_space<semaphore_mem>> -> memref<!tpu.dma_semaphore, #tpu.memory_space<semaphore_mem>>
          tpu.wait_indirect_dma semaphore(%dma_wait3A_555 : memref<!tpu.dma_semaphore, #tpu.memory_space<semaphore_mem>>) src(%dma_wait3A_547 : memref<125x16xf32, #tpu.memory_space<vmem>>) dst(%dma_wait3A_553 : memref<10240x16xf32, #tpu.memory_space<vmem_shared>>)
        } else {
        }
        %add3A_427 = arith.constant 0 : i32
        %add3A_428 = arith.addi %mul3A_416, %add3A_427 : i32
        %dma_start3A_429 = arith.constant 0 : i32
        %dma_start3A_430 = arith.constant 0 : i32
        %dma_start3A_431 = tpu.memref_slice %arg9[%add3A_428, %dma_start3A_429, %dma_start3A_430] : memref<10x125x16xf32, #tpu.memory_space<vmem>> -> memref<1x125x16xf32, #tpu.memory_space<vmem>>
        %dma_start3A_432 = tpu.memref_squeeze %dma_start3A_431 : memref<1x125x16xf32, #tpu.memory_space<vmem>> -> memref<125x16xf32, #tpu.memory_space<vmem>>
        %dma_start3A_433 = arith.constant 0 : i32
        %dma_start3A_434 = tpu.memref_slice %arg7[%add3A_422, %dma_start3A_433] : memref<80x125xi32, #tpu.memory_space<vmem>> -> memref<1x125xi32, #tpu.memory_space<vmem>>
        %dma_start3A_435 = tpu.memref_squeeze %dma_start3A_434 : memref<1x125xi32, #tpu.memory_space<vmem>> -> memref<125xi32, #tpu.memory_space<vmem>>
        %dma_start3A_436 = arith.constant 0 : i32
        %dma_start3A_437 = arith.constant 0 : i32
        %dma_start3A_438 = tpu.memref_slice %arg2[%dma_start3A_436, %dma_start3A_437] : memref<10240x16xf32, #tpu.memory_space<hbm>> -> memref<10240x16xf32, #tpu.memory_space<hbm>>
        %dma_start3A_439 = tpu.memref_slice %arg10[%add3A_428] : memref<10x!tpu.dma_semaphore, #tpu.memory_space<semaphore_mem>> -> memref<1x!tpu.dma_semaphore, #tpu.memory_space<semaphore_mem>>
        %dma_start3A_440 = tpu.memref_squeeze %dma_start3A_439 : memref<1x!tpu.dma_semaphore, #tpu.memory_space<semaphore_mem>> -> memref<!tpu.dma_semaphore, #tpu.memory_space<semaphore_mem>>
        tpu.enqueue_indirect_dma source(%dma_start3A_438 : memref<10240x16xf32, #tpu.memory_space<hbm>>) target(%dma_start3A_432 : memref<125x16xf32, #tpu.memory_space<vmem>>) offsets(%dma_start3A_435 : memref<125xi32, #tpu.memory_space<vmem>>) semaphore(%dma_start3A_440 : memref<!tpu.dma_semaphore, #tpu.memory_space<semaphore_mem>>)
        %add3A_441 = arith.constant 1 : i32
        %add3A_442 = arith.addi %scan3A_233, %add3A_441 : i32
        %mul3A_443 = arith.constant 5 : i32
        %mul3A_444 = arith.muli %add3A_442, %mul3A_443 : i32
        %add3A_445 = arith.constant 1 : i32
        %add3A_446 = arith.addi %mul3A_444, %add3A_445 : i32
        %ge3A_447 = arith.constant 1 : i32
        %ge3A_448 = arith.cmpi sge, %scan3A_233, %ge3A_447 : i32
        %convert_element_type3A_449 = arith.extui %ge3A_448 : i1 to i32
        %cond3A_450 = arith.constant 0 : i32
        %cond3A_451 = arith.cmpi ne, %convert_element_type3A_449, %cond3A_450 : i32
        scf.if %cond3A_451 {
          %sub3A = arith.constant 10 : i32
          %sub3A_541 = arith.subi %add3A_446, %sub3A : i32
          %add3A_542 = arith.constant 1 : i32
          %add3A_543 = arith.addi %mul3A_416, %add3A_542 : i32
          %dma_wait3A_544 = arith.constant 0 : i32
          %dma_wait3A_545 = arith.constant 0 : i32
          %dma_wait3A_546 = tpu.memref_slice %arg9[%add3A_543, %dma_wait3A_544, %dma_wait3A_545] : memref<10x125x16xf32, #tpu.memory_space<vmem>> -> memref<1x125x16xf32, #tpu.memory_space<vmem>>
          %dma_wait3A_547 = tpu.memref_squeeze %dma_wait3A_546 : memref<1x125x16xf32, #tpu.memory_space<vmem>> -> memref<125x16xf32, #tpu.memory_space<vmem>>
          %dma_wait3A_548 = arith.constant 0 : i32
          %dma_wait3A_549 = tpu.memref_slice %arg8[%sub3A_541, %dma_wait3A_548] : memref<80x125xi32, #tpu.memory_space<vmem>> -> memref<1x125xi32, #tpu.memory_space<vmem>>
          %dma_wait3A_550 = tpu.memref_squeeze %dma_wait3A_549 : memref<1x125xi32, #tpu.memory_space<vmem>> -> memref<125xi32, #tpu.memory_space<vmem>>
          %dma_wait3A_551 = arith.constant 0 : i32
          %dma_wait3A_552 = arith.constant 0 : i32
          %dma_wait3A_553 = tpu.memref_slice %arg6[%dma_wait3A_551, %dma_wait3A_552] : memref<10240x16xf32, #tpu.memory_space<vmem_shared>> -> memref<10240x16xf32, #tpu.memory_space<vmem_shared>>
          %dma_wait3A_554 = tpu.memref_slice %arg11[%add3A_543] : memref<10x!tpu.dma_semaphore, #tpu.memory_space<semaphore_mem>> -> memref<1x!tpu.dma_semaphore, #tpu.memory_space<semaphore_mem>>
          %dma_wait3A_555 = tpu.memref_squeeze %dma_wait3A_554 : memref<1x!tpu.dma_semaphore, #tpu.memory_space<semaphore_mem>> -> memref<!tpu.dma_semaphore, #tpu.memory_space<semaphore_mem>>
          tpu.wait_indirect_dma semaphore(%dma_wait3A_555 : memref<!tpu.dma_semaphore, #tpu.memory_space<semaphore_mem>>) src(%dma_wait3A_547 : memref<125x16xf32, #tpu.memory_space<vmem>>) dst(%dma_wait3A_553 : memref<10240x16xf32, #tpu.memory_space<vmem_shared>>)
        } else {
        }
        %add3A_452 = arith.constant 1 : i32
        %add3A_453 = arith.addi %mul3A_416, %add3A_452 : i32
        %dma_start3A_454 = arith.constant 0 : i32
        %dma_start3A_455 = arith.constant 0 : i32
        %dma_start3A_456 = tpu.memref_slice %arg9[%add3A_453, %dma_start3A_454, %dma_start3A_455] : memref<10x125x16xf32, #tpu.memory_space<vmem>> -> memref<1x125x16xf32, #tpu.memory_space<vmem>>
        %dma_start3A_457 = tpu.memref_squeeze %dma_start3A_456 : memref<1x125x16xf32, #tpu.memory_space<vmem>> -> memref<125x16xf32, #tpu.memory_space<vmem>>
        %dma_start3A_458 = arith.constant 0 : i32
        %dma_start3A_459 = tpu.memref_slice %arg7[%add3A_446, %dma_start3A_458] : memref<80x125xi32, #tpu.memory_space<vmem>> -> memref<1x125xi32, #tpu.memory_space<vmem>>
        %dma_start3A_460 = tpu.memref_squeeze %dma_start3A_459 : memref<1x125xi32, #tpu.memory_space<vmem>> -> memref<125xi32, #tpu.memory_space<vmem>>
        %dma_start3A_461 = arith.constant 0 : i32
        %dma_start3A_462 = arith.constant 0 : i32
        %dma_start3A_463 = tpu.memref_slice %arg2[%dma_start3A_461, %dma_start3A_462] : memref<10240x16xf32, #tpu.memory_space<hbm>> -> memref<10240x16xf32, #tpu.memory_space<hbm>>
        %dma_start3A_464 = tpu.memref_slice %arg10[%add3A_453] : memref<10x!tpu.dma_semaphore, #tpu.memory_space<semaphore_mem>> -> memref<1x!tpu.dma_semaphore, #tpu.memory_space<semaphore_mem>>
        %dma_start3A_465 = tpu.memref_squeeze %dma_start3A_464 : memref<1x!tpu.dma_semaphore, #tpu.memory_space<semaphore_mem>> -> memref<!tpu.dma_semaphore, #tpu.memory_space<semaphore_mem>>
        tpu.enqueue_indirect_dma source(%dma_start3A_463 : memref<10240x16xf32, #tpu.memory_space<hbm>>) target(%dma_start3A_457 : memref<125x16xf32, #tpu.memory_space<vmem>>) offsets(%dma_start3A_460 : memref<125xi32, #tpu.memory_space<vmem>>) semaphore(%dma_start3A_465 : memref<!tpu.dma_semaphore, #tpu.memory_space<semaphore_mem>>)
        %add3A_466 = arith.constant 1 : i32
        %add3A_467 = arith.addi %scan3A_233, %add3A_466 : i32
        %mul3A_468 = arith.constant 5 : i32
        %mul3A_469 = arith.muli %add3A_467, %mul3A_468 : i32
        %add3A_470 = arith.constant 2 : i32
        %add3A_471 = arith.addi %mul3A_469, %add3A_470 : i32
        %ge3A_472 = arith.constant 1 : i32
        %ge3A_473 = arith.cmpi sge, %scan3A_233, %ge3A_472 : i32
        %convert_element_type3A_474 = arith.extui %ge3A_473 : i1 to i32
        %cond3A_475 = arith.constant 0 : i32
        %cond3A_476 = arith.cmpi ne, %convert_element_type3A_474, %cond3A_475 : i32
        scf.if %cond3A_476 {
          %sub3A = arith.constant 10 : i32
          %sub3A_541 = arith.subi %add3A_471, %sub3A : i32
          %add3A_542 = arith.constant 2 : i32
          %add3A_543 = arith.addi %mul3A_416, %add3A_542 : i32
          %dma_wait3A_544 = arith.constant 0 : i32
          %dma_wait3A_545 = arith.constant 0 : i32
          %dma_wait3A_546 = tpu.memref_slice %arg9[%add3A_543, %dma_wait3A_544, %dma_wait3A_545] : memref<10x125x16xf32, #tpu.memory_space<vmem>> -> memref<1x125x16xf32, #tpu.memory_space<vmem>>
          %dma_wait3A_547 = tpu.memref_squeeze %dma_wait3A_546 : memref<1x125x16xf32, #tpu.memory_space<vmem>> -> memref<125x16xf32, #tpu.memory_space<vmem>>
          %dma_wait3A_548 = arith.constant 0 : i32
          %dma_wait3A_549 = tpu.memref_slice %arg8[%sub3A_541, %dma_wait3A_548] : memref<80x125xi32, #tpu.memory_space<vmem>> -> memref<1x125xi32, #tpu.memory_space<vmem>>
          %dma_wait3A_550 = tpu.memref_squeeze %dma_wait3A_549 : memref<1x125xi32, #tpu.memory_space<vmem>> -> memref<125xi32, #tpu.memory_space<vmem>>
          %dma_wait3A_551 = arith.constant 0 : i32
          %dma_wait3A_552 = arith.constant 0 : i32
          %dma_wait3A_553 = tpu.memref_slice %arg6[%dma_wait3A_551, %dma_wait3A_552] : memref<10240x16xf32, #tpu.memory_space<vmem_shared>> -> memref<10240x16xf32, #tpu.memory_space<vmem_shared>>
          %dma_wait3A_554 = tpu.memref_slice %arg11[%add3A_543] : memref<10x!tpu.dma_semaphore, #tpu.memory_space<semaphore_mem>> -> memref<1x!tpu.dma_semaphore, #tpu.memory_space<semaphore_mem>>
          %dma_wait3A_555 = tpu.memref_squeeze %dma_wait3A_554 : memref<1x!tpu.dma_semaphore, #tpu.memory_space<semaphore_mem>> -> memref<!tpu.dma_semaphore, #tpu.memory_space<semaphore_mem>>
          tpu.wait_indirect_dma semaphore(%dma_wait3A_555 : memref<!tpu.dma_semaphore, #tpu.memory_space<semaphore_mem>>) src(%dma_wait3A_547 : memref<125x16xf32, #tpu.memory_space<vmem>>) dst(%dma_wait3A_553 : memref<10240x16xf32, #tpu.memory_space<vmem_shared>>)
        } else {
        }
        %add3A_477 = arith.constant 2 : i32
        %add3A_478 = arith.addi %mul3A_416, %add3A_477 : i32
        %dma_start3A_479 = arith.constant 0 : i32
        %dma_start3A_480 = arith.constant 0 : i32
        %dma_start3A_481 = tpu.memref_slice %arg9[%add3A_478, %dma_start3A_479, %dma_start3A_480] : memref<10x125x16xf32, #tpu.memory_space<vmem>> -> memref<1x125x16xf32, #tpu.memory_space<vmem>>
        %dma_start3A_482 = tpu.memref_squeeze %dma_start3A_481 : memref<1x125x16xf32, #tpu.memory_space<vmem>> -> memref<125x16xf32, #tpu.memory_space<vmem>>
        %dma_start3A_483 = arith.constant 0 : i32
        %dma_start3A_484 = tpu.memref_slice %arg7[%add3A_471, %dma_start3A_483] : memref<80x125xi32, #tpu.memory_space<vmem>> -> memref<1x125xi32, #tpu.memory_space<vmem>>
        %dma_start3A_485 = tpu.memref_squeeze %dma_start3A_484 : memref<1x125xi32, #tpu.memory_space<vmem>> -> memref<125xi32, #tpu.memory_space<vmem>>
        %dma_start3A_486 = arith.constant 0 : i32
        %dma_start3A_487 = arith.constant 0 : i32
        %dma_start3A_488 = tpu.memref_slice %arg2[%dma_start3A_486, %dma_start3A_487] : memref<10240x16xf32, #tpu.memory_space<hbm>> -> memref<10240x16xf32, #tpu.memory_space<hbm>>
        %dma_start3A_489 = tpu.memref_slice %arg10[%add3A_478] : memref<10x!tpu.dma_semaphore, #tpu.memory_space<semaphore_mem>> -> memref<1x!tpu.dma_semaphore, #tpu.memory_space<semaphore_mem>>
        %dma_start3A_490 = tpu.memref_squeeze %dma_start3A_489 : memref<1x!tpu.dma_semaphore, #tpu.memory_space<semaphore_mem>> -> memref<!tpu.dma_semaphore, #tpu.memory_space<semaphore_mem>>
        tpu.enqueue_indirect_dma source(%dma_start3A_488 : memref<10240x16xf32, #tpu.memory_space<hbm>>) target(%dma_start3A_482 : memref<125x16xf32, #tpu.memory_space<vmem>>) offsets(%dma_start3A_485 : memref<125xi32, #tpu.memory_space<vmem>>) semaphore(%dma_start3A_490 : memref<!tpu.dma_semaphore, #tpu.memory_space<semaphore_mem>>)
        %add3A_491 = arith.constant 1 : i32
        %add3A_492 = arith.addi %scan3A_233, %add3A_491 : i32
        %mul3A_493 = arith.constant 5 : i32
        %mul3A_494 = arith.muli %add3A_492, %mul3A_493 : i32
        %add3A_495 = arith.constant 3 : i32
        %add3A_496 = arith.addi %mul3A_494, %add3A_495 : i32
        %ge3A_497 = arith.constant 1 : i32
        %ge3A_498 = arith.cmpi sge, %scan3A_233, %ge3A_497 : i32
        %convert_element_type3A_499 = arith.extui %ge3A_498 : i1 to i32
        %cond3A_500 = arith.constant 0 : i32
        %cond3A_501 = arith.cmpi ne, %convert_element_type3A_499, %cond3A_500 : i32
        scf.if %cond3A_501 {
          %sub3A = arith.constant 10 : i32
          %sub3A_541 = arith.subi %add3A_496, %sub3A : i32
          %add3A_542 = arith.constant 3 : i32
          %add3A_543 = arith.addi %mul3A_416, %add3A_542 : i32
          %dma_wait3A_544 = arith.constant 0 : i32
          %dma_wait3A_545 = arith.constant 0 : i32
          %dma_wait3A_546 = tpu.memref_slice %arg9[%add3A_543, %dma_wait3A_544, %dma_wait3A_545] : memref<10x125x16xf32, #tpu.memory_space<vmem>> -> memref<1x125x16xf32, #tpu.memory_space<vmem>>
          %dma_wait3A_547 = tpu.memref_squeeze %dma_wait3A_546 : memref<1x125x16xf32, #tpu.memory_space<vmem>> -> memref<125x16xf32, #tpu.memory_space<vmem>>
          %dma_wait3A_548 = arith.constant 0 : i32
          %dma_wait3A_549 = tpu.memref_slice %arg8[%sub3A_541, %dma_wait3A_548] : memref<80x125xi32, #tpu.memory_space<vmem>> -> memref<1x125xi32, #tpu.memory_space<vmem>>
          %dma_wait3A_550 = tpu.memref_squeeze %dma_wait3A_549 : memref<1x125xi32, #tpu.memory_space<vmem>> -> memref<125xi32, #tpu.memory_space<vmem>>
          %dma_wait3A_551 = arith.constant 0 : i32
          %dma_wait3A_552 = arith.constant 0 : i32
          %dma_wait3A_553 = tpu.memref_slice %arg6[%dma_wait3A_551, %dma_wait3A_552] : memref<10240x16xf32, #tpu.memory_space<vmem_shared>> -> memref<10240x16xf32, #tpu.memory_space<vmem_shared>>
          %dma_wait3A_554 = tpu.memref_slice %arg11[%add3A_543] : memref<10x!tpu.dma_semaphore, #tpu.memory_space<semaphore_mem>> -> memref<1x!tpu.dma_semaphore, #tpu.memory_space<semaphore_mem>>
          %dma_wait3A_555 = tpu.memref_squeeze %dma_wait3A_554 : memref<1x!tpu.dma_semaphore, #tpu.memory_space<semaphore_mem>> -> memref<!tpu.dma_semaphore, #tpu.memory_space<semaphore_mem>>
          tpu.wait_indirect_dma semaphore(%dma_wait3A_555 : memref<!tpu.dma_semaphore, #tpu.memory_space<semaphore_mem>>) src(%dma_wait3A_547 : memref<125x16xf32, #tpu.memory_space<vmem>>) dst(%dma_wait3A_553 : memref<10240x16xf32, #tpu.memory_space<vmem_shared>>)
        } else {
        }
        %add3A_502 = arith.constant 3 : i32
        %add3A_503 = arith.addi %mul3A_416, %add3A_502 : i32
        %dma_start3A_504 = arith.constant 0 : i32
        %dma_start3A_505 = arith.constant 0 : i32
        %dma_start3A_506 = tpu.memref_slice %arg9[%add3A_503, %dma_start3A_504, %dma_start3A_505] : memref<10x125x16xf32, #tpu.memory_space<vmem>> -> memref<1x125x16xf32, #tpu.memory_space<vmem>>
        %dma_start3A_507 = tpu.memref_squeeze %dma_start3A_506 : memref<1x125x16xf32, #tpu.memory_space<vmem>> -> memref<125x16xf32, #tpu.memory_space<vmem>>
        %dma_start3A_508 = arith.constant 0 : i32
        %dma_start3A_509 = tpu.memref_slice %arg7[%add3A_496, %dma_start3A_508] : memref<80x125xi32, #tpu.memory_space<vmem>> -> memref<1x125xi32, #tpu.memory_space<vmem>>
        %dma_start3A_510 = tpu.memref_squeeze %dma_start3A_509 : memref<1x125xi32, #tpu.memory_space<vmem>> -> memref<125xi32, #tpu.memory_space<vmem>>
        %dma_start3A_511 = arith.constant 0 : i32
        %dma_start3A_512 = arith.constant 0 : i32
        %dma_start3A_513 = tpu.memref_slice %arg2[%dma_start3A_511, %dma_start3A_512] : memref<10240x16xf32, #tpu.memory_space<hbm>> -> memref<10240x16xf32, #tpu.memory_space<hbm>>
        %dma_start3A_514 = tpu.memref_slice %arg10[%add3A_503] : memref<10x!tpu.dma_semaphore, #tpu.memory_space<semaphore_mem>> -> memref<1x!tpu.dma_semaphore, #tpu.memory_space<semaphore_mem>>
        %dma_start3A_515 = tpu.memref_squeeze %dma_start3A_514 : memref<1x!tpu.dma_semaphore, #tpu.memory_space<semaphore_mem>> -> memref<!tpu.dma_semaphore, #tpu.memory_space<semaphore_mem>>
        tpu.enqueue_indirect_dma source(%dma_start3A_513 : memref<10240x16xf32, #tpu.memory_space<hbm>>) target(%dma_start3A_507 : memref<125x16xf32, #tpu.memory_space<vmem>>) offsets(%dma_start3A_510 : memref<125xi32, #tpu.memory_space<vmem>>) semaphore(%dma_start3A_515 : memref<!tpu.dma_semaphore, #tpu.memory_space<semaphore_mem>>)
        %add3A_516 = arith.constant 1 : i32
        %add3A_517 = arith.addi %scan3A_233, %add3A_516 : i32
        %mul3A_518 = arith.constant 5 : i32
        %mul3A_519 = arith.muli %add3A_517, %mul3A_518 : i32
        %add3A_520 = arith.constant 4 : i32
        %add3A_521 = arith.addi %mul3A_519, %add3A_520 : i32
        %ge3A_522 = arith.constant 1 : i32
        %ge3A_523 = arith.cmpi sge, %scan3A_233, %ge3A_522 : i32
        %convert_element_type3A_524 = arith.extui %ge3A_523 : i1 to i32
        %cond3A_525 = arith.constant 0 : i32
        %cond3A_526 = arith.cmpi ne, %convert_element_type3A_524, %cond3A_525 : i32
        scf.if %cond3A_526 {
          %sub3A = arith.constant 10 : i32
          %sub3A_541 = arith.subi %add3A_521, %sub3A : i32
          %add3A_542 = arith.constant 4 : i32
          %add3A_543 = arith.addi %mul3A_416, %add3A_542 : i32
          %dma_wait3A_544 = arith.constant 0 : i32
          %dma_wait3A_545 = arith.constant 0 : i32
          %dma_wait3A_546 = tpu.memref_slice %arg9[%add3A_543, %dma_wait3A_544, %dma_wait3A_545] : memref<10x125x16xf32, #tpu.memory_space<vmem>> -> memref<1x125x16xf32, #tpu.memory_space<vmem>>
          %dma_wait3A_547 = tpu.memref_squeeze %dma_wait3A_546 : memref<1x125x16xf32, #tpu.memory_space<vmem>> -> memref<125x16xf32, #tpu.memory_space<vmem>>
          %dma_wait3A_548 = arith.constant 0 : i32
          %dma_wait3A_549 = tpu.memref_slice %arg8[%sub3A_541, %dma_wait3A_548] : memref<80x125xi32, #tpu.memory_space<vmem>> -> memref<1x125xi32, #tpu.memory_space<vmem>>
          %dma_wait3A_550 = tpu.memref_squeeze %dma_wait3A_549 : memref<1x125xi32, #tpu.memory_space<vmem>> -> memref<125xi32, #tpu.memory_space<vmem>>
          %dma_wait3A_551 = arith.constant 0 : i32
          %dma_wait3A_552 = arith.constant 0 : i32
          %dma_wait3A_553 = tpu.memref_slice %arg6[%dma_wait3A_551, %dma_wait3A_552] : memref<10240x16xf32, #tpu.memory_space<vmem_shared>> -> memref<10240x16xf32, #tpu.memory_space<vmem_shared>>
          %dma_wait3A_554 = tpu.memref_slice %arg11[%add3A_543] : memref<10x!tpu.dma_semaphore, #tpu.memory_space<semaphore_mem>> -> memref<1x!tpu.dma_semaphore, #tpu.memory_space<semaphore_mem>>
          %dma_wait3A_555 = tpu.memref_squeeze %dma_wait3A_554 : memref<1x!tpu.dma_semaphore, #tpu.memory_space<semaphore_mem>> -> memref<!tpu.dma_semaphore, #tpu.memory_space<semaphore_mem>>
          tpu.wait_indirect_dma semaphore(%dma_wait3A_555 : memref<!tpu.dma_semaphore, #tpu.memory_space<semaphore_mem>>) src(%dma_wait3A_547 : memref<125x16xf32, #tpu.memory_space<vmem>>) dst(%dma_wait3A_553 : memref<10240x16xf32, #tpu.memory_space<vmem_shared>>)
        } else {
        }
        %add3A_527 = arith.constant 4 : i32
        %add3A_528 = arith.addi %mul3A_416, %add3A_527 : i32
        %dma_start3A_529 = arith.constant 0 : i32
        %dma_start3A_530 = arith.constant 0 : i32
        %dma_start3A_531 = tpu.memref_slice %arg9[%add3A_528, %dma_start3A_529, %dma_start3A_530] : memref<10x125x16xf32, #tpu.memory_space<vmem>> -> memref<1x125x16xf32, #tpu.memory_space<vmem>>
        %dma_start3A_532 = tpu.memref_squeeze %dma_start3A_531 : memref<1x125x16xf32, #tpu.memory_space<vmem>> -> memref<125x16xf32, #tpu.memory_space<vmem>>
        %dma_start3A_533 = arith.constant 0 : i32
        %dma_start3A_534 = tpu.memref_slice %arg7[%add3A_521, %dma_start3A_533] : memref<80x125xi32, #tpu.memory_space<vmem>> -> memref<1x125xi32, #tpu.memory_space<vmem>>
        %dma_start3A_535 = tpu.memref_squeeze %dma_start3A_534 : memref<1x125xi32, #tpu.memory_space<vmem>> -> memref<125xi32, #tpu.memory_space<vmem>>
        %dma_start3A_536 = arith.constant 0 : i32
        %dma_start3A_537 = arith.constant 0 : i32
        %dma_start3A_538 = tpu.memref_slice %arg2[%dma_start3A_536, %dma_start3A_537] : memref<10240x16xf32, #tpu.memory_space<hbm>> -> memref<10240x16xf32, #tpu.memory_space<hbm>>
        %dma_start3A_539 = tpu.memref_slice %arg10[%add3A_528] : memref<10x!tpu.dma_semaphore, #tpu.memory_space<semaphore_mem>> -> memref<1x!tpu.dma_semaphore, #tpu.memory_space<semaphore_mem>>
        %dma_start3A_540 = tpu.memref_squeeze %dma_start3A_539 : memref<1x!tpu.dma_semaphore, #tpu.memory_space<semaphore_mem>> -> memref<!tpu.dma_semaphore, #tpu.memory_space<semaphore_mem>>
        tpu.enqueue_indirect_dma source(%dma_start3A_538 : memref<10240x16xf32, #tpu.memory_space<hbm>>) target(%dma_start3A_532 : memref<125x16xf32, #tpu.memory_space<vmem>>) offsets(%dma_start3A_535 : memref<125xi32, #tpu.memory_space<vmem>>) semaphore(%dma_start3A_540 : memref<!tpu.dma_semaphore, #tpu.memory_space<semaphore_mem>>)
      } else {
      }
      %scan3A_410 = arith.constant 0 : i32
      scf.yield %scan3A_410 : i32
    }
    %scan3A_82 = arith.constant 16 : i32
    %dma_wait3A = arith.constant 0 : i32
    %dma_wait3A_83 = arith.constant 70 : i32
    %dma_wait3A_84 = arith.constant 0 : i32
    %dma_wait3A_85 = arith.constant 0 : i32
    %dma_wait3A_86 = arith.constant 0 : i32
    %dma_wait3A_87 = tpu.memref_slice %arg9[%dma_wait3A, %dma_wait3A_85, %dma_wait3A_86] : memref<10x125x16xf32, #tpu.memory_space<vmem>> -> memref<1x125x16xf32, #tpu.memory_space<vmem>>
    %dma_wait3A_88 = tpu.memref_squeeze %dma_wait3A_87 : memref<1x125x16xf32, #tpu.memory_space<vmem>> -> memref<125x16xf32, #tpu.memory_space<vmem>>
    %dma_wait3A_89 = arith.constant 0 : i32
    %dma_wait3A_90 = tpu.memref_slice %arg8[%dma_wait3A_83, %dma_wait3A_89] : memref<80x125xi32, #tpu.memory_space<vmem>> -> memref<1x125xi32, #tpu.memory_space<vmem>>
    %dma_wait3A_91 = tpu.memref_squeeze %dma_wait3A_90 : memref<1x125xi32, #tpu.memory_space<vmem>> -> memref<125xi32, #tpu.memory_space<vmem>>
    %dma_wait3A_92 = arith.constant 0 : i32
    %dma_wait3A_93 = arith.constant 0 : i32
    %dma_wait3A_94 = tpu.memref_slice %arg6[%dma_wait3A_92, %dma_wait3A_93] : memref<10240x16xf32, #tpu.memory_space<vmem_shared>> -> memref<10240x16xf32, #tpu.memory_space<vmem_shared>>
    %dma_wait3A_95 = tpu.memref_slice %arg11[%dma_wait3A_84] : memref<10x!tpu.dma_semaphore, #tpu.memory_space<semaphore_mem>> -> memref<1x!tpu.dma_semaphore, #tpu.memory_space<semaphore_mem>>
    %dma_wait3A_96 = tpu.memref_squeeze %dma_wait3A_95 : memref<1x!tpu.dma_semaphore, #tpu.memory_space<semaphore_mem>> -> memref<!tpu.dma_semaphore, #tpu.memory_space<semaphore_mem>>
    tpu.wait_indirect_dma semaphore(%dma_wait3A_96 : memref<!tpu.dma_semaphore, #tpu.memory_space<semaphore_mem>>) src(%dma_wait3A_88 : memref<125x16xf32, #tpu.memory_space<vmem>>) dst(%dma_wait3A_94 : memref<10240x16xf32, #tpu.memory_space<vmem_shared>>)
    %dma_wait3A_97 = arith.constant 5 : i32
    %dma_wait3A_98 = arith.constant 75 : i32
    %dma_wait3A_99 = arith.constant 5 : i32
    %dma_wait3A_100 = arith.constant 0 : i32
    %dma_wait3A_101 = arith.constant 0 : i32
    %dma_wait3A_102 = tpu.memref_slice %arg9[%dma_wait3A_97, %dma_wait3A_100, %dma_wait3A_101] : memref<10x125x16xf32, #tpu.memory_space<vmem>> -> memref<1x125x16xf32, #tpu.memory_space<vmem>>
    %dma_wait3A_103 = tpu.memref_squeeze %dma_wait3A_102 : memref<1x125x16xf32, #tpu.memory_space<vmem>> -> memref<125x16xf32, #tpu.memory_space<vmem>>
    %dma_wait3A_104 = arith.constant 0 : i32
    %dma_wait3A_105 = tpu.memref_slice %arg8[%dma_wait3A_98, %dma_wait3A_104] : memref<80x125xi32, #tpu.memory_space<vmem>> -> memref<1x125xi32, #tpu.memory_space<vmem>>
    %dma_wait3A_106 = tpu.memref_squeeze %dma_wait3A_105 : memref<1x125xi32, #tpu.memory_space<vmem>> -> memref<125xi32, #tpu.memory_space<vmem>>
    %dma_wait3A_107 = arith.constant 0 : i32
    %dma_wait3A_108 = arith.constant 0 : i32
    %dma_wait3A_109 = tpu.memref_slice %arg6[%dma_wait3A_107, %dma_wait3A_108] : memref<10240x16xf32, #tpu.memory_space<vmem_shared>> -> memref<10240x16xf32, #tpu.memory_space<vmem_shared>>
    %dma_wait3A_110 = tpu.memref_slice %arg11[%dma_wait3A_99] : memref<10x!tpu.dma_semaphore, #tpu.memory_space<semaphore_mem>> -> memref<1x!tpu.dma_semaphore, #tpu.memory_space<semaphore_mem>>
    %dma_wait3A_111 = tpu.memref_squeeze %dma_wait3A_110 : memref<1x!tpu.dma_semaphore, #tpu.memory_space<semaphore_mem>> -> memref<!tpu.dma_semaphore, #tpu.memory_space<semaphore_mem>>
    tpu.wait_indirect_dma semaphore(%dma_wait3A_111 : memref<!tpu.dma_semaphore, #tpu.memory_space<semaphore_mem>>) src(%dma_wait3A_103 : memref<125x16xf32, #tpu.memory_space<vmem>>) dst(%dma_wait3A_109 : memref<10240x16xf32, #tpu.memory_space<vmem_shared>>)
    %dma_wait3A_112 = arith.constant 1 : i32
    %dma_wait3A_113 = arith.constant 71 : i32
    %dma_wait3A_114 = arith.constant 1 : i32
    %dma_wait3A_115 = arith.constant 0 : i32
    %dma_wait3A_116 = arith.constant 0 : i32
    %dma_wait3A_117 = tpu.memref_slice %arg9[%dma_wait3A_112, %dma_wait3A_115, %dma_wait3A_116] : memref<10x125x16xf32, #tpu.memory_space<vmem>> -> memref<1x125x16xf32, #tpu.memory_space<vmem>>
    %dma_wait3A_118 = tpu.memref_squeeze %dma_wait3A_117 : memref<1x125x16xf32, #tpu.memory_space<vmem>> -> memref<125x16xf32, #tpu.memory_space<vmem>>
    %dma_wait3A_119 = arith.constant 0 : i32
    %dma_wait3A_120 = tpu.memref_slice %arg8[%dma_wait3A_113, %dma_wait3A_119] : memref<80x125xi32, #tpu.memory_space<vmem>> -> memref<1x125xi32, #tpu.memory_space<vmem>>
    %dma_wait3A_121 = tpu.memref_squeeze %dma_wait3A_120 : memref<1x125xi32, #tpu.memory_space<vmem>> -> memref<125xi32, #tpu.memory_space<vmem>>
    %dma_wait3A_122 = arith.constant 0 : i32
    %dma_wait3A_123 = arith.constant 0 : i32
    %dma_wait3A_124 = tpu.memref_slice %arg6[%dma_wait3A_122, %dma_wait3A_123] : memref<10240x16xf32, #tpu.memory_space<vmem_shared>> -> memref<10240x16xf32, #tpu.memory_space<vmem_shared>>
    %dma_wait3A_125 = tpu.memref_slice %arg11[%dma_wait3A_114] : memref<10x!tpu.dma_semaphore, #tpu.memory_space<semaphore_mem>> -> memref<1x!tpu.dma_semaphore, #tpu.memory_space<semaphore_mem>>
    %dma_wait3A_126 = tpu.memref_squeeze %dma_wait3A_125 : memref<1x!tpu.dma_semaphore, #tpu.memory_space<semaphore_mem>> -> memref<!tpu.dma_semaphore, #tpu.memory_space<semaphore_mem>>
    tpu.wait_indirect_dma semaphore(%dma_wait3A_126 : memref<!tpu.dma_semaphore, #tpu.memory_space<semaphore_mem>>) src(%dma_wait3A_118 : memref<125x16xf32, #tpu.memory_space<vmem>>) dst(%dma_wait3A_124 : memref<10240x16xf32, #tpu.memory_space<vmem_shared>>)
    %dma_wait3A_127 = arith.constant 6 : i32
    %dma_wait3A_128 = arith.constant 76 : i32
    %dma_wait3A_129 = arith.constant 6 : i32
    %dma_wait3A_130 = arith.constant 0 : i32
    %dma_wait3A_131 = arith.constant 0 : i32
    %dma_wait3A_132 = tpu.memref_slice %arg9[%dma_wait3A_127, %dma_wait3A_130, %dma_wait3A_131] : memref<10x125x16xf32, #tpu.memory_space<vmem>> -> memref<1x125x16xf32, #tpu.memory_space<vmem>>
    %dma_wait3A_133 = tpu.memref_squeeze %dma_wait3A_132 : memref<1x125x16xf32, #tpu.memory_space<vmem>> -> memref<125x16xf32, #tpu.memory_space<vmem>>
    %dma_wait3A_134 = arith.constant 0 : i32
    %dma_wait3A_135 = tpu.memref_slice %arg8[%dma_wait3A_128, %dma_wait3A_134] : memref<80x125xi32, #tpu.memory_space<vmem>> -> memref<1x125xi32, #tpu.memory_space<vmem>>
    %dma_wait3A_136 = tpu.memref_squeeze %dma_wait3A_135 : memref<1x125xi32, #tpu.memory_space<vmem>> -> memref<125xi32, #tpu.memory_space<vmem>>
    %dma_wait3A_137 = arith.constant 0 : i32
    %dma_wait3A_138 = arith.constant 0 : i32
    %dma_wait3A_139 = tpu.memref_slice %arg6[%dma_wait3A_137, %dma_wait3A_138] : memref<10240x16xf32, #tpu.memory_space<vmem_shared>> -> memref<10240x16xf32, #tpu.memory_space<vmem_shared>>
    %dma_wait3A_140 = tpu.memref_slice %arg11[%dma_wait3A_129] : memref<10x!tpu.dma_semaphore, #tpu.memory_space<semaphore_mem>> -> memref<1x!tpu.dma_semaphore, #tpu.memory_space<semaphore_mem>>
    %dma_wait3A_141 = tpu.memref_squeeze %dma_wait3A_140 : memref<1x!tpu.dma_semaphore, #tpu.memory_space<semaphore_mem>> -> memref<!tpu.dma_semaphore, #tpu.memory_space<semaphore_mem>>
    tpu.wait_indirect_dma semaphore(%dma_wait3A_141 : memref<!tpu.dma_semaphore, #tpu.memory_space<semaphore_mem>>) src(%dma_wait3A_133 : memref<125x16xf32, #tpu.memory_space<vmem>>) dst(%dma_wait3A_139 : memref<10240x16xf32, #tpu.memory_space<vmem_shared>>)
    %dma_wait3A_142 = arith.constant 2 : i32
    %dma_wait3A_143 = arith.constant 72 : i32
    %dma_wait3A_144 = arith.constant 2 : i32
    %dma_wait3A_145 = arith.constant 0 : i32
    %dma_wait3A_146 = arith.constant 0 : i32
    %dma_wait3A_147 = tpu.memref_slice %arg9[%dma_wait3A_142, %dma_wait3A_145, %dma_wait3A_146] : memref<10x125x16xf32, #tpu.memory_space<vmem>> -> memref<1x125x16xf32, #tpu.memory_space<vmem>>
    %dma_wait3A_148 = tpu.memref_squeeze %dma_wait3A_147 : memref<1x125x16xf32, #tpu.memory_space<vmem>> -> memref<125x16xf32, #tpu.memory_space<vmem>>
    %dma_wait3A_149 = arith.constant 0 : i32
    %dma_wait3A_150 = tpu.memref_slice %arg8[%dma_wait3A_143, %dma_wait3A_149] : memref<80x125xi32, #tpu.memory_space<vmem>> -> memref<1x125xi32, #tpu.memory_space<vmem>>
    %dma_wait3A_151 = tpu.memref_squeeze %dma_wait3A_150 : memref<1x125xi32, #tpu.memory_space<vmem>> -> memref<125xi32, #tpu.memory_space<vmem>>
    %dma_wait3A_152 = arith.constant 0 : i32
    %dma_wait3A_153 = arith.constant 0 : i32
    %dma_wait3A_154 = tpu.memref_slice %arg6[%dma_wait3A_152, %dma_wait3A_153] : memref<10240x16xf32, #tpu.memory_space<vmem_shared>> -> memref<10240x16xf32, #tpu.memory_space<vmem_shared>>
    %dma_wait3A_155 = tpu.memref_slice %arg11[%dma_wait3A_144] : memref<10x!tpu.dma_semaphore, #tpu.memory_space<semaphore_mem>> -> memref<1x!tpu.dma_semaphore, #tpu.memory_space<semaphore_mem>>
    %dma_wait3A_156 = tpu.memref_squeeze %dma_wait3A_155 : memref<1x!tpu.dma_semaphore, #tpu.memory_space<semaphore_mem>> -> memref<!tpu.dma_semaphore, #tpu.memory_space<semaphore_mem>>
    tpu.wait_indirect_dma semaphore(%dma_wait3A_156 : memref<!tpu.dma_semaphore, #tpu.memory_space<semaphore_mem>>) src(%dma_wait3A_148 : memref<125x16xf32, #tpu.memory_space<vmem>>) dst(%dma_wait3A_154 : memref<10240x16xf32, #tpu.memory_space<vmem_shared>>)
    %dma_wait3A_157 = arith.constant 7 : i32
    %dma_wait3A_158 = arith.constant 77 : i32
    %dma_wait3A_159 = arith.constant 7 : i32
    %dma_wait3A_160 = arith.constant 0 : i32
    %dma_wait3A_161 = arith.constant 0 : i32
    %dma_wait3A_162 = tpu.memref_slice %arg9[%dma_wait3A_157, %dma_wait3A_160, %dma_wait3A_161] : memref<10x125x16xf32, #tpu.memory_space<vmem>> -> memref<1x125x16xf32, #tpu.memory_space<vmem>>
    %dma_wait3A_163 = tpu.memref_squeeze %dma_wait3A_162 : memref<1x125x16xf32, #tpu.memory_space<vmem>> -> memref<125x16xf32, #tpu.memory_space<vmem>>
    %dma_wait3A_164 = arith.constant 0 : i32
    %dma_wait3A_165 = tpu.memref_slice %arg8[%dma_wait3A_158, %dma_wait3A_164] : memref<80x125xi32, #tpu.memory_space<vmem>> -> memref<1x125xi32, #tpu.memory_space<vmem>>
    %dma_wait3A_166 = tpu.memref_squeeze %dma_wait3A_165 : memref<1x125xi32, #tpu.memory_space<vmem>> -> memref<125xi32, #tpu.memory_space<vmem>>
    %dma_wait3A_167 = arith.constant 0 : i32
    %dma_wait3A_168 = arith.constant 0 : i32
    %dma_wait3A_169 = tpu.memref_slice %arg6[%dma_wait3A_167, %dma_wait3A_168] : memref<10240x16xf32, #tpu.memory_space<vmem_shared>> -> memref<10240x16xf32, #tpu.memory_space<vmem_shared>>
    %dma_wait3A_170 = tpu.memref_slice %arg11[%dma_wait3A_159] : memref<10x!tpu.dma_semaphore, #tpu.memory_space<semaphore_mem>> -> memref<1x!tpu.dma_semaphore, #tpu.memory_space<semaphore_mem>>
    %dma_wait3A_171 = tpu.memref_squeeze %dma_wait3A_170 : memref<1x!tpu.dma_semaphore, #tpu.memory_space<semaphore_mem>> -> memref<!tpu.dma_semaphore, #tpu.memory_space<semaphore_mem>>
    tpu.wait_indirect_dma semaphore(%dma_wait3A_171 : memref<!tpu.dma_semaphore, #tpu.memory_space<semaphore_mem>>) src(%dma_wait3A_163 : memref<125x16xf32, #tpu.memory_space<vmem>>) dst(%dma_wait3A_169 : memref<10240x16xf32, #tpu.memory_space<vmem_shared>>)
    %dma_wait3A_172 = arith.constant 3 : i32
    %dma_wait3A_173 = arith.constant 73 : i32
    %dma_wait3A_174 = arith.constant 3 : i32
    %dma_wait3A_175 = arith.constant 0 : i32
    %dma_wait3A_176 = arith.constant 0 : i32
    %dma_wait3A_177 = tpu.memref_slice %arg9[%dma_wait3A_172, %dma_wait3A_175, %dma_wait3A_176] : memref<10x125x16xf32, #tpu.memory_space<vmem>> -> memref<1x125x16xf32, #tpu.memory_space<vmem>>
    %dma_wait3A_178 = tpu.memref_squeeze %dma_wait3A_177 : memref<1x125x16xf32, #tpu.memory_space<vmem>> -> memref<125x16xf32, #tpu.memory_space<vmem>>
    %dma_wait3A_179 = arith.constant 0 : i32
    %dma_wait3A_180 = tpu.memref_slice %arg8[%dma_wait3A_173, %dma_wait3A_179] : memref<80x125xi32, #tpu.memory_space<vmem>> -> memref<1x125xi32, #tpu.memory_space<vmem>>
    %dma_wait3A_181 = tpu.memref_squeeze %dma_wait3A_180 : memref<1x125xi32, #tpu.memory_space<vmem>> -> memref<125xi32, #tpu.memory_space<vmem>>
    %dma_wait3A_182 = arith.constant 0 : i32
    %dma_wait3A_183 = arith.constant 0 : i32
    %dma_wait3A_184 = tpu.memref_slice %arg6[%dma_wait3A_182, %dma_wait3A_183] : memref<10240x16xf32, #tpu.memory_space<vmem_shared>> -> memref<10240x16xf32, #tpu.memory_space<vmem_shared>>
    %dma_wait3A_185 = tpu.memref_slice %arg11[%dma_wait3A_174] : memref<10x!tpu.dma_semaphore, #tpu.memory_space<semaphore_mem>> -> memref<1x!tpu.dma_semaphore, #tpu.memory_space<semaphore_mem>>
    %dma_wait3A_186 = tpu.memref_squeeze %dma_wait3A_185 : memref<1x!tpu.dma_semaphore, #tpu.memory_space<semaphore_mem>> -> memref<!tpu.dma_semaphore, #tpu.memory_space<semaphore_mem>>
    tpu.wait_indirect_dma semaphore(%dma_wait3A_186 : memref<!tpu.dma_semaphore, #tpu.memory_space<semaphore_mem>>) src(%dma_wait3A_178 : memref<125x16xf32, #tpu.memory_space<vmem>>) dst(%dma_wait3A_184 : memref<10240x16xf32, #tpu.memory_space<vmem_shared>>)
    %dma_wait3A_187 = arith.constant 8 : i32
    %dma_wait3A_188 = arith.constant 78 : i32
    %dma_wait3A_189 = arith.constant 8 : i32
    %dma_wait3A_190 = arith.constant 0 : i32
    %dma_wait3A_191 = arith.constant 0 : i32
    %dma_wait3A_192 = tpu.memref_slice %arg9[%dma_wait3A_187, %dma_wait3A_190, %dma_wait3A_191] : memref<10x125x16xf32, #tpu.memory_space<vmem>> -> memref<1x125x16xf32, #tpu.memory_space<vmem>>
    %dma_wait3A_193 = tpu.memref_squeeze %dma_wait3A_192 : memref<1x125x16xf32, #tpu.memory_space<vmem>> -> memref<125x16xf32, #tpu.memory_space<vmem>>
    %dma_wait3A_194 = arith.constant 0 : i32
    %dma_wait3A_195 = tpu.memref_slice %arg8[%dma_wait3A_188, %dma_wait3A_194] : memref<80x125xi32, #tpu.memory_space<vmem>> -> memref<1x125xi32, #tpu.memory_space<vmem>>
    %dma_wait3A_196 = tpu.memref_squeeze %dma_wait3A_195 : memref<1x125xi32, #tpu.memory_space<vmem>> -> memref<125xi32, #tpu.memory_space<vmem>>
    %dma_wait3A_197 = arith.constant 0 : i32
    %dma_wait3A_198 = arith.constant 0 : i32
    %dma_wait3A_199 = tpu.memref_slice %arg6[%dma_wait3A_197, %dma_wait3A_198] : memref<10240x16xf32, #tpu.memory_space<vmem_shared>> -> memref<10240x16xf32, #tpu.memory_space<vmem_shared>>
    %dma_wait3A_200 = tpu.memref_slice %arg11[%dma_wait3A_189] : memref<10x!tpu.dma_semaphore, #tpu.memory_space<semaphore_mem>> -> memref<1x!tpu.dma_semaphore, #tpu.memory_space<semaphore_mem>>
    %dma_wait3A_201 = tpu.memref_squeeze %dma_wait3A_200 : memref<1x!tpu.dma_semaphore, #tpu.memory_space<semaphore_mem>> -> memref<!tpu.dma_semaphore, #tpu.memory_space<semaphore_mem>>
    tpu.wait_indirect_dma semaphore(%dma_wait3A_201 : memref<!tpu.dma_semaphore, #tpu.memory_space<semaphore_mem>>) src(%dma_wait3A_193 : memref<125x16xf32, #tpu.memory_space<vmem>>) dst(%dma_wait3A_199 : memref<10240x16xf32, #tpu.memory_space<vmem_shared>>)
    %dma_wait3A_202 = arith.constant 4 : i32
    %dma_wait3A_203 = arith.constant 74 : i32
    %dma_wait3A_204 = arith.constant 4 : i32
    %dma_wait3A_205 = arith.constant 0 : i32
    %dma_wait3A_206 = arith.constant 0 : i32
    %dma_wait3A_207 = tpu.memref_slice %arg9[%dma_wait3A_202, %dma_wait3A_205, %dma_wait3A_206] : memref<10x125x16xf32, #tpu.memory_space<vmem>> -> memref<1x125x16xf32, #tpu.memory_space<vmem>>
    %dma_wait3A_208 = tpu.memref_squeeze %dma_wait3A_207 : memref<1x125x16xf32, #tpu.memory_space<vmem>> -> memref<125x16xf32, #tpu.memory_space<vmem>>
    %dma_wait3A_209 = arith.constant 0 : i32
    %dma_wait3A_210 = tpu.memref_slice %arg8[%dma_wait3A_203, %dma_wait3A_209] : memref<80x125xi32, #tpu.memory_space<vmem>> -> memref<1x125xi32, #tpu.memory_space<vmem>>
    %dma_wait3A_211 = tpu.memref_squeeze %dma_wait3A_210 : memref<1x125xi32, #tpu.memory_space<vmem>> -> memref<125xi32, #tpu.memory_space<vmem>>
    %dma_wait3A_212 = arith.constant 0 : i32
    %dma_wait3A_213 = arith.constant 0 : i32
    %dma_wait3A_214 = tpu.memref_slice %arg6[%dma_wait3A_212, %dma_wait3A_213] : memref<10240x16xf32, #tpu.memory_space<vmem_shared>> -> memref<10240x16xf32, #tpu.memory_space<vmem_shared>>
    %dma_wait3A_215 = tpu.memref_slice %arg11[%dma_wait3A_204] : memref<10x!tpu.dma_semaphore, #tpu.memory_space<semaphore_mem>> -> memref<1x!tpu.dma_semaphore, #tpu.memory_space<semaphore_mem>>
    %dma_wait3A_216 = tpu.memref_squeeze %dma_wait3A_215 : memref<1x!tpu.dma_semaphore, #tpu.memory_space<semaphore_mem>> -> memref<!tpu.dma_semaphore, #tpu.memory_space<semaphore_mem>>
    tpu.wait_indirect_dma semaphore(%dma_wait3A_216 : memref<!tpu.dma_semaphore, #tpu.memory_space<semaphore_mem>>) src(%dma_wait3A_208 : memref<125x16xf32, #tpu.memory_space<vmem>>) dst(%dma_wait3A_214 : memref<10240x16xf32, #tpu.memory_space<vmem_shared>>)
    %dma_wait3A_217 = arith.constant 9 : i32
    %dma_wait3A_218 = arith.constant 79 : i32
    %dma_wait3A_219 = arith.constant 9 : i32
    %dma_wait3A_220 = arith.constant 0 : i32
    %dma_wait3A_221 = arith.constant 0 : i32
    %dma_wait3A_222 = tpu.memref_slice %arg9[%dma_wait3A_217, %dma_wait3A_220, %dma_wait3A_221] : memref<10x125x16xf32, #tpu.memory_space<vmem>> -> memref<1x125x16xf32, #tpu.memory_space<vmem>>
    %dma_wait3A_223 = tpu.memref_squeeze %dma_wait3A_222 : memref<1x125x16xf32, #tpu.memory_space<vmem>> -> memref<125x16xf32, #tpu.memory_space<vmem>>
    %dma_wait3A_224 = arith.constant 0 : i32
    %dma_wait3A_225 = tpu.memref_slice %arg8[%dma_wait3A_218, %dma_wait3A_224] : memref<80x125xi32, #tpu.memory_space<vmem>> -> memref<1x125xi32, #tpu.memory_space<vmem>>
    %dma_wait3A_226 = tpu.memref_squeeze %dma_wait3A_225 : memref<1x125xi32, #tpu.memory_space<vmem>> -> memref<125xi32, #tpu.memory_space<vmem>>
    %dma_wait3A_227 = arith.constant 0 : i32
    %dma_wait3A_228 = arith.constant 0 : i32
    %dma_wait3A_229 = tpu.memref_slice %arg6[%dma_wait3A_227, %dma_wait3A_228] : memref<10240x16xf32, #tpu.memory_space<vmem_shared>> -> memref<10240x16xf32, #tpu.memory_space<vmem_shared>>
    %dma_wait3A_230 = tpu.memref_slice %arg11[%dma_wait3A_219] : memref<10x!tpu.dma_semaphore, #tpu.memory_space<semaphore_mem>> -> memref<1x!tpu.dma_semaphore, #tpu.memory_space<semaphore_mem>>
    %dma_wait3A_231 = tpu.memref_squeeze %dma_wait3A_230 : memref<1x!tpu.dma_semaphore, #tpu.memory_space<semaphore_mem>> -> memref<!tpu.dma_semaphore, #tpu.memory_space<semaphore_mem>>
    tpu.wait_indirect_dma semaphore(%dma_wait3A_231 : memref<!tpu.dma_semaphore, #tpu.memory_space<semaphore_mem>>) src(%dma_wait3A_223 : memref<125x16xf32, #tpu.memory_space<vmem>>) dst(%dma_wait3A_229 : memref<10240x16xf32, #tpu.memory_space<vmem_shared>>)
    %barrier3A_232 = arith.constant 0 : index
    tpu.barrier barrier_id(%barrier3A_232)
    "tpu.region"() ({
      %run_scoped3A = tpu.sem_alloc : memref<!tpu.dma_semaphore, #tpu.memory_space<semaphore_mem>>
      %dma_start3A_233 = arith.constant 0 : i32
      %dma_start3A_234 = tpu.memref_slice %arg5[%arg0, %mul3A_2, %dma_start3A_233] : memref<2x10240x16xf32, #tpu.memory_space<hbm>> -> memref<1x640x16xf32, #tpu.memory_space<hbm>>
      %dma_start3A_235 = tpu.memref_squeeze %dma_start3A_234 : memref<1x640x16xf32, #tpu.memory_space<hbm>> -> memref<640x16xf32, #tpu.memory_space<hbm>>
      %dma_start3A_236 = arith.constant 0 : i32
      %dma_start3A_237 = tpu.memref_slice %arg6[%mul3A_2, %dma_start3A_236] : memref<10240x16xf32, #tpu.memory_space<vmem_shared>> -> memref<640x16xf32, #tpu.memory_space<vmem_shared>>
      tpu.enqueue_dma source(%dma_start3A_237 : memref<640x16xf32, #tpu.memory_space<vmem_shared>>) target(%dma_start3A_235 : memref<640x16xf32, #tpu.memory_space<hbm>>) target_semaphore(%run_scoped3A : memref<!tpu.dma_semaphore, #tpu.memory_space<semaphore_mem>>)
      %dma_wait3A_238 = arith.constant 0 : i32
      %dma_wait3A_239 = tpu.memref_slice %arg5[%arg0, %mul3A_2, %dma_wait3A_238] : memref<2x10240x16xf32, #tpu.memory_space<hbm>> -> memref<1x640x16xf32, #tpu.memory_space<hbm>>
      %dma_wait3A_240 = tpu.memref_squeeze %dma_wait3A_239 : memref<1x640x16xf32, #tpu.memory_space<hbm>> -> memref<640x16xf32, #tpu.memory_space<hbm>>
      %dma_wait3A_241 = arith.constant 0 : i32
      %dma_wait3A_242 = tpu.memref_slice %arg6[%mul3A_2, %dma_wait3A_241] : memref<10240x16xf32, #tpu.memory_space<vmem_shared>> -> memref<640x16xf32, #tpu.memory_space<vmem_shared>>
      tpu.wait_dma2 semaphore(%run_scoped3A : memref<!tpu.dma_semaphore, #tpu.memory_space<semaphore_mem>>) src(%dma_wait3A_242 : memref<640x16xf32, #tpu.memory_space<vmem_shared>>) dst(%dma_wait3A_240 : memref<640x16xf32, #tpu.memory_space<hbm>>)
      tpu.yield
    }) : () -> ()
    return
  }
}

#map = affine_map<(d0, d1) -> (0, 0)>
#map1 = affine_map<(d0, d1) -> (0, 0, 0, 0)>
#map2 = affine_map<(d0, d1) -> (0, 0, 0)>
module attributes {stable_mosaic.version = 14 : i64} {
  func.func @_agg_body(%arg0: i32, %arg1: i32, %arg2: memref<10240x128xf32, #tpu.memory_space<hbm>>, %arg3: memref<32x10x8x125xi32, #tpu.memory_space<hbm>>, %arg4: memref<32x10x8x125xi32, #tpu.memory_space<hbm>>, %arg5: memref<2x10240x128xf32, #tpu.memory_space<hbm>>, %arg6: memref<10240x128xf32, #tpu.memory_space<vmem_shared>>, %arg7: memref<2x8x125xi32, #tpu.memory_space<vmem>>, %arg8: memref<2x8x125xi32, #tpu.memory_space<vmem>>, %arg9: memref<2x125x128xf32, #tpu.memory_space<vmem>>, %arg10: memref<2x!tpu.dma_semaphore, #tpu.memory_space<semaphore_mem>>, %arg11: memref<!tpu.dma_semaphore, #tpu.memory_space<semaphore_mem>>) attributes {dimension_semantics = [#tpu.dimension_semantics<core_parallel>, #tpu.dimension_semantics<subcore_parallel>], iteration_bounds = array<i64: 2, 16>, scalar_prefetch = 0 : i64, scratch_operands = 6 : i64, tpu.core_type = #tpu.core_type<sc_vector_subcore>, window_params = [{transform_indices = #map}, {transform_indices = #map1}, {transform_indices = #map1}, {transform_indices = #map2}]} {
    %mul3A = arith.constant 16 : i32
    %mul3A_0 = arith.muli %arg0, %mul3A : i32
    %add3A = arith.addi %mul3A_0, %arg1 : i32
    %mul3A_1 = arith.constant 640 : i32
    %mul3A_2 = arith.muli %arg1, %mul3A_1 : i32
    %dma_start3A = arith.constant 0 : i32
    %dma_start3A_3 = arith.constant 0 : i32
    %dma_start3A_4 = arith.constant 0 : i32
    %dma_start3A_5 = arith.constant 0 : i32
    %dma_start3A_6 = tpu.memref_slice %arg7[%dma_start3A_3, %dma_start3A_4, %dma_start3A_5] : memref<2x8x125xi32, #tpu.memory_space<vmem>> -> memref<1x8x125xi32, #tpu.memory_space<vmem>>
    %dma_start3A_7 = tpu.memref_squeeze %dma_start3A_6 : memref<1x8x125xi32, #tpu.memory_space<vmem>> -> memref<8x125xi32, #tpu.memory_space<vmem>>
    %dma_start3A_8 = arith.constant 0 : i32
    %dma_start3A_9 = arith.constant 0 : i32
    %dma_start3A_10 = tpu.memref_slice %arg3[%add3A, %dma_start3A, %dma_start3A_8, %dma_start3A_9] : memref<32x10x8x125xi32, #tpu.memory_space<hbm>> -> memref<1x1x8x125xi32, #tpu.memory_space<hbm>>
    %dma_start3A_11 = tpu.memref_squeeze %dma_start3A_10 : memref<1x1x8x125xi32, #tpu.memory_space<hbm>> -> memref<8x125xi32, #tpu.memory_space<hbm>>
    %dma_start3A_12 = arith.constant 0 : i32
    %dma_start3A_13 = arith.constant 0 : i32
    %dma_start3A_14 = tpu.memref_slice %arg7[%dma_start3A_3, %dma_start3A_12, %dma_start3A_13] : memref<2x8x125xi32, #tpu.memory_space<vmem>> -> memref<1x8x125xi32, #tpu.memory_space<vmem>>
    %dma_start3A_15 = tpu.memref_squeeze %dma_start3A_14 : memref<1x8x125xi32, #tpu.memory_space<vmem>> -> memref<8x125xi32, #tpu.memory_space<vmem>>
    %dma_start3A_16 = arith.constant 0 : i32
    %dma_start3A_17 = arith.constant 0 : i32
    %dma_start3A_18 = tpu.memref_slice %arg3[%add3A, %dma_start3A, %dma_start3A_16, %dma_start3A_17] : memref<32x10x8x125xi32, #tpu.memory_space<hbm>> -> memref<1x1x8x125xi32, #tpu.memory_space<hbm>>
    %dma_start3A_19 = tpu.memref_squeeze %dma_start3A_18 : memref<1x1x8x125xi32, #tpu.memory_space<hbm>> -> memref<8x125xi32, #tpu.memory_space<hbm>>
    tpu.enqueue_dma source(%dma_start3A_19 : memref<8x125xi32, #tpu.memory_space<hbm>>) target(%dma_start3A_15 : memref<8x125xi32, #tpu.memory_space<vmem>>) target_semaphore(%arg11 : memref<!tpu.dma_semaphore, #tpu.memory_space<semaphore_mem>>)
    %dma_start3A_20 = arith.constant 0 : i32
    %dma_start3A_21 = arith.constant 0 : i32
    %dma_start3A_22 = arith.constant 0 : i32
    %dma_start3A_23 = arith.constant 0 : i32
    %dma_start3A_24 = tpu.memref_slice %arg8[%dma_start3A_21, %dma_start3A_22, %dma_start3A_23] : memref<2x8x125xi32, #tpu.memory_space<vmem>> -> memref<1x8x125xi32, #tpu.memory_space<vmem>>
    %dma_start3A_25 = tpu.memref_squeeze %dma_start3A_24 : memref<1x8x125xi32, #tpu.memory_space<vmem>> -> memref<8x125xi32, #tpu.memory_space<vmem>>
    %dma_start3A_26 = arith.constant 0 : i32
    %dma_start3A_27 = arith.constant 0 : i32
    %dma_start3A_28 = tpu.memref_slice %arg4[%add3A, %dma_start3A_20, %dma_start3A_26, %dma_start3A_27] : memref<32x10x8x125xi32, #tpu.memory_space<hbm>> -> memref<1x1x8x125xi32, #tpu.memory_space<hbm>>
    %dma_start3A_29 = tpu.memref_squeeze %dma_start3A_28 : memref<1x1x8x125xi32, #tpu.memory_space<hbm>> -> memref<8x125xi32, #tpu.memory_space<hbm>>
    %dma_start3A_30 = arith.constant 0 : i32
    %dma_start3A_31 = arith.constant 0 : i32
    %dma_start3A_32 = tpu.memref_slice %arg8[%dma_start3A_21, %dma_start3A_30, %dma_start3A_31] : memref<2x8x125xi32, #tpu.memory_space<vmem>> -> memref<1x8x125xi32, #tpu.memory_space<vmem>>
    %dma_start3A_33 = tpu.memref_squeeze %dma_start3A_32 : memref<1x8x125xi32, #tpu.memory_space<vmem>> -> memref<8x125xi32, #tpu.memory_space<vmem>>
    %dma_start3A_34 = arith.constant 0 : i32
    %dma_start3A_35 = arith.constant 0 : i32
    %dma_start3A_36 = tpu.memref_slice %arg4[%add3A, %dma_start3A_20, %dma_start3A_34, %dma_start3A_35] : memref<32x10x8x125xi32, #tpu.memory_space<hbm>> -> memref<1x1x8x125xi32, #tpu.memory_space<hbm>>
    %dma_start3A_37 = tpu.memref_squeeze %dma_start3A_36 : memref<1x1x8x125xi32, #tpu.memory_space<hbm>> -> memref<8x125xi32, #tpu.memory_space<hbm>>
    tpu.enqueue_dma source(%dma_start3A_37 : memref<8x125xi32, #tpu.memory_space<hbm>>) target(%dma_start3A_33 : memref<8x125xi32, #tpu.memory_space<vmem>>) target_semaphore(%arg11 : memref<!tpu.dma_semaphore, #tpu.memory_space<semaphore_mem>>)
    "tpu.region"() ({
      %run_scoped3A = tpu.sem_alloc : memref<!tpu.dma_semaphore, #tpu.memory_space<semaphore_mem>>
      %dma_start3A_45 = arith.constant 0 : i32
      %dma_start3A_46 = tpu.memref_slice %arg6[%mul3A_2, %dma_start3A_45] : memref<10240x128xf32, #tpu.memory_space<vmem_shared>> -> memref<640x128xf32, #tpu.memory_space<vmem_shared>>
      %dma_start3A_47 = arith.constant 0 : i32
      %dma_start3A_48 = tpu.memref_slice %arg2[%mul3A_2, %dma_start3A_47] : memref<10240x128xf32, #tpu.memory_space<hbm>> -> memref<640x128xf32, #tpu.memory_space<hbm>>
      tpu.enqueue_dma source(%dma_start3A_48 : memref<640x128xf32, #tpu.memory_space<hbm>>) target(%dma_start3A_46 : memref<640x128xf32, #tpu.memory_space<vmem_shared>>) target_semaphore(%run_scoped3A : memref<!tpu.dma_semaphore, #tpu.memory_space<semaphore_mem>>)
      %dma_wait3A = arith.constant 0 : i32
      %dma_wait3A_49 = tpu.memref_slice %arg6[%mul3A_2, %dma_wait3A] : memref<10240x128xf32, #tpu.memory_space<vmem_shared>> -> memref<640x128xf32, #tpu.memory_space<vmem_shared>>
      %dma_wait3A_50 = arith.constant 0 : i32
      %dma_wait3A_51 = tpu.memref_slice %arg2[%mul3A_2, %dma_wait3A_50] : memref<10240x128xf32, #tpu.memory_space<hbm>> -> memref<640x128xf32, #tpu.memory_space<hbm>>
      tpu.wait_dma2 semaphore(%run_scoped3A : memref<!tpu.dma_semaphore, #tpu.memory_space<semaphore_mem>>) src(%dma_wait3A_51 : memref<640x128xf32, #tpu.memory_space<hbm>>) dst(%dma_wait3A_49 : memref<640x128xf32, #tpu.memory_space<vmem_shared>>)
      tpu.yield
    }) : () -> ()
    %barrier3A = arith.constant 0 : index
    tpu.barrier barrier_id(%barrier3A)
    %scan3A = arith.constant 0 : i32
    %scan3A_38 = arith.constant 0 : i32
    %scan3A_39 = arith.constant 10 : i32
    %scan3A_40 = arith.addi %scan3A_38, %scan3A_39 : i32
    %scan3A_41 = arith.constant 1 : i32
    %scan3A_42 = scf.for %scan3A_45 = %scan3A_38 to %scan3A_40 step %scan3A_41 iter_args(%scan3A_46 = %scan3A) -> (i32)  : i32 {
      %rem3A = arith.constant 2 : i32
      %rem3A_47 = arith.remsi %scan3A_45, %rem3A : i32
      %dma_wait3A = arith.constant 0 : i32
      %dma_wait3A_48 = arith.constant 0 : i32
      %dma_wait3A_49 = tpu.memref_slice %arg7[%rem3A_47, %dma_wait3A, %dma_wait3A_48] : memref<2x8x125xi32, #tpu.memory_space<vmem>> -> memref<1x8x125xi32, #tpu.memory_space<vmem>>
      %dma_wait3A_50 = tpu.memref_squeeze %dma_wait3A_49 : memref<1x8x125xi32, #tpu.memory_space<vmem>> -> memref<8x125xi32, #tpu.memory_space<vmem>>
      %dma_wait3A_51 = arith.constant 0 : i32
      %dma_wait3A_52 = arith.constant 0 : i32
      %dma_wait3A_53 = tpu.memref_slice %arg3[%add3A, %scan3A_45, %dma_wait3A_51, %dma_wait3A_52] : memref<32x10x8x125xi32, #tpu.memory_space<hbm>> -> memref<1x1x8x125xi32, #tpu.memory_space<hbm>>
      %dma_wait3A_54 = tpu.memref_squeeze %dma_wait3A_53 : memref<1x1x8x125xi32, #tpu.memory_space<hbm>> -> memref<8x125xi32, #tpu.memory_space<hbm>>
      %dma_wait3A_55 = arith.constant 0 : i32
      %dma_wait3A_56 = arith.constant 0 : i32
      %dma_wait3A_57 = tpu.memref_slice %arg7[%rem3A_47, %dma_wait3A_55, %dma_wait3A_56] : memref<2x8x125xi32, #tpu.memory_space<vmem>> -> memref<1x8x125xi32, #tpu.memory_space<vmem>>
      %dma_wait3A_58 = tpu.memref_squeeze %dma_wait3A_57 : memref<1x8x125xi32, #tpu.memory_space<vmem>> -> memref<8x125xi32, #tpu.memory_space<vmem>>
      %dma_wait3A_59 = arith.constant 0 : i32
      %dma_wait3A_60 = arith.constant 0 : i32
      %dma_wait3A_61 = tpu.memref_slice %arg3[%add3A, %scan3A_45, %dma_wait3A_59, %dma_wait3A_60] : memref<32x10x8x125xi32, #tpu.memory_space<hbm>> -> memref<1x1x8x125xi32, #tpu.memory_space<hbm>>
      %dma_wait3A_62 = tpu.memref_squeeze %dma_wait3A_61 : memref<1x1x8x125xi32, #tpu.memory_space<hbm>> -> memref<8x125xi32, #tpu.memory_space<hbm>>
      tpu.wait_dma2 semaphore(%arg11 : memref<!tpu.dma_semaphore, #tpu.memory_space<semaphore_mem>>) src(%dma_wait3A_62 : memref<8x125xi32, #tpu.memory_space<hbm>>) dst(%dma_wait3A_58 : memref<8x125xi32, #tpu.memory_space<vmem>>)
      %dma_wait3A_63 = arith.constant 0 : i32
      %dma_wait3A_64 = arith.constant 0 : i32
      %dma_wait3A_65 = tpu.memref_slice %arg8[%rem3A_47, %dma_wait3A_63, %dma_wait3A_64] : memref<2x8x125xi32, #tpu.memory_space<vmem>> -> memref<1x8x125xi32, #tpu.memory_space<vmem>>
      %dma_wait3A_66 = tpu.memref_squeeze %dma_wait3A_65 : memref<1x8x125xi32, #tpu.memory_space<vmem>> -> memref<8x125xi32, #tpu.memory_space<vmem>>
      %dma_wait3A_67 = arith.constant 0 : i32
      %dma_wait3A_68 = arith.constant 0 : i32
      %dma_wait3A_69 = tpu.memref_slice %arg4[%add3A, %scan3A_45, %dma_wait3A_67, %dma_wait3A_68] : memref<32x10x8x125xi32, #tpu.memory_space<hbm>> -> memref<1x1x8x125xi32, #tpu.memory_space<hbm>>
      %dma_wait3A_70 = tpu.memref_squeeze %dma_wait3A_69 : memref<1x1x8x125xi32, #tpu.memory_space<hbm>> -> memref<8x125xi32, #tpu.memory_space<hbm>>
      %dma_wait3A_71 = arith.constant 0 : i32
      %dma_wait3A_72 = arith.constant 0 : i32
      %dma_wait3A_73 = tpu.memref_slice %arg8[%rem3A_47, %dma_wait3A_71, %dma_wait3A_72] : memref<2x8x125xi32, #tpu.memory_space<vmem>> -> memref<1x8x125xi32, #tpu.memory_space<vmem>>
      %dma_wait3A_74 = tpu.memref_squeeze %dma_wait3A_73 : memref<1x8x125xi32, #tpu.memory_space<vmem>> -> memref<8x125xi32, #tpu.memory_space<vmem>>
      %dma_wait3A_75 = arith.constant 0 : i32
      %dma_wait3A_76 = arith.constant 0 : i32
      %dma_wait3A_77 = tpu.memref_slice %arg4[%add3A, %scan3A_45, %dma_wait3A_75, %dma_wait3A_76] : memref<32x10x8x125xi32, #tpu.memory_space<hbm>> -> memref<1x1x8x125xi32, #tpu.memory_space<hbm>>
      %dma_wait3A_78 = tpu.memref_squeeze %dma_wait3A_77 : memref<1x1x8x125xi32, #tpu.memory_space<hbm>> -> memref<8x125xi32, #tpu.memory_space<hbm>>
      tpu.wait_dma2 semaphore(%arg11 : memref<!tpu.dma_semaphore, #tpu.memory_space<semaphore_mem>>) src(%dma_wait3A_78 : memref<8x125xi32, #tpu.memory_space<hbm>>) dst(%dma_wait3A_74 : memref<8x125xi32, #tpu.memory_space<vmem>>)
      %lt3A = arith.constant 9 : i32
      %lt3A_79 = arith.cmpi slt, %scan3A_45, %lt3A : i32
      %convert_element_type3A = arith.extui %lt3A_79 : i1 to i32
      %cond3A = arith.constant 0 : i32
      %cond3A_80 = arith.cmpi ne, %convert_element_type3A, %cond3A : i32
      scf.if %cond3A_80 {
        %add3A_119 = arith.constant 1 : i32
        %add3A_120 = arith.addi %scan3A_45, %add3A_119 : i32
        %sub3A = arith.constant 1 : i32
        %sub3A_121 = arith.subi %sub3A, %rem3A_47 : i32
        %dma_start3A_122 = arith.constant 0 : i32
        %dma_start3A_123 = arith.constant 0 : i32
        %dma_start3A_124 = tpu.memref_slice %arg7[%sub3A_121, %dma_start3A_122, %dma_start3A_123] : memref<2x8x125xi32, #tpu.memory_space<vmem>> -> memref<1x8x125xi32, #tpu.memory_space<vmem>>
        %dma_start3A_125 = tpu.memref_squeeze %dma_start3A_124 : memref<1x8x125xi32, #tpu.memory_space<vmem>> -> memref<8x125xi32, #tpu.memory_space<vmem>>
        %dma_start3A_126 = arith.constant 0 : i32
        %dma_start3A_127 = arith.constant 0 : i32
        %dma_start3A_128 = tpu.memref_slice %arg3[%add3A, %add3A_120, %dma_start3A_126, %dma_start3A_127] : memref<32x10x8x125xi32, #tpu.memory_space<hbm>> -> memref<1x1x8x125xi32, #tpu.memory_space<hbm>>
        %dma_start3A_129 = tpu.memref_squeeze %dma_start3A_128 : memref<1x1x8x125xi32, #tpu.memory_space<hbm>> -> memref<8x125xi32, #tpu.memory_space<hbm>>
        %dma_start3A_130 = arith.constant 0 : i32
        %dma_start3A_131 = arith.constant 0 : i32
        %dma_start3A_132 = tpu.memref_slice %arg7[%sub3A_121, %dma_start3A_130, %dma_start3A_131] : memref<2x8x125xi32, #tpu.memory_space<vmem>> -> memref<1x8x125xi32, #tpu.memory_space<vmem>>
        %dma_start3A_133 = tpu.memref_squeeze %dma_start3A_132 : memref<1x8x125xi32, #tpu.memory_space<vmem>> -> memref<8x125xi32, #tpu.memory_space<vmem>>
        %dma_start3A_134 = arith.constant 0 : i32
        %dma_start3A_135 = arith.constant 0 : i32
        %dma_start3A_136 = tpu.memref_slice %arg3[%add3A, %add3A_120, %dma_start3A_134, %dma_start3A_135] : memref<32x10x8x125xi32, #tpu.memory_space<hbm>> -> memref<1x1x8x125xi32, #tpu.memory_space<hbm>>
        %dma_start3A_137 = tpu.memref_squeeze %dma_start3A_136 : memref<1x1x8x125xi32, #tpu.memory_space<hbm>> -> memref<8x125xi32, #tpu.memory_space<hbm>>
        tpu.enqueue_dma source(%dma_start3A_137 : memref<8x125xi32, #tpu.memory_space<hbm>>) target(%dma_start3A_133 : memref<8x125xi32, #tpu.memory_space<vmem>>) target_semaphore(%arg11 : memref<!tpu.dma_semaphore, #tpu.memory_space<semaphore_mem>>)
        %dma_start3A_138 = arith.constant 0 : i32
        %dma_start3A_139 = arith.constant 0 : i32
        %dma_start3A_140 = tpu.memref_slice %arg8[%sub3A_121, %dma_start3A_138, %dma_start3A_139] : memref<2x8x125xi32, #tpu.memory_space<vmem>> -> memref<1x8x125xi32, #tpu.memory_space<vmem>>
        %dma_start3A_141 = tpu.memref_squeeze %dma_start3A_140 : memref<1x8x125xi32, #tpu.memory_space<vmem>> -> memref<8x125xi32, #tpu.memory_space<vmem>>
        %dma_start3A_142 = arith.constant 0 : i32
        %dma_start3A_143 = arith.constant 0 : i32
        %dma_start3A_144 = tpu.memref_slice %arg4[%add3A, %add3A_120, %dma_start3A_142, %dma_start3A_143] : memref<32x10x8x125xi32, #tpu.memory_space<hbm>> -> memref<1x1x8x125xi32, #tpu.memory_space<hbm>>
        %dma_start3A_145 = tpu.memref_squeeze %dma_start3A_144 : memref<1x1x8x125xi32, #tpu.memory_space<hbm>> -> memref<8x125xi32, #tpu.memory_space<hbm>>
        %dma_start3A_146 = arith.constant 0 : i32
        %dma_start3A_147 = arith.constant 0 : i32
        %dma_start3A_148 = tpu.memref_slice %arg8[%sub3A_121, %dma_start3A_146, %dma_start3A_147] : memref<2x8x125xi32, #tpu.memory_space<vmem>> -> memref<1x8x125xi32, #tpu.memory_space<vmem>>
        %dma_start3A_149 = tpu.memref_squeeze %dma_start3A_148 : memref<1x8x125xi32, #tpu.memory_space<vmem>> -> memref<8x125xi32, #tpu.memory_space<vmem>>
        %dma_start3A_150 = arith.constant 0 : i32
        %dma_start3A_151 = arith.constant 0 : i32
        %dma_start3A_152 = tpu.memref_slice %arg4[%add3A, %add3A_120, %dma_start3A_150, %dma_start3A_151] : memref<32x10x8x125xi32, #tpu.memory_space<hbm>> -> memref<1x1x8x125xi32, #tpu.memory_space<hbm>>
        %dma_start3A_153 = tpu.memref_squeeze %dma_start3A_152 : memref<1x1x8x125xi32, #tpu.memory_space<hbm>> -> memref<8x125xi32, #tpu.memory_space<hbm>>
        tpu.enqueue_dma source(%dma_start3A_153 : memref<8x125xi32, #tpu.memory_space<hbm>>) target(%dma_start3A_149 : memref<8x125xi32, #tpu.memory_space<vmem>>) target_semaphore(%arg11 : memref<!tpu.dma_semaphore, #tpu.memory_space<semaphore_mem>>)
      } else {
      }
      %dma_start3A_81 = arith.constant 0 : i32
      %dma_start3A_82 = arith.constant 0 : i32
      %dma_start3A_83 = arith.constant 0 : i32
      %dma_start3A_84 = arith.constant 0 : i32
      %dma_start3A_85 = arith.constant 0 : i32
      %dma_start3A_86 = tpu.memref_slice %arg9[%dma_start3A_82, %dma_start3A_84, %dma_start3A_85] : memref<2x125x128xf32, #tpu.memory_space<vmem>> -> memref<1x125x128xf32, #tpu.memory_space<vmem>>
      %dma_start3A_87 = tpu.memref_squeeze %dma_start3A_86 : memref<1x125x128xf32, #tpu.memory_space<vmem>> -> memref<125x128xf32, #tpu.memory_space<vmem>>
      %dma_start3A_88 = arith.constant 0 : i32
      %dma_start3A_89 = tpu.memref_slice %arg7[%rem3A_47, %dma_start3A_81, %dma_start3A_88] : memref<2x8x125xi32, #tpu.memory_space<vmem>> -> memref<1x1x125xi32, #tpu.memory_space<vmem>>
      %dma_start3A_90 = tpu.memref_squeeze %dma_start3A_89 : memref<1x1x125xi32, #tpu.memory_space<vmem>> -> memref<125xi32, #tpu.memory_space<vmem>>
      %dma_start3A_91 = arith.constant 0 : i32
      %dma_start3A_92 = arith.constant 0 : i32
      %dma_start3A_93 = tpu.memref_slice %arg2[%dma_start3A_91, %dma_start3A_92] : memref<10240x128xf32, #tpu.memory_space<hbm>> -> memref<10240x128xf32, #tpu.memory_space<hbm>>
      %dma_start3A_94 = tpu.memref_slice %arg10[%dma_start3A_83] : memref<2x!tpu.dma_semaphore, #tpu.memory_space<semaphore_mem>> -> memref<1x!tpu.dma_semaphore, #tpu.memory_space<semaphore_mem>>
      %dma_start3A_95 = tpu.memref_squeeze %dma_start3A_94 : memref<1x!tpu.dma_semaphore, #tpu.memory_space<semaphore_mem>> -> memref<!tpu.dma_semaphore, #tpu.memory_space<semaphore_mem>>
      tpu.enqueue_indirect_dma source(%dma_start3A_93 : memref<10240x128xf32, #tpu.memory_space<hbm>>) target(%dma_start3A_87 : memref<125x128xf32, #tpu.memory_space<vmem>>) offsets(%dma_start3A_90 : memref<125xi32, #tpu.memory_space<vmem>>) semaphore(%dma_start3A_95 : memref<!tpu.dma_semaphore, #tpu.memory_space<semaphore_mem>>)
      %dma_start3A_96 = arith.constant 1 : i32
      %dma_start3A_97 = arith.constant 1 : i32
      %dma_start3A_98 = arith.constant 1 : i32
      %dma_start3A_99 = arith.constant 0 : i32
      %dma_start3A_100 = arith.constant 0 : i32
      %dma_start3A_101 = tpu.memref_slice %arg9[%dma_start3A_97, %dma_start3A_99, %dma_start3A_100] : memref<2x125x128xf32, #tpu.memory_space<vmem>> -> memref<1x125x128xf32, #tpu.memory_space<vmem>>
      %dma_start3A_102 = tpu.memref_squeeze %dma_start3A_101 : memref<1x125x128xf32, #tpu.memory_space<vmem>> -> memref<125x128xf32, #tpu.memory_space<vmem>>
      %dma_start3A_103 = arith.constant 0 : i32
      %dma_start3A_104 = tpu.memref_slice %arg7[%rem3A_47, %dma_start3A_96, %dma_start3A_103] : memref<2x8x125xi32, #tpu.memory_space<vmem>> -> memref<1x1x125xi32, #tpu.memory_space<vmem>>
      %dma_start3A_105 = tpu.memref_squeeze %dma_start3A_104 : memref<1x1x125xi32, #tpu.memory_space<vmem>> -> memref<125xi32, #tpu.memory_space<vmem>>
      %dma_start3A_106 = arith.constant 0 : i32
      %dma_start3A_107 = arith.constant 0 : i32
      %dma_start3A_108 = tpu.memref_slice %arg2[%dma_start3A_106, %dma_start3A_107] : memref<10240x128xf32, #tpu.memory_space<hbm>> -> memref<10240x128xf32, #tpu.memory_space<hbm>>
      %dma_start3A_109 = tpu.memref_slice %arg10[%dma_start3A_98] : memref<2x!tpu.dma_semaphore, #tpu.memory_space<semaphore_mem>> -> memref<1x!tpu.dma_semaphore, #tpu.memory_space<semaphore_mem>>
      %dma_start3A_110 = tpu.memref_squeeze %dma_start3A_109 : memref<1x!tpu.dma_semaphore, #tpu.memory_space<semaphore_mem>> -> memref<!tpu.dma_semaphore, #tpu.memory_space<semaphore_mem>>
      tpu.enqueue_indirect_dma source(%dma_start3A_108 : memref<10240x128xf32, #tpu.memory_space<hbm>>) target(%dma_start3A_102 : memref<125x128xf32, #tpu.memory_space<vmem>>) offsets(%dma_start3A_105 : memref<125xi32, #tpu.memory_space<vmem>>) semaphore(%dma_start3A_110 : memref<!tpu.dma_semaphore, #tpu.memory_space<semaphore_mem>>)
      %scan3A_111 = arith.constant 0 : i32
      %scan3A_112 = arith.constant 0 : i32
      %scan3A_113 = arith.constant 8 : i32
      %scan3A_114 = arith.addi %scan3A_112, %scan3A_113 : i32
      %scan3A_115 = arith.constant 1 : i32
      %scan3A_116 = scf.for %scan3A_119 = %scan3A_112 to %scan3A_114 step %scan3A_115 iter_args(%scan3A_120 = %scan3A_111) -> (i32)  : i32 {
        %rem3A_121 = arith.constant 2 : i32
        %rem3A_122 = arith.remsi %scan3A_119, %rem3A_121 : i32
        %dma_wait3A_123 = arith.constant 0 : i32
        %dma_wait3A_124 = arith.constant 0 : i32
        %dma_wait3A_125 = tpu.memref_slice %arg9[%rem3A_122, %dma_wait3A_123, %dma_wait3A_124] : memref<2x125x128xf32, #tpu.memory_space<vmem>> -> memref<1x125x128xf32, #tpu.memory_space<vmem>>
        %dma_wait3A_126 = tpu.memref_squeeze %dma_wait3A_125 : memref<1x125x128xf32, #tpu.memory_space<vmem>> -> memref<125x128xf32, #tpu.memory_space<vmem>>
        %dma_wait3A_127 = arith.constant 0 : i32
        %dma_wait3A_128 = tpu.memref_slice %arg7[%rem3A_47, %scan3A_119, %dma_wait3A_127] : memref<2x8x125xi32, #tpu.memory_space<vmem>> -> memref<1x1x125xi32, #tpu.memory_space<vmem>>
        %dma_wait3A_129 = tpu.memref_squeeze %dma_wait3A_128 : memref<1x1x125xi32, #tpu.memory_space<vmem>> -> memref<125xi32, #tpu.memory_space<vmem>>
        %dma_wait3A_130 = arith.constant 0 : i32
        %dma_wait3A_131 = arith.constant 0 : i32
        %dma_wait3A_132 = tpu.memref_slice %arg2[%dma_wait3A_130, %dma_wait3A_131] : memref<10240x128xf32, #tpu.memory_space<hbm>> -> memref<10240x128xf32, #tpu.memory_space<hbm>>
        %dma_wait3A_133 = tpu.memref_slice %arg10[%rem3A_122] : memref<2x!tpu.dma_semaphore, #tpu.memory_space<semaphore_mem>> -> memref<1x!tpu.dma_semaphore, #tpu.memory_space<semaphore_mem>>
        %dma_wait3A_134 = tpu.memref_squeeze %dma_wait3A_133 : memref<1x!tpu.dma_semaphore, #tpu.memory_space<semaphore_mem>> -> memref<!tpu.dma_semaphore, #tpu.memory_space<semaphore_mem>>
        tpu.wait_indirect_dma semaphore(%dma_wait3A_134 : memref<!tpu.dma_semaphore, #tpu.memory_space<semaphore_mem>>) src(%dma_wait3A_132 : memref<10240x128xf32, #tpu.memory_space<hbm>>) dst(%dma_wait3A_126 : memref<125x128xf32, #tpu.memory_space<vmem>>)
        "tpu.region"() ({
          %run_scoped3A = tpu.sem_alloc : memref<!tpu.dma_semaphore, #tpu.memory_space<semaphore_mem>>
          %dma_start3A_143 = arith.constant 0 : i32
          %dma_start3A_144 = arith.constant 0 : i32
          %dma_start3A_145 = tpu.memref_slice %arg9[%rem3A_122, %dma_start3A_143, %dma_start3A_144] : memref<2x125x128xf32, #tpu.memory_space<vmem>> -> memref<1x125x128xf32, #tpu.memory_space<vmem>>
          %dma_start3A_146 = tpu.memref_squeeze %dma_start3A_145 : memref<1x125x128xf32, #tpu.memory_space<vmem>> -> memref<125x128xf32, #tpu.memory_space<vmem>>
          %dma_start3A_147 = arith.constant 0 : i32
          %dma_start3A_148 = tpu.memref_slice %arg8[%rem3A_47, %scan3A_119, %dma_start3A_147] : memref<2x8x125xi32, #tpu.memory_space<vmem>> -> memref<1x1x125xi32, #tpu.memory_space<vmem>>
          %dma_start3A_149 = tpu.memref_squeeze %dma_start3A_148 : memref<1x1x125xi32, #tpu.memory_space<vmem>> -> memref<125xi32, #tpu.memory_space<vmem>>
          %dma_start3A_150 = arith.constant 0 : i32
          %dma_start3A_151 = arith.constant 0 : i32
          %dma_start3A_152 = tpu.memref_slice %arg6[%dma_start3A_150, %dma_start3A_151] : memref<10240x128xf32, #tpu.memory_space<vmem_shared>> -> memref<10240x128xf32, #tpu.memory_space<vmem_shared>>
          tpu.enqueue_indirect_dma source(%dma_start3A_146 : memref<125x128xf32, #tpu.memory_space<vmem>>) target(%dma_start3A_152 : memref<10240x128xf32, #tpu.memory_space<vmem_shared>>) offsets(%dma_start3A_149 : memref<125xi32, #tpu.memory_space<vmem>>) semaphore(%run_scoped3A : memref<!tpu.dma_semaphore, #tpu.memory_space<semaphore_mem>>) {add = true}
          %dma_wait3A_153 = arith.constant 0 : i32
          %dma_wait3A_154 = arith.constant 0 : i32
          %dma_wait3A_155 = tpu.memref_slice %arg9[%rem3A_122, %dma_wait3A_153, %dma_wait3A_154] : memref<2x125x128xf32, #tpu.memory_space<vmem>> -> memref<1x125x128xf32, #tpu.memory_space<vmem>>
          %dma_wait3A_156 = tpu.memref_squeeze %dma_wait3A_155 : memref<1x125x128xf32, #tpu.memory_space<vmem>> -> memref<125x128xf32, #tpu.memory_space<vmem>>
          %dma_wait3A_157 = arith.constant 0 : i32
          %dma_wait3A_158 = tpu.memref_slice %arg8[%rem3A_47, %scan3A_119, %dma_wait3A_157] : memref<2x8x125xi32, #tpu.memory_space<vmem>> -> memref<1x1x125xi32, #tpu.memory_space<vmem>>
          %dma_wait3A_159 = tpu.memref_squeeze %dma_wait3A_158 : memref<1x1x125xi32, #tpu.memory_space<vmem>> -> memref<125xi32, #tpu.memory_space<vmem>>
          %dma_wait3A_160 = arith.constant 0 : i32
          %dma_wait3A_161 = arith.constant 0 : i32
          %dma_wait3A_162 = tpu.memref_slice %arg6[%dma_wait3A_160, %dma_wait3A_161] : memref<10240x128xf32, #tpu.memory_space<vmem_shared>> -> memref<10240x128xf32, #tpu.memory_space<vmem_shared>>
          tpu.wait_indirect_dma semaphore(%run_scoped3A : memref<!tpu.dma_semaphore, #tpu.memory_space<semaphore_mem>>) src(%dma_wait3A_156 : memref<125x128xf32, #tpu.memory_space<vmem>>) dst(%dma_wait3A_162 : memref<10240x128xf32, #tpu.memory_space<vmem_shared>>)
          tpu.yield
        }) : () -> ()
        %add3A_135 = arith.constant 2 : i32
        %add3A_136 = arith.addi %scan3A_119, %add3A_135 : i32
        %lt3A_137 = arith.constant 8 : i32
        %lt3A_138 = arith.cmpi slt, %add3A_136, %lt3A_137 : i32
        %convert_element_type3A_139 = arith.extui %lt3A_138 : i1 to i32
        %cond3A_140 = arith.constant 0 : i32
        %cond3A_141 = arith.cmpi ne, %convert_element_type3A_139, %cond3A_140 : i32
        scf.if %cond3A_141 {
          %add3A_143 = arith.constant 2 : i32
          %add3A_144 = arith.addi %scan3A_119, %add3A_143 : i32
          %dma_start3A_145 = arith.constant 0 : i32
          %dma_start3A_146 = arith.constant 0 : i32
          %dma_start3A_147 = tpu.memref_slice %arg9[%rem3A_122, %dma_start3A_145, %dma_start3A_146] : memref<2x125x128xf32, #tpu.memory_space<vmem>> -> memref<1x125x128xf32, #tpu.memory_space<vmem>>
          %dma_start3A_148 = tpu.memref_squeeze %dma_start3A_147 : memref<1x125x128xf32, #tpu.memory_space<vmem>> -> memref<125x128xf32, #tpu.memory_space<vmem>>
          %dma_start3A_149 = arith.constant 0 : i32
          %dma_start3A_150 = tpu.memref_slice %arg7[%rem3A_47, %add3A_144, %dma_start3A_149] : memref<2x8x125xi32, #tpu.memory_space<vmem>> -> memref<1x1x125xi32, #tpu.memory_space<vmem>>
          %dma_start3A_151 = tpu.memref_squeeze %dma_start3A_150 : memref<1x1x125xi32, #tpu.memory_space<vmem>> -> memref<125xi32, #tpu.memory_space<vmem>>
          %dma_start3A_152 = arith.constant 0 : i32
          %dma_start3A_153 = arith.constant 0 : i32
          %dma_start3A_154 = tpu.memref_slice %arg2[%dma_start3A_152, %dma_start3A_153] : memref<10240x128xf32, #tpu.memory_space<hbm>> -> memref<10240x128xf32, #tpu.memory_space<hbm>>
          %dma_start3A_155 = tpu.memref_slice %arg10[%rem3A_122] : memref<2x!tpu.dma_semaphore, #tpu.memory_space<semaphore_mem>> -> memref<1x!tpu.dma_semaphore, #tpu.memory_space<semaphore_mem>>
          %dma_start3A_156 = tpu.memref_squeeze %dma_start3A_155 : memref<1x!tpu.dma_semaphore, #tpu.memory_space<semaphore_mem>> -> memref<!tpu.dma_semaphore, #tpu.memory_space<semaphore_mem>>
          tpu.enqueue_indirect_dma source(%dma_start3A_154 : memref<10240x128xf32, #tpu.memory_space<hbm>>) target(%dma_start3A_148 : memref<125x128xf32, #tpu.memory_space<vmem>>) offsets(%dma_start3A_151 : memref<125xi32, #tpu.memory_space<vmem>>) semaphore(%dma_start3A_156 : memref<!tpu.dma_semaphore, #tpu.memory_space<semaphore_mem>>)
        } else {
        }
        %scan3A_142 = arith.constant 0 : i32
        scf.yield %scan3A_142 : i32
      }
      %scan3A_117 = arith.constant 8 : i32
      %scan3A_118 = arith.constant 0 : i32
      scf.yield %scan3A_118 : i32
    }
    %scan3A_43 = arith.constant 10 : i32
    %barrier3A_44 = arith.constant 0 : index
    tpu.barrier barrier_id(%barrier3A_44)
    "tpu.region"() ({
      %run_scoped3A = tpu.sem_alloc : memref<!tpu.dma_semaphore, #tpu.memory_space<semaphore_mem>>
      %dma_start3A_45 = arith.constant 0 : i32
      %dma_start3A_46 = tpu.memref_slice %arg5[%arg0, %mul3A_2, %dma_start3A_45] : memref<2x10240x128xf32, #tpu.memory_space<hbm>> -> memref<1x640x128xf32, #tpu.memory_space<hbm>>
      %dma_start3A_47 = tpu.memref_squeeze %dma_start3A_46 : memref<1x640x128xf32, #tpu.memory_space<hbm>> -> memref<640x128xf32, #tpu.memory_space<hbm>>
      %dma_start3A_48 = arith.constant 0 : i32
      %dma_start3A_49 = tpu.memref_slice %arg6[%mul3A_2, %dma_start3A_48] : memref<10240x128xf32, #tpu.memory_space<vmem_shared>> -> memref<640x128xf32, #tpu.memory_space<vmem_shared>>
      tpu.enqueue_dma source(%dma_start3A_49 : memref<640x128xf32, #tpu.memory_space<vmem_shared>>) target(%dma_start3A_47 : memref<640x128xf32, #tpu.memory_space<hbm>>) target_semaphore(%run_scoped3A : memref<!tpu.dma_semaphore, #tpu.memory_space<semaphore_mem>>)
      %dma_wait3A = arith.constant 0 : i32
      %dma_wait3A_50 = tpu.memref_slice %arg5[%arg0, %mul3A_2, %dma_wait3A] : memref<2x10240x128xf32, #tpu.memory_space<hbm>> -> memref<1x640x128xf32, #tpu.memory_space<hbm>>
      %dma_wait3A_51 = tpu.memref_squeeze %dma_wait3A_50 : memref<1x640x128xf32, #tpu.memory_space<hbm>> -> memref<640x128xf32, #tpu.memory_space<hbm>>
      %dma_wait3A_52 = arith.constant 0 : i32
      %dma_wait3A_53 = tpu.memref_slice %arg6[%mul3A_2, %dma_wait3A_52] : memref<10240x128xf32, #tpu.memory_space<vmem_shared>> -> memref<640x128xf32, #tpu.memory_space<vmem_shared>>
      tpu.wait_dma2 semaphore(%run_scoped3A : memref<!tpu.dma_semaphore, #tpu.memory_space<semaphore_mem>>) src(%dma_wait3A_53 : memref<640x128xf32, #tpu.memory_space<vmem_shared>>) dst(%dma_wait3A_51 : memref<640x128xf32, #tpu.memory_space<hbm>>)
      tpu.yield
    }) : () -> ()
    return
  }
}

#map = affine_map<(d0, d1) -> (0, 0, 0)>
#map1 = affine_map<(d0, d1) -> (0)>
module attributes {stable_mosaic.version = 14 : i64} {
  func.func @_deg_body(%arg0: i32, %arg1: i32, %arg2: memref<32x80x125xi32, #tpu.memory_space<hbm>>, %arg3: memref<10240xf32, #tpu.memory_space<hbm>>, %arg4: memref<10240xf32, #tpu.memory_space<hbm>>, %arg5: memref<10240xf32, #tpu.memory_space<vmem_shared>>, %arg6: memref<80x125xi32, #tpu.memory_space<vmem>>, %arg7: memref<128xf32, #tpu.memory_space<vmem>>, %arg8: memref<640xf32, #tpu.memory_space<vmem>>, %arg9: memref<!tpu.dma_semaphore, #tpu.memory_space<semaphore_mem>>) attributes {dimension_semantics = [#tpu.dimension_semantics<core_parallel>, #tpu.dimension_semantics<subcore_parallel>], iteration_bounds = array<i64: 2, 16>, scalar_prefetch = 0 : i64, scratch_operands = 5 : i64, tpu.core_type = #tpu.core_type<sc_vector_subcore>, window_params = [{transform_indices = #map}, {transform_indices = #map1}, {transform_indices = #map1}]} {
    %mul3A = arith.constant 16 : i32
    %mul3A_0 = arith.muli %arg0, %mul3A : i32
    %add3A = arith.addi %mul3A_0, %arg1 : i32
    "tpu.region"() ({
      %run_scoped3A = tpu.sem_alloc : memref<!tpu.dma_semaphore, #tpu.memory_space<semaphore_mem>>
      %dma_start3A = arith.constant 0 : i32
      %dma_start3A_40 = arith.constant 0 : i32
      %dma_start3A_41 = tpu.memref_slice %arg2[%add3A, %dma_start3A, %dma_start3A_40] : memref<32x80x125xi32, #tpu.memory_space<hbm>> -> memref<1x80x125xi32, #tpu.memory_space<hbm>>
      %dma_start3A_42 = tpu.memref_squeeze %dma_start3A_41 : memref<1x80x125xi32, #tpu.memory_space<hbm>> -> memref<80x125xi32, #tpu.memory_space<hbm>>
      %dma_start3A_43 = arith.constant 0 : i32
      %dma_start3A_44 = arith.constant 0 : i32
      %dma_start3A_45 = tpu.memref_slice %arg2[%add3A, %dma_start3A_43, %dma_start3A_44] : memref<32x80x125xi32, #tpu.memory_space<hbm>> -> memref<1x80x125xi32, #tpu.memory_space<hbm>>
      %dma_start3A_46 = tpu.memref_squeeze %dma_start3A_45 : memref<1x80x125xi32, #tpu.memory_space<hbm>> -> memref<80x125xi32, #tpu.memory_space<hbm>>
      tpu.enqueue_dma source(%dma_start3A_46 : memref<80x125xi32, #tpu.memory_space<hbm>>) target(%arg6 : memref<80x125xi32, #tpu.memory_space<vmem>>) target_semaphore(%run_scoped3A : memref<!tpu.dma_semaphore, #tpu.memory_space<semaphore_mem>>)
      %dma_wait3A = arith.constant 0 : i32
      %dma_wait3A_47 = arith.constant 0 : i32
      %dma_wait3A_48 = tpu.memref_slice %arg2[%add3A, %dma_wait3A, %dma_wait3A_47] : memref<32x80x125xi32, #tpu.memory_space<hbm>> -> memref<1x80x125xi32, #tpu.memory_space<hbm>>
      %dma_wait3A_49 = tpu.memref_squeeze %dma_wait3A_48 : memref<1x80x125xi32, #tpu.memory_space<hbm>> -> memref<80x125xi32, #tpu.memory_space<hbm>>
      %dma_wait3A_50 = arith.constant 0 : i32
      %dma_wait3A_51 = arith.constant 0 : i32
      %dma_wait3A_52 = tpu.memref_slice %arg2[%add3A, %dma_wait3A_50, %dma_wait3A_51] : memref<32x80x125xi32, #tpu.memory_space<hbm>> -> memref<1x80x125xi32, #tpu.memory_space<hbm>>
      %dma_wait3A_53 = tpu.memref_squeeze %dma_wait3A_52 : memref<1x80x125xi32, #tpu.memory_space<hbm>> -> memref<80x125xi32, #tpu.memory_space<hbm>>
      tpu.wait_dma2 semaphore(%run_scoped3A : memref<!tpu.dma_semaphore, #tpu.memory_space<semaphore_mem>>) src(%dma_wait3A_53 : memref<80x125xi32, #tpu.memory_space<hbm>>) dst(%arg6 : memref<80x125xi32, #tpu.memory_space<vmem>>)
      tpu.yield
    }) : () -> ()
    %scan3A = arith.constant 0 : i32
    %scan3A_1 = arith.constant 0 : i32
    %scan3A_2 = arith.constant 40 : i32
    %scan3A_3 = arith.addi %scan3A_1, %scan3A_2 : i32
    %scan3A_4 = arith.constant 1 : i32
    %scan3A_5 = scf.for %scan3A_40 = %scan3A_1 to %scan3A_3 step %scan3A_4 iter_args(%scan3A_41 = %scan3A) -> (i32)  : i32 {
      %broadcast_in_dim3A = arith.constant 0.000000e+00 : f32
      %broadcast_in_dim3A_42 = vector.broadcast %broadcast_in_dim3A : f32 to vector<16xf32>
      %mul3A_43 = arith.constant 16 : i32
      %mul3A_44 = arith.muli %scan3A_40, %mul3A_43 : i32
      %swap3A = arith.index_cast %mul3A_44 : i32 to index
      %swap3A_45 = tpu.vector_load %arg8[%swap3A] {strides = array<i32>} : memref<640xf32, #tpu.memory_space<vmem>>, vector<16xf32>,
      %swap3A_46 = vector.shape_cast %swap3A_45 : vector<16xf32> to vector<16xf32>
      %swap3A_47 = vector.shape_cast %broadcast_in_dim3A_42 : vector<16xf32> to vector<16xf32>
      tpu.vector_store %arg8[%swap3A], %swap3A_47 {strides = array<i32>} : memref<640xf32, #tpu.memory_space<vmem>>, vector<16xf32>,
      %scan3A_48 = arith.constant 0 : i32
      scf.yield %scan3A_48 : i32
    }
    %scan3A_6 = arith.constant 40 : i32
    %scan3A_7 = arith.constant 0 : i32
    %scan3A_8 = arith.constant 0 : i32
    %scan3A_9 = arith.constant 8 : i32
    %scan3A_10 = arith.addi %scan3A_8, %scan3A_9 : i32
    %scan3A_11 = arith.constant 1 : i32
    %scan3A_12 = scf.for %scan3A_40 = %scan3A_8 to %scan3A_10 step %scan3A_11 iter_args(%scan3A_41 = %scan3A_7) -> (i32)  : i32 {
      %broadcast_in_dim3A = arith.constant 1.000000e+00 : f32
      %broadcast_in_dim3A_42 = vector.broadcast %broadcast_in_dim3A : f32 to vector<16xf32>
      %mul3A_43 = arith.constant 16 : i32
      %mul3A_44 = arith.muli %scan3A_40, %mul3A_43 : i32
      %swap3A = arith.index_cast %mul3A_44 : i32 to index
      %swap3A_45 = tpu.vector_load %arg7[%swap3A] {strides = array<i32>} : memref<128xf32, #tpu.memory_space<vmem>>, vector<16xf32>,
      %swap3A_46 = vector.shape_cast %swap3A_45 : vector<16xf32> to vector<16xf32>
      %swap3A_47 = vector.shape_cast %broadcast_in_dim3A_42 : vector<16xf32> to vector<16xf32>
      tpu.vector_store %arg7[%swap3A], %swap3A_47 {strides = array<i32>} : memref<128xf32, #tpu.memory_space<vmem>>, vector<16xf32>,
      %scan3A_48 = arith.constant 0 : i32
      scf.yield %scan3A_48 : i32
    }
    %scan3A_13 = arith.constant 8 : i32
    %mul3A_14 = arith.constant 640 : i32
    %mul3A_15 = arith.muli %arg1, %mul3A_14 : i32
    "tpu.region"() ({
      %run_scoped3A = tpu.sem_alloc : memref<!tpu.dma_semaphore, #tpu.memory_space<semaphore_mem>>
      %dma_start3A = tpu.memref_slice %arg5[%mul3A_15] : memref<10240xf32, #tpu.memory_space<vmem_shared>> -> memref<640xf32, #tpu.memory_space<vmem_shared>>
      %dma_start3A_40 = tpu.memref_slice %arg5[%mul3A_15] : memref<10240xf32, #tpu.memory_space<vmem_shared>> -> memref<640xf32, #tpu.memory_space<vmem_shared>>
      tpu.enqueue_dma source(%arg8 : memref<640xf32, #tpu.memory_space<vmem>>) target(%dma_start3A_40 : memref<640xf32, #tpu.memory_space<vmem_shared>>) target_semaphore(%run_scoped3A : memref<!tpu.dma_semaphore, #tpu.memory_space<semaphore_mem>>)
      %dma_wait3A = tpu.memref_slice %arg5[%mul3A_15] : memref<10240xf32, #tpu.memory_space<vmem_shared>> -> memref<640xf32, #tpu.memory_space<vmem_shared>>
      %dma_wait3A_41 = tpu.memref_slice %arg5[%mul3A_15] : memref<10240xf32, #tpu.memory_space<vmem_shared>> -> memref<640xf32, #tpu.memory_space<vmem_shared>>
      tpu.wait_dma2 semaphore(%run_scoped3A : memref<!tpu.dma_semaphore, #tpu.memory_space<semaphore_mem>>) src(%arg8 : memref<640xf32, #tpu.memory_space<vmem>>) dst(%dma_wait3A_41 : memref<640xf32, #tpu.memory_space<vmem_shared>>)
      tpu.yield
    }) : () -> ()
    %barrier3A = arith.constant 0 : index
    tpu.barrier barrier_id(%barrier3A)
    %scan3A_16 = arith.constant 0 : i32
    %scan3A_17 = arith.constant 0 : i32
    %scan3A_18 = arith.constant 80 : i32
    %scan3A_19 = arith.addi %scan3A_17, %scan3A_18 : i32
    %scan3A_20 = arith.constant 1 : i32
    %scan3A_21 = scf.for %scan3A_40 = %scan3A_17 to %scan3A_19 step %scan3A_20 iter_args(%scan3A_41 = %scan3A_16) -> (i32)  : i32 {
      %dma_start3A = arith.constant 0 : i32
      %dma_start3A_42 = tpu.memref_slice %arg7[%dma_start3A] : memref<128xf32, #tpu.memory_space<vmem>> -> memref<125xf32, #tpu.memory_space<vmem>>
      %dma_start3A_43 = arith.constant 0 : i32
      %dma_start3A_44 = tpu.memref_slice %arg6[%scan3A_40, %dma_start3A_43] : memref<80x125xi32, #tpu.memory_space<vmem>> -> memref<1x125xi32, #tpu.memory_space<vmem>>
      %dma_start3A_45 = tpu.memref_squeeze %dma_start3A_44 : memref<1x125xi32, #tpu.memory_space<vmem>> -> memref<125xi32, #tpu.memory_space<vmem>>
      %dma_start3A_46 = arith.constant 0 : i32
      %dma_start3A_47 = tpu.memref_slice %arg5[%dma_start3A_46] : memref<10240xf32, #tpu.memory_space<vmem_shared>> -> memref<10240xf32, #tpu.memory_space<vmem_shared>>
      tpu.enqueue_indirect_dma source(%dma_start3A_42 : memref<125xf32, #tpu.memory_space<vmem>>) target(%dma_start3A_47 : memref<10240xf32, #tpu.memory_space<vmem_shared>>) offsets(%dma_start3A_45 : memref<125xi32, #tpu.memory_space<vmem>>) semaphore(%arg9 : memref<!tpu.dma_semaphore, #tpu.memory_space<semaphore_mem>>) {add = true}
      %scan3A_48 = arith.constant 0 : i32
      scf.yield %scan3A_48 : i32
    }
    %scan3A_22 = arith.constant 80 : i32
    %scan3A_23 = arith.constant 0 : i32
    %scan3A_24 = arith.constant 0 : i32
    %scan3A_25 = arith.constant 80 : i32
    %scan3A_26 = arith.addi %scan3A_24, %scan3A_25 : i32
    %scan3A_27 = arith.constant 1 : i32
    %scan3A_28 = scf.for %scan3A_40 = %scan3A_24 to %scan3A_26 step %scan3A_27 iter_args(%scan3A_41 = %scan3A_23) -> (i32)  : i32 {
      %dma_wait3A = arith.constant 0 : i32
      %dma_wait3A_42 = tpu.memref_slice %arg7[%dma_wait3A] : memref<128xf32, #tpu.memory_space<vmem>> -> memref<125xf32, #tpu.memory_space<vmem>>
      %dma_wait3A_43 = arith.constant 0 : i32
      %dma_wait3A_44 = tpu.memref_slice %arg6[%scan3A_40, %dma_wait3A_43] : memref<80x125xi32, #tpu.memory_space<vmem>> -> memref<1x125xi32, #tpu.memory_space<vmem>>
      %dma_wait3A_45 = tpu.memref_squeeze %dma_wait3A_44 : memref<1x125xi32, #tpu.memory_space<vmem>> -> memref<125xi32, #tpu.memory_space<vmem>>
      %dma_wait3A_46 = arith.constant 0 : i32
      %dma_wait3A_47 = tpu.memref_slice %arg5[%dma_wait3A_46] : memref<10240xf32, #tpu.memory_space<vmem_shared>> -> memref<10240xf32, #tpu.memory_space<vmem_shared>>
      tpu.wait_indirect_dma semaphore(%arg9 : memref<!tpu.dma_semaphore, #tpu.memory_space<semaphore_mem>>) src(%dma_wait3A_42 : memref<125xf32, #tpu.memory_space<vmem>>) dst(%dma_wait3A_47 : memref<10240xf32, #tpu.memory_space<vmem_shared>>)
      %scan3A_48 = arith.constant 0 : i32
      scf.yield %scan3A_48 : i32
    }
    %scan3A_29 = arith.constant 80 : i32
    %barrier3A_30 = arith.constant 0 : index
    tpu.barrier barrier_id(%barrier3A_30)
    %mul3A_31 = arith.constant 640 : i32
    %mul3A_32 = arith.muli %arg1, %mul3A_31 : i32
    %eq3A = arith.constant 0 : i32
    %eq3A_33 = arith.cmpi eq, %arg0, %eq3A : i32
    %convert_element_type3A = arith.extui %eq3A_33 : i1 to i32
    %cond3A = arith.constant 0 : i32
    %cond3A_34 = arith.cmpi ne, %convert_element_type3A, %cond3A : i32
    scf.if %cond3A_34 {
      "tpu.region"() ({
        %run_scoped3A = tpu.sem_alloc : memref<!tpu.dma_semaphore, #tpu.memory_space<semaphore_mem>>
        %dma_start3A = tpu.memref_slice %arg3[%mul3A_32] : memref<10240xf32, #tpu.memory_space<hbm>> -> memref<640xf32, #tpu.memory_space<hbm>>
        %dma_start3A_40 = tpu.memref_slice %arg5[%mul3A_32] : memref<10240xf32, #tpu.memory_space<vmem_shared>> -> memref<640xf32, #tpu.memory_space<vmem_shared>>
        tpu.enqueue_dma source(%dma_start3A_40 : memref<640xf32, #tpu.memory_space<vmem_shared>>) target(%dma_start3A : memref<640xf32, #tpu.memory_space<hbm>>) target_semaphore(%run_scoped3A : memref<!tpu.dma_semaphore, #tpu.memory_space<semaphore_mem>>)
        %dma_wait3A = tpu.memref_slice %arg3[%mul3A_32] : memref<10240xf32, #tpu.memory_space<hbm>> -> memref<640xf32, #tpu.memory_space<hbm>>
        %dma_wait3A_41 = tpu.memref_slice %arg5[%mul3A_32] : memref<10240xf32, #tpu.memory_space<vmem_shared>> -> memref<640xf32, #tpu.memory_space<vmem_shared>>
        tpu.wait_dma2 semaphore(%run_scoped3A : memref<!tpu.dma_semaphore, #tpu.memory_space<semaphore_mem>>) src(%dma_wait3A_41 : memref<640xf32, #tpu.memory_space<vmem_shared>>) dst(%dma_wait3A : memref<640xf32, #tpu.memory_space<hbm>>)
        tpu.yield
      }) : () -> ()
    } else {
    }
    %eq3A_35 = arith.constant 1 : i32
    %eq3A_36 = arith.cmpi eq, %arg0, %eq3A_35 : i32
    %convert_element_type3A_37 = arith.extui %eq3A_36 : i1 to i32
    %cond3A_38 = arith.constant 0 : i32
    %cond3A_39 = arith.cmpi ne, %convert_element_type3A_37, %cond3A_38 : i32
    scf.if %cond3A_39 {
      "tpu.region"() ({
        %run_scoped3A = tpu.sem_alloc : memref<!tpu.dma_semaphore, #tpu.memory_space<semaphore_mem>>
        %dma_start3A = tpu.memref_slice %arg4[%mul3A_32] : memref<10240xf32, #tpu.memory_space<hbm>> -> memref<640xf32, #tpu.memory_space<hbm>>
        %dma_start3A_40 = tpu.memref_slice %arg5[%mul3A_32] : memref<10240xf32, #tpu.memory_space<vmem_shared>> -> memref<640xf32, #tpu.memory_space<vmem_shared>>
        tpu.enqueue_dma source(%dma_start3A_40 : memref<640xf32, #tpu.memory_space<vmem_shared>>) target(%dma_start3A : memref<640xf32, #tpu.memory_space<hbm>>) target_semaphore(%run_scoped3A : memref<!tpu.dma_semaphore, #tpu.memory_space<semaphore_mem>>)
        %dma_wait3A = tpu.memref_slice %arg4[%mul3A_32] : memref<10240xf32, #tpu.memory_space<hbm>> -> memref<640xf32, #tpu.memory_space<hbm>>
        %dma_wait3A_41 = tpu.memref_slice %arg5[%mul3A_32] : memref<10240xf32, #tpu.memory_space<vmem_shared>> -> memref<640xf32, #tpu.memory_space<vmem_shared>>
        tpu.wait_dma2 semaphore(%run_scoped3A : memref<!tpu.dma_semaphore, #tpu.memory_space<semaphore_mem>>) src(%dma_wait3A_41 : memref<640xf32, #tpu.memory_space<vmem_shared>>) dst(%dma_wait3A : memref<640xf32, #tpu.memory_space<hbm>>)
        tpu.yield
      }) : () -> ()
    } else {
    }
    return
  }
}

module attributes {stable_mosaic.version = 14 : i64} {
  func.func @_scale_body(%arg0: memref<10240x128xf32, #tpu.memory_space<vmem>>, %arg1: memref<10240x1xf32, #tpu.memory_space<vmem>>, %arg2: memref<10240x1xf32, #tpu.memory_space<vmem>>, %arg3: memref<10240x128xf32, #tpu.memory_space<vmem>>, %arg4: memref<10240x1xf32, #tpu.memory_space<vmem>>) attributes {dimension_semantics = [], scalar_prefetch = 0 : i64, scratch_operands = 0 : i64, tpu.core_type = #tpu.core_type<tc>} {
    %get3A = arith.constant 0 : index
    %get3A_0 = arith.constant 0 : index
    %get3A_1 = vector.load %arg1[%get3A, %get3A_0] : memref<10240x1xf32, #tpu.memory_space<vmem>>, vector<10240x1xf32>
    %get3A_2 = arith.constant 0 : index
    %get3A_3 = arith.constant 0 : index
    %get3A_4 = vector.load %arg2[%get3A_2, %get3A_3] : memref<10240x1xf32, #tpu.memory_space<vmem>>, vector<10240x1xf32>
    %add3A = arith.addf %get3A_1, %get3A_4 : vector<10240x1xf32>
    %add3A_5 = arith.constant 1.000000e+00 : f32
    %add3A_6 = vector.broadcast %add3A_5 : f32 to vector<10240x1xf32>
    %add3A_7 = arith.addf %add3A, %add3A_6 : vector<10240x1xf32>
    %rsqrt3A = math.rsqrt %add3A_7 : vector<10240x1xf32>
    %get3A_8 = arith.constant 0 : index
    %get3A_9 = arith.constant 0 : index
    %get3A_10 = vector.load %arg0[%get3A_8, %get3A_9] : memref<10240x128xf32, #tpu.memory_space<vmem>>, vector<10240x128xf32>
    %mul3A = vector.broadcast %rsqrt3A : vector<10240x1xf32> to vector<10240x128xf32>
    %mul3A_11 = arith.mulf %get3A_10, %mul3A : vector<10240x128xf32>
    %swap3A = arith.constant 0 : index
    %swap3A_12 = arith.constant 0 : index
    %swap3A_13 = vector.load %arg3[%swap3A, %swap3A_12] : memref<10240x128xf32, #tpu.memory_space<vmem>>, vector<10240x128xf32>
    tpu.vector_store %arg3[%swap3A, %swap3A_12], %mul3A_11 {strides = array<i32>} : memref<10240x128xf32, #tpu.memory_space<vmem>>, vector<10240x128xf32>,
    %swap3A_14 = arith.constant 0 : index
    %swap3A_15 = arith.constant 0 : index
    %swap3A_16 = vector.load %arg4[%swap3A_14, %swap3A_15] : memref<10240x1xf32, #tpu.memory_space<vmem>>, vector<10240x1xf32>
    tpu.vector_store %arg4[%swap3A_14, %swap3A_15], %rsqrt3A {strides = array<i32>} : memref<10240x1xf32, #tpu.memory_space<vmem>>, vector<10240x1xf32>,
    return
  }
}

module attributes {stable_mosaic.version = 14 : i64} {
  func.func @_mm_body(%arg0: memref<2x10240x128xf32, #tpu.memory_space<vmem>>, %arg1: memref<10240x128xf32, #tpu.memory_space<vmem>>, %arg2: memref<10240x1xf32, #tpu.memory_space<vmem>>, %arg3: memref<128x128xf32, #tpu.memory_space<vmem>>, %arg4: memref<1x128xf32, #tpu.memory_space<vmem>>, %arg5: memref<128x16xf32, #tpu.memory_space<vmem>>, %arg6: memref<1x16xf32, #tpu.memory_space<vmem>>, %arg7: memref<10240x16xf32, #tpu.memory_space<vmem>>) attributes {dimension_semantics = [], scalar_prefetch = 0 : i64, scratch_operands = 0 : i64, tpu.core_type = #tpu.core_type<tc>} {
    %get3A = arith.constant 0 : index
    %get3A_0 = arith.constant 0 : index
    %get3A_1 = vector.load %arg2[%get3A, %get3A_0] : memref<10240x1xf32, #tpu.memory_space<vmem>>, vector<10240x1xf32>
    %get3A_2 = arith.constant 0 : index
    %get3A_3 = arith.constant 0 : index
    %get3A_4 = arith.constant 0 : index
    %get3A_5 = vector.load %arg0[%get3A_2, %get3A_3, %get3A_4] : memref<2x10240x128xf32, #tpu.memory_space<vmem>>, vector<1x10240x128xf32>
    %get3A_6 = vector.shape_cast %get3A_5 : vector<1x10240x128xf32> to vector<10240x128xf32>
    %get3A_7 = arith.constant 1 : index
    %get3A_8 = arith.constant 0 : index
    %get3A_9 = arith.constant 0 : index
    %get3A_10 = vector.load %arg0[%get3A_7, %get3A_8, %get3A_9] : memref<2x10240x128xf32, #tpu.memory_space<vmem>>, vector<1x10240x128xf32>
    %get3A_11 = vector.shape_cast %get3A_10 : vector<1x10240x128xf32> to vector<10240x128xf32>
    %add3A = arith.addf %get3A_6, %get3A_11 : vector<10240x128xf32>
    %get3A_12 = arith.constant 0 : index
    %get3A_13 = arith.constant 0 : index
    %get3A_14 = vector.load %arg1[%get3A_12, %get3A_13] : memref<10240x128xf32, #tpu.memory_space<vmem>>, vector<10240x128xf32>
    %sub3A = arith.subf %add3A, %get3A_14 : vector<10240x128xf32>
    %mul3A = vector.broadcast %get3A_1 : vector<10240x1xf32> to vector<10240x128xf32>
    %mul3A_15 = arith.mulf %mul3A, %sub3A : vector<10240x128xf32>
    %get3A_16 = arith.constant 0 : index
    %get3A_17 = arith.constant 0 : index
    %get3A_18 = vector.load %arg3[%get3A_16, %get3A_17] : memref<128x128xf32, #tpu.memory_space<vmem>>, vector<128x128xf32>
    %dot_general3A = arith.constant dense<0.000000e+00> : vector<10240x128xf32>
    %dot_general3A_19 = tpu.matmul %mul3A_15, %get3A_18, %dot_general3A {dimension_numbers = #tpu.dot_dimension_numbers<[1], [0], [0], [1], [0, 0, 1, 1], [], []>, transpose_lhs_hint = false} : vector<10240x128xf32>, vector<128x128xf32>, vector<10240x128xf32> -> vector<10240x128xf32>
    %get3A_20 = arith.constant 0 : index
    %get3A_21 = arith.constant 0 : index
    %get3A_22 = vector.load %arg4[%get3A_20, %get3A_21] : memref<1x128xf32, #tpu.memory_space<vmem>>, vector<1x128xf32>
    %add3A_23 = vector.broadcast %get3A_22 : vector<1x128xf32> to vector<10240x128xf32>
    %add3A_24 = arith.addf %dot_general3A_19, %add3A_23 : vector<10240x128xf32>
    %gt3A = arith.constant 0.000000e+00 : f32
    %gt3A_25 = vector.broadcast %gt3A : f32 to vector<10240x128xf32>
    %gt3A_26 = arith.cmpf ogt, %add3A_24, %gt3A_25 : vector<10240x128xf32>
    %exp3A = math.exp %add3A_24 : vector<10240x128xf32>
    %sub3A_27 = arith.constant 1.000000e+00 : f32
    %sub3A_28 = vector.broadcast %sub3A_27 : f32 to vector<10240x128xf32>
    %sub3A_29 = arith.subf %exp3A, %sub3A_28 : vector<10240x128xf32>
    %select_n3A = arith.select %gt3A_26, %add3A_24, %sub3A_29 : vector<10240x128xi1>, vector<10240x128xf32>
    %get3A_30 = arith.constant 0 : index
    %get3A_31 = arith.constant 0 : index
    %get3A_32 = vector.load %arg5[%get3A_30, %get3A_31] : memref<128x16xf32, #tpu.memory_space<vmem>>, vector<128x16xf32>
    %dot_general3A_33 = arith.constant dense<0.000000e+00> : vector<10240x16xf32>
    %dot_general3A_34 = tpu.matmul %select_n3A, %get3A_32, %dot_general3A_33 {dimension_numbers = #tpu.dot_dimension_numbers<[1], [0], [0], [1], [0, 0, 1, 1], [], []>, transpose_lhs_hint = false} : vector<10240x128xf32>, vector<128x16xf32>, vector<10240x16xf32> -> vector<10240x16xf32>
    %mul3A_35 = vector.broadcast %get3A_1 : vector<10240x1xf32> to vector<10240x16xf32>
    %mul3A_36 = arith.mulf %mul3A_35, %dot_general3A_34 : vector<10240x16xf32>
    %swap3A = arith.constant 0 : index
    %swap3A_37 = arith.constant 0 : index
    %swap3A_38 = vector.load %arg7[%swap3A, %swap3A_37] : memref<10240x16xf32, #tpu.memory_space<vmem>>, vector<10240x16xf32>
    tpu.vector_store %arg7[%swap3A, %swap3A_37], %mul3A_36 {strides = array<i32>} : memref<10240x16xf32, #tpu.memory_space<vmem>>, vector<10240x16xf32>,
    return
  }
}

module attributes {stable_mosaic.version = 14 : i64} {
  func.func @_pool_body(%arg0: memref<2x10240x16xf32, #tpu.memory_space<vmem>>, %arg1: memref<10240x16xf32, #tpu.memory_space<vmem>>, %arg2: memref<10240x1xf32, #tpu.memory_space<vmem>>, %arg3: memref<1x10240xi32, #tpu.memory_space<vmem>>, %arg4: memref<1x16xf32, #tpu.memory_space<vmem>>, %arg5: memref<16x16xf32, #tpu.memory_space<vmem>>) attributes {dimension_semantics = [], scalar_prefetch = 0 : i64, scratch_operands = 0 : i64, tpu.core_type = #tpu.core_type<tc>} {
    %get3A = arith.constant 0 : index
    %get3A_0 = arith.constant 0 : index
    %get3A_1 = vector.load %arg2[%get3A, %get3A_0] : memref<10240x1xf32, #tpu.memory_space<vmem>>, vector<10240x1xf32>
    %get3A_2 = arith.constant 0 : index
    %get3A_3 = arith.constant 0 : index
    %get3A_4 = arith.constant 0 : index
    %get3A_5 = vector.load %arg0[%get3A_2, %get3A_3, %get3A_4] : memref<2x10240x16xf32, #tpu.memory_space<vmem>>, vector<1x10240x16xf32>
    %get3A_6 = vector.shape_cast %get3A_5 : vector<1x10240x16xf32> to vector<10240x16xf32>
    %get3A_7 = arith.constant 1 : index
    %get3A_8 = arith.constant 0 : index
    %get3A_9 = arith.constant 0 : index
    %get3A_10 = vector.load %arg0[%get3A_7, %get3A_8, %get3A_9] : memref<2x10240x16xf32, #tpu.memory_space<vmem>>, vector<1x10240x16xf32>
    %get3A_11 = vector.shape_cast %get3A_10 : vector<1x10240x16xf32> to vector<10240x16xf32>
    %add3A = arith.addf %get3A_6, %get3A_11 : vector<10240x16xf32>
    %get3A_12 = arith.constant 0 : index
    %get3A_13 = arith.constant 0 : index
    %get3A_14 = vector.load %arg1[%get3A_12, %get3A_13] : memref<10240x16xf32, #tpu.memory_space<vmem>>, vector<10240x16xf32>
    %sub3A = arith.subf %add3A, %get3A_14 : vector<10240x16xf32>
    %mul3A = vector.broadcast %get3A_1 : vector<10240x1xf32> to vector<10240x16xf32>
    %mul3A_15 = arith.mulf %mul3A, %sub3A : vector<10240x16xf32>
    %get3A_16 = arith.constant 0 : index
    %get3A_17 = arith.constant 0 : index
    %get3A_18 = vector.load %arg4[%get3A_16, %get3A_17] : memref<1x16xf32, #tpu.memory_space<vmem>>, vector<1x16xf32>
    %add3A_19 = vector.broadcast %get3A_18 : vector<1x16xf32> to vector<10240x16xf32>
    %add3A_20 = arith.addf %mul3A_15, %add3A_19 : vector<10240x16xf32>
    %get3A_21 = arith.constant 0 : index
    %get3A_22 = arith.constant 0 : index
    %get3A_23 = vector.load %arg3[%get3A_21, %get3A_22] : memref<1x10240xi32, #tpu.memory_space<vmem>>, vector<1x10240xi32>
    %broadcast_in_dim3A = vector.shape_cast %get3A_23 : vector<1x10240xi32> to vector<1x10240xi32>
    %broadcast_in_dim3A_24 = vector.broadcast %broadcast_in_dim3A : vector<1x10240xi32> to vector<16x10240xi32>
    %iota3A = tpu.iota {dimensions = array<i32: 0>} : vector<16x10240xi32>
    %eq3A = arith.cmpi eq, %broadcast_in_dim3A_24, %iota3A : vector<16x10240xi32>
    %convert_element_type3A = arith.extui %eq3A : vector<16x10240xi1> to vector<16x10240xi32>
    %convert_element_type3A_25 = arith.sitofp %convert_element_type3A : vector<16x10240xi32> to vector<16x10240xf32>
    %reduce_sum3A = arith.constant dense<0.000000e+00> : vector<16xf32>
    %reduce_sum3A_26 = vector.multi_reduction <add>, %convert_element_type3A_25, %reduce_sum3A [1] : vector<16x10240xf32> to vector<16xf32>
    %broadcast_in_dim3A_27 = vector.shape_cast %reduce_sum3A_26 : vector<16xf32> to vector<16x1xf32>
    %dot_general3A = arith.constant dense<0.000000e+00> : vector<16x16xf32>
    %dot_general3A_28 = tpu.matmul %convert_element_type3A_25, %add3A_20, %dot_general3A {dimension_numbers = #tpu.dot_dimension_numbers<[1], [0], [0], [1], [0, 0, 1, 1], [], []>, transpose_lhs_hint = false} : vector<16x10240xf32>, vector<10240x16xf32>, vector<16x16xf32> -> vector<16x16xf32>
    %max3A = arith.constant 1.000000e+00 : f32
    %max3A_29 = vector.broadcast %max3A : f32 to vector<16x1xf32>
    %max3A_30 = arith.maximumf %broadcast_in_dim3A_27, %max3A_29 : vector<16x1xf32>
    %div3A = vector.broadcast %max3A_30 : vector<16x1xf32> to vector<16x16xf32>
    %div3A_31 = arith.divf %dot_general3A_28, %div3A : vector<16x16xf32>
    %swap3A = arith.constant 0 : index
    %swap3A_32 = arith.constant 0 : index
    %swap3A_33 = vector.load %arg5[%swap3A, %swap3A_32] : memref<16x16xf32, #tpu.memory_space<vmem>>, vector<16x16xf32>
    tpu.vector_store %arg5[%swap3A, %swap3A_32], %div3A_31 {strides = array<i32>} : memref<16x16xf32, #tpu.memory_space<vmem>>, vector<16x16xf32>,
    return
  }
}

</mosaic_0001>

<sc_bundles>
// kernel: kernel.11.cloned.1.call-start
scs
__scs_entry_jumppad:
0x0: {  	(pc) =	sbr.rel $0x88, $3  }
0x1: {  	(tag) =	ssettag $0x0;
	lr =	simm.s32 $0x1  }
0x2: {  	[smem:$0x3F9A] =	sst lr;
	_ =	strace $0xD0000000  }
0x3: {  	_ = 	snop  }
0x4: {  	_ = 	snop  }
0x5: {  	_ = 	snop  }
0x6: {  	_ = 	snop  }
0x7: {  	_ = 	snop  }
__scs_overlays_trampoline_lowered:
0x8: {  	[smem:$0x3FA9] =	sst s0  }
0x9: {  	[smem:$0x3FAA] =	sst s1  }
0xa: {  	[smem:$0x3FAB] =	sst s2  }
0xb: {  	[smem:$0x3FAC] =	sst s3  }
0xc: {  	[smem:$0x3FAD] =	sst s4  }
0xd: {  	[smem:$0x3FAE] =	sst s5  }
0xe: {  	[smem:$0x3FAF] =	sst s6  }
0xf: {  	[smem:$0x3FB0] =	sst s7  }
0x10: {  	[smem:$0x3FB1] =	sst s8  }
0x11: {  	[smem:$0x3FB2] =	sst s9;
	s0 =	simm.s32 @!p0 $0x0  }
0x12: {  	s1 =	sld [smem:$0x3F98];
	s0 =	simm.s32 @p0 $0x1  }
0x13: {  	[smem:$0x3FB3] =	sst s0;
	s0 =	simm.s32 @!p1 $0x0  }
0x14: {  	s2 =	sld [smem:$0x3F97];
	s0 =	simm.s32 @p1 $0x1  }
0x15: {  	[smem:$0x3FB4] =	sst s0;
	s0 =	simm.s32 @!p2 $0x0  }
0x16: {  	s3 =	sld [smem:$0x3FDB];
	s0 =	simm.s32 @p2 $0x1  }
0x17: {  	s4 =	simm.s32 $0x1BF5;
	[smem:$0x3FB6] =	sst s0  }
0x18: {  	s0 =	sld [smem:$0x3F99];
	_ =	swait.ge [sflag:s4], $0x0  }
0x19: {  	s7 =	sld [smem:$0x3F9A]  }
0x1a: {  	s8 =	sadd.s32 $0xFFFFE003, lr  }
0x1b: {  	s9 =	sadd.s32 $0xFFFFFEF7, lr;
	s5 =	simm.s32 $0xFFFFFFFF;
	p2 =	slt.u32 s8, $0xFFFFF086  }
0x1c: {  	p1 =	slt.u32 s9, $0xF7A;
	s5 =	simm.s32 @!p2 $0x0  }
0x1d: {  	s5 =	simm.s32 @p1 $0x1;
	p0 =	seq.s32 s7, s2  }
0x1e: {  	s7 =	smul.u32 @!p0 $0xF7A, s2;
	p2 =	seq.s32 @!p0 s5, $0x0  }
0x1f: {  	s9 =	smul.u32 $0xF7A, s1;
	s8 =	simm.s32 @!p0 $0x1BF5;
	p2 =	por !p2, p0  }
0x20: {  	[sflag:s8] =	ssyncset.s32 @!p0 $0xFFFFF086;
	s6 =	sadd.s32 @!p0 s3, s7;
	s7 =	simm.s32 @!p0 $0x108  }
0x21: {  	s3 =	sadd.s32 s3, s9;
	s6 =	sadd.s32 @!p0 $0x88, s6;
	s7 =	simm.s32 @p2 $0x1082  }
0x22: {  	[simem:s7], [sflag:s8] =	dma.local @!p0 [hbm:s6], $0xF7A  }
0x23: {  	s9 =	sor.u32 $0xD0000000, s2;
	s6 =	simm.s32 $0x108;
	_ =	swait.ge @!p0 [sflag:s8], $0x0  }
0x24: {  	s3 =	sadd.s32 $0x88, s3;
	s6 =	simm.s32 @!p1 $0x1082;
	[sflag:s4] =	ssyncset.s32 $0xFFFFF086  }
0x25: {  	[simem:s6], [sflag:s4] =	dma.local [hbm:s3], $0xF7A  }
0x26: {  	[smem:$0x3F9A] =	sst s1;
	(tag) =	ssettag s2;
	_ =	strace s9  }
0x27: {  	s1 =	sld [smem:$0x3FAA]  }
0x28: {  	s2 =	sld [smem:$0x3FAB]  }
0x29: {  	s4 =	sld [smem:$0x3FAD]  }
0x2a: {  	p0 =	seq.s32 s5, $0x0;
	s5 =	sld [smem:$0x3FAE]  }
0x2b: {  	s6 =	sld [smem:$0x3FAF]  }
0x2c: {  	s7 =	sld [smem:$0x3FB0]  }
0x2d: {  	s3 =	simm.s32 $0x108;
	s8 =	sld [smem:$0x3FB1]  }
0x2e: {  	s3 =	simm.s32 @!p0 $0x1082;
	s9 =	sld [smem:$0x3FB2]  }
0x2f: {  	lr =	sadd.s32 s0, s3;
	s0 =	sld [smem:$0x3FA9]  }
0x30: {  	s3 =	sld [smem:$0x3FAC]  }
0x31: {  	[smem:$0x3FB5] =	sst s10  }
0x32: {  	s10 =	sld [smem:$0x3FB3];
	_ =	sdelay $0x3  }
0x33: {  	p0 =	seq.s32 s10, $0x1;
	s10 =	sld [smem:$0x3FB5];
	_ =	sdelay $0x3  }
0x34: {  	[smem:$0x3FB5] =	sst s10  }
0x35: {  	s10 =	sld [smem:$0x3FB4];
	_ =	sdelay $0x3  }
0x36: {  	p1 =	seq.s32 s10, $0x1;
	s10 =	sld [smem:$0x3FB5];
	_ =	sdelay $0x3  }
0x37: {  	[smem:$0x3FB5] =	sst s10  }
0x38: {  	s10 =	sld [smem:$0x3FB6]  }
0x39: {  	_ = 	snop;
	(pc) =	sbr.ind lr, $3  }
0x3a: {  	_ = 	snop  }
0x3b: {  	_ = 	snop  }
0x3c: {  	p2 =	seq.s32 s10, $0x1;
	s10 =	sld [smem:$0x3FB5]  }
0x3d: {  	_ =	shalt  }
0x3e: {  	_ =	shalt  }
0x3f: {  	_ =	shalt  }
0x40: {  	_ =	shalt  }
0x41: {  	_ =	shalt  }
0x42: {  	_ =	shalt  }
0x43: {  	_ =	shalt  }
0x44: {  	_ =	shalt  }
0x45: {  	_ =	shalt  }
0x46: {  	_ =	shalt  }
0x47: {  	_ =	shalt  }
0x48: {  	_ =	shalt  }
0x49: {  	_ =	shalt  }
0x4a: {  	_ =	shalt  }
0x4b: {  	_ =	shalt  }
0x4c: {  	_ =	shalt  }
0x4d: {  	_ =	shalt  }
0x4e: {  	_ =	shalt  }
0x4f: {  	_ =	shalt  }
0x50: {  	_ =	shalt  }
0x51: {  	_ =	shalt  }
0x52: {  	_ =	shalt  }
0x53: {  	_ =	shalt  }
0x54: {  	_ =	shalt  }
0x55: {  	_ =	shalt  }
0x56: {  	_ =	shalt  }
0x57: {  	_ =	shalt  }
0x58: {  	_ =	shalt  }
0x59: {  	_ =	shalt  }
0x5a: {  	_ =	shalt  }
0x5b: {  	_ =	shalt  }
0x5c: {  	_ =	shalt  }
0x5d: {  	_ =	shalt  }
0x5e: {  	_ =	shalt  }
0x5f: {  	_ =	shalt  }
0x60: {  	_ =	shalt  }
0x61: {  	_ =	shalt  }
0x62: {  	_ =	shalt  }
0x63: {  	_ =	shalt  }
0x64: {  	_ =	shalt  }
0x65: {  	_ =	shalt  }
0x66: {  	_ =	shalt  }
0x67: {  	_ =	shalt  }
0x68: {  	_ =	shalt  }
0x69: {  	_ =	shalt  }
0x6a: {  	_ =	shalt  }
0x6b: {  	_ =	shalt  }
0x6c: {  	_ =	shalt  }
0x6d: {  	_ =	shalt  }
0x6e: {  	_ =	shalt  }
0x6f: {  	_ =	shalt  }
0x70: {  	_ =	shalt  }
0x71: {  	_ =	shalt  }
0x72: {  	_ =	shalt  }
0x73: {  	_ =	shalt  }
0x74: {  	_ =	shalt  }
0x75: {  	_ =	shalt  }
0x76: {  	_ =	shalt  }
0x77: {  	_ =	shalt  }
0x78: {  	_ =	shalt  }
0x79: {  	_ =	shalt  }
0x7a: {  	_ =	shalt  }
0x7b: {  	_ =	shalt  }
0x7c: {  	_ =	shalt  }
0x7d: {  	_ =	shalt  }
0x7e: {  	_ =	shalt  }
0x7f: {  	_ =	shalt  }
0x80: {  	_ =	shalt  }
0x81: {  	_ =	shalt  }
0x82: {  	_ =	shalt  }
0x83: {  	_ =	shalt  }
0x84: {  	_ =	shalt  }
0x85: {  	_ =	shalt  }
0x86: {  	_ =	shalt  }
0x87: {  	_ =	shalt  }
.Lfunc_end0:
.L_simem_size_0:
called_computation.1_lowered:
.L_overlay_start_0:
0x88: {  	s2 =	sld [smem:$0x3FD9]  }
0x89: {  	s3 =	sld [smem:$0x3FFE];
	_ =	sdelay $0x1  }
0x8a: {  	s1 =	srdreg.scid  }
0x8b: {  	s0 =	sand.u32 $0x1, s1  }
0x8c: {  	s16 =	sshll.u32 s0, $0xA;
	s2 =	sadd.s32 s3, s2  }
0x8d: {  	s2 =	sadd.s32 s2, s16  }
0x8e: {  	[smem:$0x3FC1] =	sst s2  }
0x8f: {  	_ = 	snop  }
0x90: {  	(tm) =	ssettm $0x1  }
0x91: {  	s17 =	sld [smem:$0x3FFB];
	_ =	sdelay $0x3  }
0x92: {  	_ =	strace s17  }
0x93: {  	s2 =	sld [smem:$0x3FFC];
	_ =	sdelay $0x3  }
0x94: {  	_ =	strace s2  }
0x95: {  	s2 =	sld [smem:$0x3FFD];
	_ =	sdelay $0x3  }
0x96: {  	_ =	strace s2  }
0x97: {  	_ =	strace $0x8FFFFFFF  }
0x98: {  	s18 =	sld [smem:$0x3FDB];
	_ =	sdelay $0x1  }
0x99: {  	s19 =	simm.s32 $_scs_section_size  }
0x9a: {  	s4 =	simm.s32 $_size__tile_overlayer_lowered;
	s5 =	simm.s32 $_tile_overlayer_lowered  }
0x9b: {  	s22 =	simm.s32 $0x1BFF;
	s21 =	sshll.u32 s5, $0x1;
	s2 =	sadd.s32 s19, s18  }
0x9c: {  	s6 =	simm.s32 $0x0;
	s20 =	sshll.u32 s4, $0x1;
	s4 =	sadd.s32 s21, s2  }
0x9d: {  	[timem:s6], [sflag:s22] =	dma.local [hbm:s4], s20  }
0x9e: {  	_ =	swait.ge [sflag:s22], s20  }
0x9f: {  	s3 =	ssub.s32 $0x0, s20;
	[sflag:s22] =	ssyncset.done $0x0  }
0xa0: {  	[sflag:s22] =	ssyncadd.s32 s3;
	_ =	sdelay $0x1  }
0xa1: {  	s23 =	simm.s32 $0x1B8B  }
0xa2: {  	_ =	swait.ge [sflag:s23], $0x1  }
0xa3: {  	[sflag:s23] =	ssyncset.done $0x0  }
0xa4: {  	s25 =	simm.s32 $0x1B8E;
	s24 =	sld [smem:$0x3FFE];
	[sflag:s23] =	ssyncadd.s32 $0xFFFFFFFF  }
0xa5: {  	s26 =	simm.s32 $execute0_lowered;
	[smem:$0x3FD2] =	sst s25  }
0xa6: {  	s4 =	sshll.u32 s26, $0x1;
	_ =	strace $0x80000049;
	[dreg:$0x1] =	wrdreg $0xFFFFFFFF  }
0xa7: {  	s28 =	simm.s32 $_size_execute0_lowered;
	s2 =	sadd.s32 s2, s4;
	[dreg:$0x0] =	wrdreg $0x0  }
0xa8: {  	s4 =	sshll.u32 s28, $0x1;
	[dreg:$0x2] =	wrdreg s2  }
0xa9: {  	[dreg:$0x3] =	wrdreg s4  }
0xaa: {  	[dreg:$0x4] =	wrdreg $0xC0  }
0xab: {  	_ =	task [dreg:s6], $0x5FFFF  }
0xac: {  	[dreg:$0x1] =	wrdreg $0xFFFFFFFF  }
0xad: {  	[dreg:$0x0] =	wrdreg $0x60  }
0xae: {  	[dreg:$0x2] =	wrdreg s24  }
0xaf: {  	[dreg:$0x3] =	wrdreg $0x0  }
0xb0: {  	[dreg:$0x4] =	wrdreg $0x9  }
0xb1: {  	_ =	task.clear_ibuf [dreg:s6], $0x5FFFF;
	_ =	strace $0x90000049  }
0xb2: {  	s29 =	simm.s32 $0x9;
	_ =	strace $0x8000004B  }
0xb3: {  	_ =	swait.ge [sflag:s29], $0x1  }
0xb4: {  	[sflag:s29] =	ssyncadd.s32 $0xFFFFFFFF  }
0xb5: {  	_ =	strace $0x9000004B  }
0xb6: {  	_ =	sfence  }
0xb7: {  	s30 =	sld [smem:$0x0];
	_ =	sdelay $0x2  }
0xb8: {  	s31 =	sshll.u32 s1, $0xD;
	s1 =	sshrl.u32 s1, $0x2  }
0xb9: {  	s3 =	sand.u32 $0x4000, s31;
	s1 =	sadd.s32 s1, s30  }
0xba: {  	s0 =	sor.u32 s3, s0;
	s1 =	sshll.u32 s1, $0x11  }
0xbb: {  	s0 =	sor.u32 s1, s0  }
0xbc: {  	s0 =	sadd.s32 $0x8F2B, s0  }
0xbd: {  	[sflag:s0] =	ssyncadd.remote.s32 $0x1  }
0xbe: {  	_ =	sfence.sel $0xFFFF  }
0xbf: {  	[dreg:$0x0] =	wrdreg $0xFFFFFFFF;
	(pc) =	sbr.abs _section_cstart, $3  }
0xc0: {  	[dreg:$0x1] =	wrdreg $0xFFFFFFFF  }
0xc1: {  	_ =	task.clear_ibuf [dreg:s6], $0x2FFFF;
	_ =	strace $0x9FFFFFFF  }
0xc2: {  	(tm) =	ssettm $0x7FFFFFFF  }
0xc3: {  	_ =	shalt  }
tec
execute0_lowered:
.L_overlay_start_1:
0x0: {  	(tag) =	ssettag $0x1  }
0x1: {  	s5 =	rddreg [dreg:$0x0]  }
0x2: {  	s2 =	rddreg [dreg:$0x1]  }
0x3: {  	s0 =	rddreg [dreg:$0x2]  }
0x4: {  	s4 =	srdreg.scid;
	s1 =	stileid.u32  }
0x5: {  	s3 =	simm.s32 $0x0;
	s17 =	simm.s32 $0x3;
	s18 =	simm.s32 $0x7D  }
0x6: {  	s19 =	simm.s32 $0x15000;
	s20 =	simm.s32 $0x19000;
	s21 =	simm.s32 $0x1  }
0x7: {  	s22 =	simm.s32 $0x2;
	s23 =	simm.s32 $0x0;
	s7 =	smul.u32 $0x14000, s1  }
0x8: {  	s6 =	sand.u32 $0x1, s4;
	[smem:$0x7FF] =	sst s3;
	s10 =	smul.u32 $0x50000, s1  }
0x9: {  	s4 =	sadd.s32 $0x21000, s5;
	s12 =	sadd.s32 $0x17000, s5;
	s14 =	smul.u32 $0x2800, s1  }
0xa: {  	s11 =	sadd.s32 $0xD000, s5;
	s29 =	sshll.u32 s1, $0x6;
	s8 =	smul.u32 $0x140000, s6  }
0xb: {  	s9 =	sshll.u32 s6, $0x4;
	_ =	strace $0x8000004A;
	s25 =	ssub.s32 $0x2, s6  }
0xc: {  	s26 =	smul.u32 $0x28000, s6;
	s9 =	sor.u32 s1, s9;
	s28 =	sshrl.u32 s25, $0x1  }
0xd: {  	s10 =	sshrl.u32 s10, $0x2;
	s8 =	sadd.s32 s7, s8;
	s9 =	smul.u32 $0x2800, s9  }
0xe: {  	s15 =	ssub.s32 s25, s28;
	s16 =	sadd.s32 s10, s2;
	s7 =	sshrl.u32 s7, $0x3  }
0xf: {  	s8 =	sshrl.u32 s8, $0x3;
	s7 =	sadd.s32 s4, s7;
	s10 =	smax.u32 s15, $0x1  }
0x10: {  	s15 =	sshrl.u32 s16, $0x3;
	s16 =	simm.s32 $0x4;
	s13 =	sadd.s32 s8, s5  }
0x11: {  	s9 =	sshrl.u32 s9, $0x3;
	s8 =	sadd.s32 s14, s26;
	s14 =	simm.s32 $0x14800  }
0x12: {  	s5 =	sadd.s32 s12, s9;
	s6 =	sadd.s32 s11, s9;
	s30 =	sor.u32 $0x400, s8  }
0x13: {  	s8 =	sor.u32 $0x1C04, s29;
	s9 =	sadd.s32 $0x49000, s13;
	s31 =	sshrl.u32 s30, $0x3  }
0x14: {  	s13 =	simm.s32 $0x14000;
	s11 =	sadd.s32 s31, s11;
	s12 =	sadd.s32 s31, s12  }
.LBB2_1:
0x15: {  	[tilespmem:s13], [sflag:$0x3] =	stream.linear.gather [hbm4b:s5+s3], $0x400, $0x38;
	[tilespmem:$0x1D000] =	vst v63  }
0x16: {  	_ = 	snop  }
0x17: {  	[tilespmem:s14], [sflag:$0x3] =	stream.linear.gather [hbm4b:s6+s3], $0x400, $0x38;
	[tilespmem:$0x1D000] =	vst v63  }
0x18: {  	[spmem:s15], [sflag:s8] =	dma.local [hbm:s7], $0x2800  }
0x19: {  	_ =	swait.ge [sflag:s16], $0x2800  }
0x1a: {  	[sflag:s16] =	ssyncset.done $0x0  }
0x1b: {  	[sflag:s16] =	ssyncadd.s32 $0xFFFFD800  }
0x1c: {  	[bflag:$0x0] =	sbarrier.arrive $0xFFFF  }
0x1d: {  	_ =	swait.ge [sflag:s17], $0x400  }
0x1e: {  	[sflag:s17] =	ssyncset.done $0x0  }
0x1f: {  	[sflag:s17] =	ssyncadd.s32 $0xFFFFFC00  }
0x20: {  	p0 =	por $0x0, $0x0;
	_ =	swait.ge [sflag:s17], $0x400  }
0x21: {  	s24 =	sand.u32 @!p0 $0x400, s3;
	[sflag:s17] =	ssyncset.done $0x0  }
0x22: {  	s26 =	simm.s32 @!p0 $0x0;
	s25 =	sxor.u32 @!p0 $0x14400, s24;
	[sflag:s17] =	ssyncadd.s32 $0xFFFFFC00  }
0x23: {  	[tilespmem:s25], [sflag:$0x3] =	stream.linear.gather @!p0 [hbm4b:s12+s26], $0x400, $0x38;
	[tilespmem:$0x1D000] =	vst v63  }
0x24: {  	s25 =	sxor.u32 @!p0 $0x14C00, s24;
	s24 =	simm.s32 @p0 $0x400  }
0x25: {  	[tilespmem:s25], [sflag:$0x3] =	stream.linear.gather @!p0 [hbm4b:s11+s26], $0x400, $0x38;
	[tilespmem:$0x1D000] =	vst v63  }
0x26: {  	s26 =	sor.u32 $0x14000, s24  }
0x27: {  	[tilespmem:s19], [sflag:$0x1] =	stream.indirect.gather [hbm4b:s4+s18], $0x80, s26, s18, $0xb8;
	[tilespmem:$0x1D000] =	vst v63  }
0x28: {  	s28 =	sadd.s32 $0x14080, s24  }
0x29: {  	[tilespmem:s20], [sflag:$0x2] =	stream.indirect.gather [hbm4b:s4+s18], $0x80, s28, s18, $0xb8;
	[tilespmem:$0x1D000] =	vst v63  }
0x2a: {  	_ =	swait.ge [sflag:s21], $0x3E80  }
0x2b: {  	[sflag:s21] =	ssyncset.done $0x0  }
0x2c: {  	s29 =	sor.u32 $0x14800, s24;
	[sflag:s21] =	ssyncadd.s32 $0xFFFFC180  }
0x2d: {  	[spmem:s2] =	stream.indirect.scatter.add.f32 [tilespmem:s19], [sflag:$0x4], $0x80, s29, s18, $0xb8;
	[tilespmem:$0x1D000] =	vst v63  }
0x2e: {  	_ =	swait.ge [sflag:s16], $0x3E80  }
0x2f: {  	[sflag:s16] =	ssyncset.done $0x0  }
0x30: {  	s30 =	sadd.s32 $0x14100, s24;
	[sflag:s16] =	ssyncadd.s32 $0xFFFFC180  }
0x31: {  	[tilespmem:s19], [sflag:$0x1] =	stream.indirect.gather [hbm4b:s4+s18], $0x80, s30, s18, $0xb8;
	[tilespmem:$0x1D000] =	vst v63  }
0x32: {  	_ =	swait.ge [sflag:s22], $0x3E80  }
0x33: {  	[sflag:s22] =	ssyncset.done $0x0  }
0x34: {  	s31 =	sadd.s32 $0x14880, s24;
	[sflag:s22] =	ssyncadd.s32 $0xFFFFC180  }
0x35: {  	[spmem:s2] =	stream.indirect.scatter.add.f32 [tilespmem:s20], [sflag:$0x4], $0x80, s31, s18, $0xb8;
	[tilespmem:$0x1D000] =	vst v63  }
0x36: {  	_ =	swait.ge [sflag:s16], $0x3E80  }
0x37: {  	[sflag:s16] =	ssyncset.done $0x0  }
0x38: {  	s26 =	sadd.s32 $0x14180, s24;
	[sflag:s16] =	ssyncadd.s32 $0xFFFFC180  }
0x39: {  	[tilespmem:s20], [sflag:$0x2] =	stream.indirect.gather [hbm4b:s4+s18], $0x80, s26, s18, $0xb8;
	[tilespmem:$0x1D000] =	vst v63  }
0x3a: {  	_ =	swait.ge [sflag:s21], $0x3E80  }
0x3b: {  	[sflag:s21] =	ssyncset.done $0x0  }
0x3c: {  	s28 =	sadd.s32 $0x14900, s24;
	[sflag:s21] =	ssyncadd.s32 $0xFFFFC180  }
0x3d: {  	[spmem:s2] =	stream.indirect.scatter.add.f32 [tilespmem:s19], [sflag:$0x4], $0x80, s28, s18, $0xb8;
	[tilespmem:$0x1D000] =	vst v63  }
0x3e: {  	_ =	swait.ge [sflag:s16], $0x3E80  }
0x3f: {  	[sflag:s16] =	ssyncset.done $0x0  }
0x40: {  	s29 =	sadd.s32 $0x14200, s24;
	[sflag:s16] =	ssyncadd.s32 $0xFFFFC180  }
0x41: {  	[tilespmem:s19], [sflag:$0x1] =	stream.indirect.gather [hbm4b:s4+s18], $0x80, s29, s18, $0xb8;
	[tilespmem:$0x1D000] =	vst v63  }
0x42: {  	_ =	swait.ge [sflag:s22], $0x3E80  }
0x43: {  	[sflag:s22] =	ssyncset.done $0x0  }
0x44: {  	s30 =	sadd.s32 $0x14980, s24;
	[sflag:s22] =	ssyncadd.s32 $0xFFFFC180  }
0x45: {  	[spmem:s2] =	stream.indirect.scatter.add.f32 [tilespmem:s20], [sflag:$0x4], $0x80, s30, s18, $0xb8;
	[tilespmem:$0x1D000] =	vst v63  }
0x46: {  	_ =	swait.ge [sflag:s16], $0x3E80  }
0x47: {  	[sflag:s16] =	ssyncset.done $0x0  }
0x48: {  	s31 =	sadd.s32 $0x14280, s24;
	[sflag:s16] =	ssyncadd.s32 $0xFFFFC180  }
0x49: {  	[tilespmem:s20], [sflag:$0x2] =	stream.indirect.gather [hbm4b:s4+s18], $0x80, s31, s18, $0xb8;
	[tilespmem:$0x1D000] =	vst v63  }
0x4a: {  	_ =	swait.ge [sflag:s21], $0x3E80  }
0x4b: {  	[sflag:s21] =	ssyncset.done $0x0  }
0x4c: {  	s26 =	sadd.s32 $0x14A00, s24;
	[sflag:s21] =	ssyncadd.s32 $0xFFFFC180  }
0x4d: {  	[spmem:s2] =	stream.indirect.scatter.add.f32 [tilespmem:s19], [sflag:$0x4], $0x80, s26, s18, $0xb8;
	[tilespmem:$0x1D000] =	vst v63  }
0x4e: {  	_ =	swait.ge [sflag:s16], $0x3E80  }
0x4f: {  	[sflag:s16] =	ssyncset.done $0x0  }
0x50: {  	s28 =	sadd.s32 $0x14300, s24;
	[sflag:s16] =	ssyncadd.s32 $0xFFFFC180  }
0x51: {  	[tilespmem:s19], [sflag:$0x1] =	stream.indirect.gather [hbm4b:s4+s18], $0x80, s28, s18, $0xb8;
	[tilespmem:$0x1D000] =	vst v63  }
0x52: {  	_ =	swait.ge [sflag:s22], $0x3E80  }
0x53: {  	[sflag:s22] =	ssyncset.done $0x0  }
0x54: {  	s29 =	sadd.s32 $0x14A80, s24;
	[sflag:s22] =	ssyncadd.s32 $0xFFFFC180  }
0x55: {  	[spmem:s2] =	stream.indirect.scatter.add.f32 [tilespmem:s20], [sflag:$0x4], $0x80, s29, s18, $0xb8;
	[tilespmem:$0x1D000] =	vst v63  }
0x56: {  	_ =	swait.ge [sflag:s16], $0x3E80  }
0x57: {  	[sflag:s16] =	ssyncset.done $0x0  }
0x58: {  	s30 =	sadd.s32 $0x14380, s24;
	[sflag:s16] =	ssyncadd.s32 $0xFFFFC180  }
0x59: {  	[tilespmem:s20], [sflag:$0x2] =	stream.indirect.gather [hbm4b:s4+s18], $0x80, s30, s18, $0xb8;
	[tilespmem:$0x1D000] =	vst v63  }
0x5a: {  	_ =	swait.ge [sflag:s21], $0x3E80  }
0x5b: {  	[sflag:s21] =	ssyncset.done $0x0  }
0x5c: {  	s31 =	sadd.s32 $0x14B00, s24;
	[sflag:s21] =	ssyncadd.s32 $0xFFFFC180  }
0x5d: {  	[spmem:s2] =	stream.indirect.scatter.add.f32 [tilespmem:s19], [sflag:$0x4], $0x80, s31, s18, $0xb8;
	[tilespmem:$0x1D000] =	vst v63  }
0x5e: {  	_ =	swait.ge [sflag:s16], $0x3E80  }
0x5f: {  	[sflag:s16] =	ssyncset.done $0x0  }
0x60: {  	[sflag:s16] =	ssyncadd.s32 $0xFFFFC180  }
0x61: {  	_ =	swait.ge [sflag:s22], $0x3E80  }
0x62: {  	[sflag:s22] =	ssyncset.done $0x0  }
0x63: {  	s24 =	sadd.s32 $0x14B80, s24;
	[sflag:s22] =	ssyncadd.s32 $0xFFFFC180  }
0x64: {  	[spmem:s2] =	stream.indirect.scatter.add.f32 [tilespmem:s20], [sflag:$0x4], $0x80, s24, s18, $0xb8;
	[tilespmem:$0x1D000] =	vst v63  }
0x65: {  	s25 =	sadd.s32 $0x80, s12;
	_ =	swait.ge [sflag:s16], $0x3E80  }
0x66: {  	s26 =	smov.u32 s11;
	s24 =	simm.s32 $0x400;
	[sflag:s16] =	ssyncset.done $0x0  }
.LBB2_2:
0x67: {  	[sflag:s16] =	ssyncadd.s32 $0xFFFFC180  }
0x68: {  	s26 =	sadd.s32 $0x80, s26;
	s28 =	smov.u32 s24;
	s24 =	sadd.s32 $0x400, s24  }
0x69: {  	_ =	swait.ge [sflag:s17], $0x400;
	p0 =	sne.s32 s24, $0x2800  }
0x6a: {  	[sflag:s17] =	ssyncset.done $0x0  }
0x6b: {  	[sflag:s17] =	ssyncadd.s32 $0xFFFFFC00  }
0x6c: {  	p1 =	seq.s32 s28, $0x2400;
	_ =	swait.ge [sflag:s17], $0x400  }
0x6d: {  	s28 =	sand.u32 @!p1 $0x400, s28;
	[sflag:s17] =	ssyncset.done $0x0  }
0x6e: {  	s30 =	simm.s32 @!p1 $0x0;
	s29 =	sxor.u32 @!p1 $0x14400, s28;
	[sflag:s17] =	ssyncadd.s32 $0xFFFFFC00  }
0x6f: {  	[tilespmem:s29], [sflag:$0x3] =	stream.linear.gather @!p1 [hbm4b:s25+s30], $0x400, $0x38;
	[tilespmem:$0x1D000] =	vst v63  }
0x70: {  	s29 =	sxor.u32 @!p1 $0x14C00, s28;
	s28 =	simm.s32 @p1 $0x400  }
0x71: {  	[tilespmem:s29], [sflag:$0x3] =	stream.linear.gather @!p1 [hbm4b:s26+s30], $0x400, $0x38;
	[tilespmem:$0x1D000] =	vst v63  }
0x72: {  	s29 =	sor.u32 $0x14000, s28  }
0x73: {  	[tilespmem:s19], [sflag:$0x1] =	stream.indirect.gather [hbm4b:s4+s18], $0x80, s29, s18, $0xb8;
	[tilespmem:$0x1D000] =	vst v63  }
0x74: {  	s29 =	sadd.s32 $0x14080, s28  }
0x75: {  	[tilespmem:s20], [sflag:$0x2] =	stream.indirect.gather [hbm4b:s4+s18], $0x80, s29, s18, $0xb8;
	[tilespmem:$0x1D000] =	vst v63  }
0x76: {  	_ =	swait.ge [sflag:s21], $0x3E80  }
0x77: {  	[sflag:s21] =	ssyncset.done $0x0  }
0x78: {  	s29 =	sor.u32 $0x14800, s28;
	[sflag:s21] =	ssyncadd.s32 $0xFFFFC180  }
0x79: {  	[spmem:s2] =	stream.indirect.scatter.add.f32 [tilespmem:s19], [sflag:$0x4], $0x80, s29, s18, $0xb8;
	[tilespmem:$0x1D000] =	vst v63  }
0x7a: {  	_ =	swait.ge [sflag:s16], $0x3E80  }
0x7b: {  	[sflag:s16] =	ssyncset.done $0x0  }
0x7c: {  	s29 =	sadd.s32 $0x14100, s28;
	[sflag:s16] =	ssyncadd.s32 $0xFFFFC180  }
0x7d: {  	[tilespmem:s19], [sflag:$0x1] =	stream.indirect.gather [hbm4b:s4+s18], $0x80, s29, s18, $0xb8;
	[tilespmem:$0x1D000] =	vst v63  }
0x7e: {  	_ =	swait.ge [sflag:s22], $0x3E80  }
0x7f: {  	[sflag:s22] =	ssyncset.done $0x0  }
0x80: {  	s29 =	sadd.s32 $0x14880, s28;
	[sflag:s22] =	ssyncadd.s32 $0xFFFFC180  }
0x81: {  	[spmem:s2] =	stream.indirect.scatter.add.f32 [tilespmem:s20], [sflag:$0x4], $0x80, s29, s18, $0xb8;
	[tilespmem:$0x1D000] =	vst v63  }
0x82: {  	_ =	swait.ge [sflag:s16], $0x3E80  }
0x83: {  	[sflag:s16] =	ssyncset.done $0x0  }
0x84: {  	s29 =	sadd.s32 $0x14180, s28;
	[sflag:s16] =	ssyncadd.s32 $0xFFFFC180  }
0x85: {  	[tilespmem:s20], [sflag:$0x2] =	stream.indirect.gather [hbm4b:s4+s18], $0x80, s29, s18, $0xb8;
	[tilespmem:$0x1D000] =	vst v63  }
0x86: {  	_ =	swait.ge [sflag:s21], $0x3E80  }
0x87: {  	[sflag:s21] =	ssyncset.done $0x0  }
0x88: {  	s29 =	sadd.s32 $0x14900, s28;
	[sflag:s21] =	ssyncadd.s32 $0xFFFFC180  }
0x89: {  	[spmem:s2] =	stream.indirect.scatter.add.f32 [tilespmem:s19], [sflag:$0x4], $0x80, s29, s18, $0xb8;
	[tilespmem:$0x1D000] =	vst v63  }
0x8a: {  	_ =	swait.ge [sflag:s16], $0x3E80  }
0x8b: {  	[sflag:s16] =	ssyncset.done $0x0  }
0x8c: {  	s29 =	sadd.s32 $0x14200, s28;
	[sflag:s16] =	ssyncadd.s32 $0xFFFFC180  }
0x8d: {  	[tilespmem:s19], [sflag:$0x1] =	stream.indirect.gather [hbm4b:s4+s18], $0x80, s29, s18, $0xb8;
	[tilespmem:$0x1D000] =	vst v63  }
0x8e: {  	_ =	swait.ge [sflag:s22], $0x3E80  }
0x8f: {  	[sflag:s22] =	ssyncset.done $0x0  }
0x90: {  	s29 =	sadd.s32 $0x14980, s28;
	[sflag:s22] =	ssyncadd.s32 $0xFFFFC180  }
0x91: {  	[spmem:s2] =	stream.indirect.scatter.add.f32 [tilespmem:s20], [sflag:$0x4], $0x80, s29, s18, $0xb8;
	[tilespmem:$0x1D000] =	vst v63  }
0x92: {  	_ =	swait.ge [sflag:s16], $0x3E80  }
0x93: {  	[sflag:s16] =	ssyncset.done $0x0  }
0x94: {  	s29 =	sadd.s32 $0x14280, s28;
	[sflag:s16] =	ssyncadd.s32 $0xFFFFC180  }
0x95: {  	[tilespmem:s20], [sflag:$0x2] =	stream.indirect.gather [hbm4b:s4+s18], $0x80, s29, s18, $0xb8;
	[tilespmem:$0x1D000] =	vst v63  }
0x96: {  	_ =	swait.ge [sflag:s21], $0x3E80  }
0x97: {  	[sflag:s21] =	ssyncset.done $0x0  }
0x98: {  	s29 =	sadd.s32 $0x14A00, s28;
	[sflag:s21] =	ssyncadd.s32 $0xFFFFC180  }
0x99: {  	[spmem:s2] =	stream.indirect.scatter.add.f32 [tilespmem:s19], [sflag:$0x4], $0x80, s29, s18, $0xb8;
	[tilespmem:$0x1D000] =	vst v63  }
0x9a: {  	_ =	swait.ge [sflag:s16], $0x3E80  }
0x9b: {  	[sflag:s16] =	ssyncset.done $0x0  }
0x9c: {  	s29 =	sadd.s32 $0x14300, s28;
	[sflag:s16] =	ssyncadd.s32 $0xFFFFC180  }
0x9d: {  	[tilespmem:s19], [sflag:$0x1] =	stream.indirect.gather [hbm4b:s4+s18], $0x80, s29, s18, $0xb8;
	[tilespmem:$0x1D000] =	vst v63  }
0x9e: {  	_ =	swait.ge [sflag:s22], $0x3E80  }
0x9f: {  	[sflag:s22] =	ssyncset.done $0x0  }
0xa0: {  	s29 =	sadd.s32 $0x14A80, s28;
	[sflag:s22] =	ssyncadd.s32 $0xFFFFC180  }
0xa1: {  	[spmem:s2] =	stream.indirect.scatter.add.f32 [tilespmem:s20], [sflag:$0x4], $0x80, s29, s18, $0xb8;
	[tilespmem:$0x1D000] =	vst v63  }
0xa2: {  	_ =	swait.ge [sflag:s16], $0x3E80  }
0xa3: {  	[sflag:s16] =	ssyncset.done $0x0  }
0xa4: {  	s29 =	sadd.s32 $0x14380, s28;
	[sflag:s16] =	ssyncadd.s32 $0xFFFFC180  }
0xa5: {  	[tilespmem:s20], [sflag:$0x2] =	stream.indirect.gather [hbm4b:s4+s18], $0x80, s29, s18, $0xb8;
	[tilespmem:$0x1D000] =	vst v63  }
0xa6: {  	_ =	swait.ge [sflag:s21], $0x3E80  }
0xa7: {  	[sflag:s21] =	ssyncset.done $0x0  }
0xa8: {  	s29 =	sadd.s32 $0x14B00, s28;
	[sflag:s21] =	ssyncadd.s32 $0xFFFFC180  }
0xa9: {  	[spmem:s2] =	stream.indirect.scatter.add.f32 [tilespmem:s19], [sflag:$0x4], $0x80, s29, s18, $0xb8;
	[tilespmem:$0x1D000] =	vst v63  }
0xaa: {  	_ =	swait.ge [sflag:s16], $0x3E80  }
0xab: {  	[sflag:s16] =	ssyncset.done $0x0  }
0xac: {  	[sflag:s16] =	ssyncadd.s32 $0xFFFFC180  }
0xad: {  	_ =	swait.ge [sflag:s22], $0x3E80  }
.Ltmp0:
0xae: {  	[sflag:s22] =	ssyncset.done $0x0;
	(pc) =	sbr.rel @p0 .LBB2_2-.Ltmp0, $4  }
0xaf: {  	s28 =	sadd.s32 $0x14B80, s28;
	[sflag:s22] =	ssyncadd.s32 $0xFFFFC180  }
0xb0: {  	[spmem:s2] =	stream.indirect.scatter.add.f32 [tilespmem:s20], [sflag:$0x4], $0x80, s28, s18, $0xb8;
	[tilespmem:$0x1D000] =	vst v63  }
0xb1: {  	_ =	swait.ge [sflag:s16], $0x3E80  }
0xb2: {  	s25 =	sadd.s32 $0x80, s25;
	[sflag:s16] =	ssyncset.done $0x0  }
0xb3: {  	s23 =	sadd.s32 $0x1, s23  }
0xb4: {  	[sflag:s16] =	ssyncadd.s32 $0xFFFFC180;
	p0 =	sne.s32 s23, s10  }
.Ltmp1:
0xb5: {  	[bflag:$0x0] =	sbarrier.arrive $0xFFFF;
	(pc) =	sbr.rel @p0 .LBB2_1-.Ltmp1, $4  }
0xb6: {  	[hbm:s9], [sflag:s8] =	dma.local [spmem:s15], $0x2800  }
0xb7: {  	_ =	swait.ge [sflag:s16], $0x2800  }
0xb8: {  	[sflag:s16] =	ssyncset.done $0x0  }
0xb9: {  	[sflag:s16] =	ssyncadd.s32 $0xFFFFD800  }
0xba: {  	_ =	sfence.sel $0x180000  }
0xbb: {  	[bflag:$0x0] =	sbarrier.arrive $0xFFFF  }
0xbc: {  	p0 =	sne.s32 s1, $0x0;
	_ =	strace $0x9000004A  }
0xbd: {  	s0 =	sadd.s32 @!p0 $0x100000, s0;
	[bflag:$0x2] =	sbarrier.arrive $0xFFFF  }
0xbe: {  	[sflag:s0] =	ssyncadd.tile.s32 @!p0 $0x1;
	_ =	shalt  }
.Lfunc_end2:
_tile_overlayer_lowered:
.L_overlay_start_2:
0xbf: {  	(tag) =	ssettag $0x2  }
0xc0: {  	s0 =	rddreg [dreg:$0x0];
	s2 =	stileid.u32  }
0xc1: {  	s1 =	rddreg [dreg:$0x1];
	p0 =	sne.s32 s2, $0x0  }
0xc2: {  	s3 =	rddreg [dreg:$0x2];
	[bflag:$0x3] =	sbarrier.arrive $0xFFFF;
	s2 =	simm.s32 @!p0 $0x1C04  }
0xc3: {  	[timem:s3], [sflag:s2] =	dma.local @!p0 [hbm:s0], s1  }
0xc4: {  	s0 =	simm.s32 @!p0 $0x4  }
0xc5: {  	_ =	swait.ge @!p0 [sflag:s0], s1  }
0xc6: {  	s1 =	ssub.s32 @!p0 $0x0, s1;
	[sflag:s0] =	ssyncset.done @!p0 $0x0  }
0xc7: {  	[sflag:s0] =	ssyncadd.s32 @!p0 s1  }
0xc8: {  	[bflag:$0x3] =	sbarrier.arrive $0xFFFF  }
0xc9: {  	_ =	shalt  }

// kernel: kernel.14.cloned.1.call-start
scs
__scs_entry_jumppad:
0x0: {  	(pc) =	sbr.rel $0x88, $3  }
0x1: {  	(tag) =	ssettag $0x0;
	lr =	simm.s32 $0x1  }
0x2: {  	[smem:$0x3F9A] =	sst lr;
	_ =	strace $0xD0000000  }
0x3: {  	_ = 	snop  }
0x4: {  	_ = 	snop  }
0x5: {  	_ = 	snop  }
0x6: {  	_ = 	snop  }
0x7: {  	_ = 	snop  }
__scs_overlays_trampoline_lowered:
0x8: {  	[smem:$0x3FA9] =	sst s0  }
0x9: {  	[smem:$0x3FAA] =	sst s1  }
0xa: {  	[smem:$0x3FAB] =	sst s2  }
0xb: {  	[smem:$0x3FAC] =	sst s3  }
0xc: {  	[smem:$0x3FAD] =	sst s4  }
0xd: {  	[smem:$0x3FAE] =	sst s5  }
0xe: {  	[smem:$0x3FAF] =	sst s6  }
0xf: {  	[smem:$0x3FB0] =	sst s7  }
0x10: {  	[smem:$0x3FB1] =	sst s8  }
0x11: {  	[smem:$0x3FB2] =	sst s9;
	s0 =	simm.s32 @!p0 $0x0  }
0x12: {  	s1 =	sld [smem:$0x3F98];
	s0 =	simm.s32 @p0 $0x1  }
0x13: {  	[smem:$0x3FB3] =	sst s0;
	s0 =	simm.s32 @!p1 $0x0  }
0x14: {  	s2 =	sld [smem:$0x3F97];
	s0 =	simm.s32 @p1 $0x1  }
0x15: {  	[smem:$0x3FB4] =	sst s0;
	s0 =	simm.s32 @!p2 $0x0  }
0x16: {  	s3 =	sld [smem:$0x3FDB];
	s0 =	simm.s32 @p2 $0x1  }
0x17: {  	s4 =	simm.s32 $0x1BF5;
	[smem:$0x3FB6] =	sst s0  }
0x18: {  	s0 =	sld [smem:$0x3F99];
	_ =	swait.ge [sflag:s4], $0x0  }
0x19: {  	s7 =	sld [smem:$0x3F9A]  }
0x1a: {  	s8 =	sadd.s32 $0xFFFFE003, lr  }
0x1b: {  	s9 =	sadd.s32 $0xFFFFFEF7, lr;
	s5 =	simm.s32 $0xFFFFFFFF;
	p2 =	slt.u32 s8, $0xFFFFF086  }
0x1c: {  	p1 =	slt.u32 s9, $0xF7A;
	s5 =	simm.s32 @!p2 $0x0  }
0x1d: {  	s5 =	simm.s32 @p1 $0x1;
	p0 =	seq.s32 s7, s2  }
0x1e: {  	s7 =	smul.u32 @!p0 $0xF7A, s2;
	p2 =	seq.s32 @!p0 s5, $0x0  }
0x1f: {  	s9 =	smul.u32 $0xF7A, s1;
	s8 =	simm.s32 @!p0 $0x1BF5;
	p2 =	por !p2, p0  }
0x20: {  	[sflag:s8] =	ssyncset.s32 @!p0 $0xFFFFF086;
	s6 =	sadd.s32 @!p0 s3, s7;
	s7 =	simm.s32 @!p0 $0x108  }
0x21: {  	s3 =	sadd.s32 s3, s9;
	s6 =	sadd.s32 @!p0 $0x88, s6;
	s7 =	simm.s32 @p2 $0x1082  }
0x22: {  	[simem:s7], [sflag:s8] =	dma.local @!p0 [hbm:s6], $0xF7A  }
0x23: {  	s9 =	sor.u32 $0xD0000000, s2;
	s6 =	simm.s32 $0x108;
	_ =	swait.ge @!p0 [sflag:s8], $0x0  }
0x24: {  	s3 =	sadd.s32 $0x88, s3;
	s6 =	simm.s32 @!p1 $0x1082;
	[sflag:s4] =	ssyncset.s32 $0xFFFFF086  }
0x25: {  	[simem:s6], [sflag:s4] =	dma.local [hbm:s3], $0xF7A  }
0x26: {  	[smem:$0x3F9A] =	sst s1;
	(tag) =	ssettag s2;
	_ =	strace s9  }
0x27: {  	s1 =	sld [smem:$0x3FAA]  }
0x28: {  	s2 =	sld [smem:$0x3FAB]  }
0x29: {  	s4 =	sld [smem:$0x3FAD]  }
0x2a: {  	p0 =	seq.s32 s5, $0x0;
	s5 =	sld [smem:$0x3FAE]  }
0x2b: {  	s6 =	sld [smem:$0x3FAF]  }
0x2c: {  	s7 =	sld [smem:$0x3FB0]  }
0x2d: {  	s3 =	simm.s32 $0x108;
	s8 =	sld [smem:$0x3FB1]  }
0x2e: {  	s3 =	simm.s32 @!p0 $0x1082;
	s9 =	sld [smem:$0x3FB2]  }
0x2f: {  	lr =	sadd.s32 s0, s3;
	s0 =	sld [smem:$0x3FA9]  }
0x30: {  	s3 =	sld [smem:$0x3FAC]  }
0x31: {  	[smem:$0x3FB5] =	sst s10  }
0x32: {  	s10 =	sld [smem:$0x3FB3];
	_ =	sdelay $0x3  }
0x33: {  	p0 =	seq.s32 s10, $0x1;
	s10 =	sld [smem:$0x3FB5];
	_ =	sdelay $0x3  }
0x34: {  	[smem:$0x3FB5] =	sst s10  }
0x35: {  	s10 =	sld [smem:$0x3FB4];
	_ =	sdelay $0x3  }
0x36: {  	p1 =	seq.s32 s10, $0x1;
	s10 =	sld [smem:$0x3FB5];
	_ =	sdelay $0x3  }
0x37: {  	[smem:$0x3FB5] =	sst s10  }
0x38: {  	s10 =	sld [smem:$0x3FB6]  }
0x39: {  	_ = 	snop;
	(pc) =	sbr.ind lr, $3  }
0x3a: {  	_ = 	snop  }
0x3b: {  	_ = 	snop  }
0x3c: {  	p2 =	seq.s32 s10, $0x1;
	s10 =	sld [smem:$0x3FB5]  }
0x3d: {  	_ =	shalt  }
0x3e: {  	_ =	shalt  }
0x3f: {  	_ =	shalt  }
0x40: {  	_ =	shalt  }
0x41: {  	_ =	shalt  }
0x42: {  	_ =	shalt  }
0x43: {  	_ =	shalt  }
0x44: {  	_ =	shalt  }
0x45: {  	_ =	shalt  }
0x46: {  	_ =	shalt  }
0x47: {  	_ =	shalt  }
0x48: {  	_ =	shalt  }
0x49: {  	_ =	shalt  }
0x4a: {  	_ =	shalt  }
0x4b: {  	_ =	shalt  }
0x4c: {  	_ =	shalt  }
0x4d: {  	_ =	shalt  }
0x4e: {  	_ =	shalt  }
0x4f: {  	_ =	shalt  }
0x50: {  	_ =	shalt  }
0x51: {  	_ =	shalt  }
0x52: {  	_ =	shalt  }
0x53: {  	_ =	shalt  }
0x54: {  	_ =	shalt  }
0x55: {  	_ =	shalt  }
0x56: {  	_ =	shalt  }
0x57: {  	_ =	shalt  }
0x58: {  	_ =	shalt  }
0x59: {  	_ =	shalt  }
0x5a: {  	_ =	shalt  }
0x5b: {  	_ =	shalt  }
0x5c: {  	_ =	shalt  }
0x5d: {  	_ =	shalt  }
0x5e: {  	_ =	shalt  }
0x5f: {  	_ =	shalt  }
0x60: {  	_ =	shalt  }
0x61: {  	_ =	shalt  }
0x62: {  	_ =	shalt  }
0x63: {  	_ =	shalt  }
0x64: {  	_ =	shalt  }
0x65: {  	_ =	shalt  }
0x66: {  	_ =	shalt  }
0x67: {  	_ =	shalt  }
0x68: {  	_ =	shalt  }
0x69: {  	_ =	shalt  }
0x6a: {  	_ =	shalt  }
0x6b: {  	_ =	shalt  }
0x6c: {  	_ =	shalt  }
0x6d: {  	_ =	shalt  }
0x6e: {  	_ =	shalt  }
0x6f: {  	_ =	shalt  }
0x70: {  	_ =	shalt  }
0x71: {  	_ =	shalt  }
0x72: {  	_ =	shalt  }
0x73: {  	_ =	shalt  }
0x74: {  	_ =	shalt  }
0x75: {  	_ =	shalt  }
0x76: {  	_ =	shalt  }
0x77: {  	_ =	shalt  }
0x78: {  	_ =	shalt  }
0x79: {  	_ =	shalt  }
0x7a: {  	_ =	shalt  }
0x7b: {  	_ =	shalt  }
0x7c: {  	_ =	shalt  }
0x7d: {  	_ =	shalt  }
0x7e: {  	_ =	shalt  }
0x7f: {  	_ =	shalt  }
0x80: {  	_ =	shalt  }
0x81: {  	_ =	shalt  }
0x82: {  	_ =	shalt  }
0x83: {  	_ =	shalt  }
0x84: {  	_ =	shalt  }
0x85: {  	_ =	shalt  }
0x86: {  	_ =	shalt  }
0x87: {  	_ =	shalt  }
.Lfunc_end0:
.L_simem_size_0:
called_computation.2_lowered:
.L_overlay_start_0:
0x88: {  	s2 =	sld [smem:$0x3FD9]  }
0x89: {  	s3 =	sld [smem:$0x3FFE];
	_ =	sdelay $0x1  }
0x8a: {  	s1 =	srdreg.scid  }
0x8b: {  	s0 =	sand.u32 $0x1, s1  }
0x8c: {  	s16 =	sshll.u32 s0, $0xA;
	s2 =	sadd.s32 s3, s2  }
0x8d: {  	s2 =	sadd.s32 s2, s16  }
0x8e: {  	[smem:$0x3FC1] =	sst s2  }
0x8f: {  	_ = 	snop  }
0x90: {  	(tm) =	ssettm $0x1  }
0x91: {  	s17 =	sld [smem:$0x3FFB];
	_ =	sdelay $0x3  }
0x92: {  	_ =	strace s17  }
0x93: {  	s2 =	sld [smem:$0x3FFC];
	_ =	sdelay $0x3  }
0x94: {  	_ =	strace s2  }
0x95: {  	s2 =	sld [smem:$0x3FFD];
	_ =	sdelay $0x3  }
0x96: {  	_ =	strace s2  }
0x97: {  	_ =	strace $0x8FFFFFFF  }
0x98: {  	s18 =	sld [smem:$0x3FDB];
	_ =	sdelay $0x1  }
0x99: {  	s19 =	simm.s32 $_scs_section_size  }
0x9a: {  	s4 =	simm.s32 $_size__tile_overlayer_lowered;
	s5 =	simm.s32 $_tile_overlayer_lowered  }
0x9b: {  	s22 =	simm.s32 $0x1BFF;
	s21 =	sshll.u32 s5, $0x1;
	s2 =	sadd.s32 s19, s18  }
0x9c: {  	s6 =	simm.s32 $0x0;
	s20 =	sshll.u32 s4, $0x1;
	s4 =	sadd.s32 s21, s2  }
0x9d: {  	[timem:s6], [sflag:s22] =	dma.local [hbm:s4], s20  }
0x9e: {  	_ =	swait.ge [sflag:s22], s20  }
0x9f: {  	s3 =	ssub.s32 $0x0, s20;
	[sflag:s22] =	ssyncset.done $0x0  }
0xa0: {  	[sflag:s22] =	ssyncadd.s32 s3;
	_ =	sdelay $0x1  }
0xa1: {  	s23 =	simm.s32 $0x1B8B  }
0xa2: {  	_ =	swait.ge [sflag:s23], $0x1  }
0xa3: {  	[sflag:s23] =	ssyncset.done $0x0  }
0xa4: {  	s25 =	simm.s32 $0x1B8E;
	s24 =	sld [smem:$0x3FFE];
	[sflag:s23] =	ssyncadd.s32 $0xFFFFFFFF  }
0xa5: {  	s26 =	simm.s32 $execute0_lowered;
	[smem:$0x3FD2] =	sst s25  }
0xa6: {  	s4 =	sshll.u32 s26, $0x1;
	_ =	strace $0x8000004C;
	[dreg:$0x1] =	wrdreg $0xFFFFFFFF  }
0xa7: {  	s28 =	simm.s32 $_size_execute0_lowered;
	s2 =	sadd.s32 s2, s4;
	[dreg:$0x0] =	wrdreg $0x0  }
0xa8: {  	s4 =	sshll.u32 s28, $0x1;
	[dreg:$0x2] =	wrdreg s2  }
0xa9: {  	[dreg:$0x3] =	wrdreg s4  }
0xaa: {  	[dreg:$0x4] =	wrdreg $0xC0  }
0xab: {  	_ =	task [dreg:s6], $0x5FFFF  }
0xac: {  	[dreg:$0x1] =	wrdreg $0xFFFFFFFF  }
0xad: {  	[dreg:$0x0] =	wrdreg $0x60  }
0xae: {  	[dreg:$0x2] =	wrdreg s24  }
0xaf: {  	[dreg:$0x3] =	wrdreg $0x0  }
0xb0: {  	[dreg:$0x4] =	wrdreg $0x9  }
0xb1: {  	_ =	task.clear_ibuf [dreg:s6], $0x5FFFF;
	_ =	strace $0x9000004C  }
0xb2: {  	s29 =	simm.s32 $0x9;
	_ =	strace $0x8000004E  }
0xb3: {  	_ =	swait.ge [sflag:s29], $0x1  }
0xb4: {  	[sflag:s29] =	ssyncadd.s32 $0xFFFFFFFF  }
0xb5: {  	_ =	strace $0x9000004E  }
0xb6: {  	_ =	sfence  }
0xb7: {  	s30 =	sld [smem:$0x0];
	_ =	sdelay $0x2  }
0xb8: {  	s31 =	sshll.u32 s1, $0xD;
	s1 =	sshrl.u32 s1, $0x2  }
0xb9: {  	s3 =	sand.u32 $0x4000, s31;
	s1 =	sadd.s32 s1, s30  }
0xba: {  	s0 =	sor.u32 s3, s0;
	s1 =	sshll.u32 s1, $0x11  }
0xbb: {  	s0 =	sor.u32 s1, s0  }
0xbc: {  	s0 =	sadd.s32 $0x8F2B, s0  }
0xbd: {  	[sflag:s0] =	ssyncadd.remote.s32 $0x1  }
0xbe: {  	_ =	sfence.sel $0xFFFF  }
0xbf: {  	[dreg:$0x0] =	wrdreg $0xFFFFFFFF;
	(pc) =	sbr.abs _section_cstart, $3  }
0xc0: {  	[dreg:$0x1] =	wrdreg $0xFFFFFFFF  }
0xc1: {  	_ =	task.clear_ibuf [dreg:s6], $0x2FFFF;
	_ =	strace $0x9FFFFFFF  }
0xc2: {  	(tm) =	ssettm $0x7FFFFFFF  }
0xc3: {  	_ =	shalt  }
tec
execute0_lowered:
.L_overlay_start_1:
0x0: {  	(tag) =	ssettag $0x1  }
0x1: {  	s0 =	rddreg [dreg:$0x0]  }
0x2: {  	s2 =	rddreg [dreg:$0x1];
	s1 =	srdreg.scid  }
0x3: {  	s3 =	stileid.u32;
	s5 =	simm.s32 $0x0;
	s10 =	simm.s32 $0x2800  }
0x4: {  	s11 =	simm.s32 $0x15;
	s15 =	simm.s32 $0x7D;
	s28 =	simm.s32 $0xC  }
0x5: {  	s29 =	simm.s32 $0x11;
	s30 =	simm.s32 $0xD;
	s31 =	simm.s32 $0x12  }
0x6: {  	s16 =	simm.s32 $0x14;
	s17 =	simm.s32 $0x0;
	s1 =	sand.u32 $0x1, s1  }
0x7: {  	s7 =	smul.u32 $0x2800, s3;
	[smem:$0x7FF] =	sst s5;
	s26 =	sshll.u32 s3, $0x6  }
0x8: {  	s4 =	sshll.u32 s1, $0x4;
	s23 =	smul.u32 $0x28000, s1;
	_ =	strace $0x8000004D  }
0x9: {  	s1 =	ssub.s32 $0x2, s1;
	s13 =	sor.u32 $0x1C15, s26;
	s26 =	simm.s32 $0x10  }
0xa: {  	s4 =	sor.u32 s3, s4;
	s8 =	sshrl.u32 s1, $0x1;
	s12 =	sadd.s32 s7, s2  }
0xb: {  	s6 =	smul.u32 $0x500, s4;
	s4 =	sadd.s32 $0xC400, s0;
	s5 =	sadd.s32 s7, s23  }
0xc: {  	s1 =	ssub.s32 s1, s8;
	s7 =	sshrl.u32 s7, $0x3;
	s14 =	sshrl.u32 s12, $0x3  }
.Ltmp0:
0xd: {  	s12 =	simm.s32 $0xF;
	s5 =	sshrl.u32 s5, $0x3;
	(pc) =	sbr.rel .LBB2_1-.Ltmp0, $4  }
0xe: {  	s7 =	sadd.s32 s4, s7;
	s9 =	smax.u32 s1, $0x1;
	s6 =	sadd.s32 s6, s0  }
0xf: {  	s1 =	simm.s32 $0x13;
	s0 =	sadd.s32 s5, s0;
	s24 =	sadd.s32 $0x99000, s6  }
0x10: {  	s25 =	sadd.s32 $0x2400, s6;
	s8 =	sadd.s32 $0x11400, s0;
	[dreg:$0x3] =	wrdreg s24  }
0x11: {  	s0 =	simm.s32 $0xE;
	[dreg:$0x4] =	wrdreg s25;
	s25 =	simm.s32 $0xB  }
.LBB2_4:
0x12: {  	_ =	swait.ge [sflag:s25], $0x7D0  }
0x13: {  	[sflag:s25] =	ssyncset.done $0x0  }
0x14: {  	[sflag:s25] =	ssyncadd.s32 $0xFFFFF830  }
0x15: {  	_ =	swait.ge [sflag:s26], $0x7D0  }
0x16: {  	[sflag:s26] =	ssyncset.done $0x0  }
0x17: {  	[sflag:s26] =	ssyncadd.s32 $0xFFFFF830  }
0x18: {  	_ =	swait.ge [sflag:s28], $0x7D0  }
0x19: {  	[sflag:s28] =	ssyncset.done $0x0  }
0x1a: {  	[sflag:s28] =	ssyncadd.s32 $0xFFFFF830  }
0x1b: {  	_ =	swait.ge [sflag:s29], $0x7D0  }
0x1c: {  	[sflag:s29] =	ssyncset.done $0x0  }
0x1d: {  	[sflag:s29] =	ssyncadd.s32 $0xFFFFF830  }
0x1e: {  	_ =	swait.ge [sflag:s30], $0x7D0  }
0x1f: {  	[sflag:s30] =	ssyncset.done $0x0  }
0x20: {  	[sflag:s30] =	ssyncadd.s32 $0xFFFFF830  }
0x21: {  	_ =	swait.ge [sflag:s31], $0x7D0  }
0x22: {  	[sflag:s31] =	ssyncset.done $0x0  }
0x23: {  	[sflag:s31] =	ssyncadd.s32 $0xFFFFF830  }
0x24: {  	_ =	swait.ge [sflag:s0], $0x7D0  }
0x25: {  	[sflag:s0] =	ssyncset.done $0x0  }
0x26: {  	[sflag:s0] =	ssyncadd.s32 $0xFFFFF830  }
0x27: {  	_ =	swait.ge [sflag:s1], $0x7D0  }
0x28: {  	[sflag:s1] =	ssyncset.done $0x0  }
0x29: {  	[sflag:s1] =	ssyncadd.s32 $0xFFFFF830  }
0x2a: {  	_ =	swait.ge [sflag:s12], $0x7D0  }
0x2b: {  	[sflag:s12] =	ssyncset.done $0x0  }
0x2c: {  	[sflag:s12] =	ssyncadd.s32 $0xFFFFF830  }
0x2d: {  	_ =	swait.ge [sflag:s16], $0x7D0  }
0x2e: {  	s17 =	sadd.s32 $0x1, s17;
	[sflag:s16] =	ssyncset.done $0x0  }
0x2f: {  	p0 =	sne.s32 s17, s9;
	[sflag:s16] =	ssyncadd.s32 $0xFFFFF830  }
.Ltmp1:
0x30: {  	[bflag:$0x0] =	sbarrier.arrive $0xFFFF;
	(pc) =	sbr.rel @!p0 .LBB2_5-.Ltmp1, $4  }
0x31: {  	[hbm:s8], [sflag:s13] =	dma.local [spmem:s14], $0x500  }
0x32: {  	_ =	swait.ge [sflag:s11], $0x500  }
0x33: {  	[sflag:s11] =	ssyncset.done $0x0  }
0x34: {  	[sflag:s11] =	ssyncadd.s32 $0xFFFFFB00  }
.LBB2_1:
0x35: {  	s3 =	simm.s32 $0x0;
	s5 =	rddreg [dreg:$0x3]  }
0x36: {  	[tilespmem:s10], [sflag:$0x15] =	stream.linear.gather [hbm4b:s5+s3], $0x2800, $0x38;
	[tilespmem:$0xC620] =	vst v63  }
0x37: {  	_ =	swait.ge [sflag:s11], $0x2800  }
0x38: {  	[sflag:s11] =	ssyncset.done $0x0  }
0x39: {  	s6 =	simm.s32 $0x5000;
	s24 =	rddreg [dreg:$0x4];
	[sflag:s11] =	ssyncadd.s32 $0xFFFFD800  }
0x3a: {  	[tilespmem:s6], [sflag:$0x15] =	stream.linear.gather [hbm4b:s24+s3], $0x2800, $0x38;
	[tilespmem:$0xC620] =	vst v63  }
0x3b: {  	_ =	swait.ge [sflag:s11], $0x2800  }
0x3c: {  	[sflag:s11] =	ssyncset.done $0x0  }
0x3d: {  	[sflag:s11] =	ssyncadd.s32 $0xFFFFD800  }
0x3e: {  	[spmem:s14], [sflag:s13] =	dma.local [hbm:s7], $0x500  }
0x3f: {  	_ =	swait.ge [sflag:s11], $0x500  }
0x40: {  	[sflag:s11] =	ssyncset.done $0x0  }
0x41: {  	[sflag:s11] =	ssyncadd.s32 $0xFFFFFB00  }
0x42: {  	s5 =	simm.s32 $0x7800;
	[bflag:$0x0] =	sbarrier.arrive $0xFFFF  }
0x43: {  	[tilespmem:s5], [sflag:$0x1] =	stream.indirect.gather [hbm4b:s4+s15], $0x10, s10, s15, $0xb8;
	[tilespmem:$0xC620] =	vst v63  }
0x44: {  	s18 =	simm.s32 $0x7FD0;
	s6 =	simm.s32 $0x2880  }
0x45: {  	[tilespmem:s18], [sflag:$0x2] =	stream.indirect.gather [hbm4b:s4+s15], $0x10, s6, s15, $0xb8;
	[tilespmem:$0xC620] =	vst v63  }
0x46: {  	s19 =	simm.s32 $0x2900;
	s20 =	simm.s32 $0x87A0  }
0x47: {  	[tilespmem:s20], [sflag:$0x3] =	stream.indirect.gather [hbm4b:s4+s15], $0x10, s19, s15, $0xb8;
	[tilespmem:$0xC620] =	vst v63  }
0x48: {  	s21 =	simm.s32 $0x2980;
	s22 =	simm.s32 $0x8F70;
	s23 =	simm.s32 $0x2A00  }
0x49: {  	[tilespmem:s22], [sflag:$0x4] =	stream.indirect.gather [hbm4b:s4+s15], $0x10, s21, s15, $0xb8;
	[tilespmem:$0xC620] =	vst v63  }
0x4a: {  	s24 =	simm.s32 $0x9740;
	s18 =	simm.s32 $0x1;
	s19 =	simm.s32 $0x0  }
0x4b: {  	[tilespmem:s24], [sflag:$0x5] =	stream.indirect.gather [hbm4b:s4+s15], $0x10, s23, s15, $0xb8;
	[tilespmem:$0xC620] =	vst v63  }
.LBB2_2:
0x4c: {  	s20 =	sadd.s32 $0xFFFFFFFF, s18  }
0x4d: {  	s20 =	sand.u32 $0x1, s20  }
0x4e: {  	s21 =	smul.u32 $0x5, s20;
	_ =	sdelay $0x1  }
0x4f: {  	s20 =	smul.u32 $0x9C40, s20;
	s22 =	sadd.s32 $0x1, s21  }
0x50: {  	s24 =	sshra.s32 s19, $0x2;
	_ =	swait.ge [sflag:s22], $0x7D0  }
0x51: {  	s6 =	sadd.s32 $0x5000, s24;
	s23 =	sshrl.u32 s20, $0x2;
	[sflag:s22] =	ssyncset.done $0x0  }
0x52: {  	s3 =	sadd.s32 $0xB, s21;
	s23 =	sadd.s32 $0x7800, s23;
	[sflag:s22] =	ssyncadd.s32 $0xFFFFF830  }
0x53: {  	[spmem:s2] =	stream.indirect.scatter.add.f32 [tilespmem:s23], [sflag:s3], $0x10, s6, s15, $0xb8;
	[tilespmem:$0xC620] =	vst v63  }
0x54: {  	s22 =	sadd.s32 $0x1F40, s20;
	s23 =	sadd.s32 $0x2, s21  }
0x55: {  	s5 =	sadd.s32 $0x5080, s24;
	s3 =	sshrl.u32 s22, $0x2;
	_ =	swait.ge [sflag:s23], $0x7D0  }
0x56: {  	s6 =	sadd.s32 $0xC, s21;
	s22 =	sadd.s32 $0x3E80, s20;
	[sflag:s23] =	ssyncset.done $0x0  }
0x57: {  	s3 =	sadd.s32 $0x7800, s3;
	[sflag:s23] =	ssyncadd.s32 $0xFFFFF830;
	s23 =	sadd.s32 $0x3, s21  }
0x58: {  	[spmem:s2] =	stream.indirect.scatter.add.f32 [tilespmem:s3], [sflag:s6], $0x10, s5, s15, $0xb8;
	[tilespmem:$0xC620] =	vst v63  }
0x59: {  	s3 =	sshrl.u32 s22, $0x2;
	_ =	swait.ge [sflag:s23], $0x7D0  }
0x5a: {  	s5 =	sadd.s32 $0x5100, s24;
	s6 =	sadd.s32 $0xD, s21;
	[sflag:s23] =	ssyncset.done $0x0  }
0x5b: {  	s3 =	sadd.s32 $0x7800, s3;
	[sflag:s23] =	ssyncadd.s32 $0xFFFFF830;
	s23 =	sadd.s32 $0x4, s21  }
0x5c: {  	[spmem:s2] =	stream.indirect.scatter.add.f32 [tilespmem:s3], [sflag:s6], $0x10, s5, s15, $0xb8;
	[tilespmem:$0xC620] =	vst v63  }
0x5d: {  	p0 =	seq.s32 s19, $0x9600;
	s22 =	sadd.s32 $0x5DC0, s20;
	_ =	swait.ge [sflag:s23], $0x7D0  }
0x5e: {  	s3 =	sshrl.u32 s22, $0x2;
	s5 =	sadd.s32 $0x5180, s24;
	[sflag:s23] =	ssyncset.done $0x0  }
0x5f: {  	s6 =	sadd.s32 $0xE, s21;
	s3 =	sadd.s32 $0x7800, s3;
	[sflag:s23] =	ssyncadd.s32 $0xFFFFF830  }
0x60: {  	[spmem:s2] =	stream.indirect.scatter.add.f32 [tilespmem:s3], [sflag:s6], $0x10, s5, s15, $0xb8;
	[tilespmem:$0xC620] =	vst v63  }
.Ltmp2:
0x61: {  	s23 =	sadd.s32 $0x5, s21;
	(pc) =	sbr.rel @p0 .LBB2_4-.Ltmp2, $4  }
0x62: {  	s22 =	sadd.s32 $0x7D00, s20;
	_ =	swait.ge [sflag:s23], $0x7D0  }
0x63: {  	s24 =	sadd.s32 $0x5200, s24;
	s3 =	sshrl.u32 s22, $0x2;
	[sflag:s23] =	ssyncset.done $0x0  }
0x64: {  	s21 =	sadd.s32 $0xF, s21;
	s3 =	sadd.s32 $0x7800, s3;
	[sflag:s23] =	ssyncadd.s32 $0xFFFFF830  }
0x65: {  	[spmem:s2] =	stream.indirect.scatter.add.f32 [tilespmem:s3], [sflag:s21], $0x10, s24, s15, $0xb8;
	[tilespmem:$0xC620] =	vst v63  }
0x66: {  	s3 =	sand.u32 $0x1, s18  }
0x67: {  	s20 =	smul.u32 $0x5, s3  }
0x68: {  	p0 =	sne.s32 s19, $0x0  }
0x69: {  	s22 =	smul.u32 @p0 $0x9C40, s3;
	s21 =	sadd.s32 @p0 $0xB, s20  }
0x6a: {  	_ =	swait.ge @p0 [sflag:s21], $0x7D0  }
0x6b: {  	s22 =	sshrl.u32 @p0 s22, $0x2;
	[sflag:s21] =	ssyncset.done @p0 $0x0  }
0x6c: {  	[sflag:s21] =	ssyncadd.s32 @p0 $0xFFFFF830;
	s21 =	sadd.s32 @p0 $0x7800, s22;
	s22 =	sshra.s32 @p0 s19, $0x2  }
0x6d: {  	s5 =	simm.s32 @p0 $0x7D;
	s24 =	sadd.s32 @p0 $0x1, s20;
	s23 =	sadd.s32 @p0 $0x2A80, s22  }
0x6e: {  	[tilespmem:s21], [sflag:s24] =	stream.indirect.gather @p0 [hbm4b:s4+s5], $0x10, s23, s5, $0xb8;
	[tilespmem:$0xC620] =	vst v63  }
0x6f: {  	s21 =	sadd.s32 @p0 $0xC, s20;
	s23 =	smul.u32 @p0 $0x1F40, s20  }
0x70: {  	_ =	swait.ge @p0 [sflag:s21], $0x7D0  }
0x71: {  	[sflag:s21] =	ssyncset.done @p0 $0x0;
	s24 =	sadd.s32 @p0 $0x1F40, s23  }
0x72: {  	[sflag:s21] =	ssyncadd.s32 @p0 $0xFFFFF830;
	s21 =	sshrl.u32 @p0 s24, $0x2  }
0x73: {  	s6 =	sadd.s32 @p0 $0x2, s20;
	s24 =	sadd.s32 @p0 $0x2B00, s22;
	s21 =	sadd.s32 @p0 $0x7800, s21  }
0x74: {  	[tilespmem:s21], [sflag:s6] =	stream.indirect.gather @p0 [hbm4b:s4+s5], $0x10, s24, s5, $0xb8;
	[tilespmem:$0xC620] =	vst v63  }
0x75: {  	s6 =	sadd.s32 @p0 $0xD, s20  }
0x76: {  	_ =	swait.ge @p0 [sflag:s6], $0x7D0  }
0x77: {  	s21 =	sadd.s32 @p0 $0x3E80, s23;
	[sflag:s6] =	ssyncset.done @p0 $0x0  }
0x78: {  	[sflag:s6] =	ssyncadd.s32 @p0 $0xFFFFF830;
	s6 =	sshrl.u32 @p0 s21, $0x2  }
0x79: {  	s24 =	sadd.s32 @p0 $0x3, s20;
	s21 =	sadd.s32 @p0 $0x2B80, s22;
	s6 =	sadd.s32 @p0 $0x7800, s6  }
0x7a: {  	[tilespmem:s6], [sflag:s24] =	stream.indirect.gather @p0 [hbm4b:s4+s5], $0x10, s21, s5, $0xb8;
	[tilespmem:$0xC620] =	vst v63  }
0x7b: {  	s6 =	sadd.s32 @p0 $0xE, s20  }
0x7c: {  	_ =	swait.ge @p0 [sflag:s6], $0x7D0  }
0x7d: {  	s21 =	sadd.s32 @p0 $0x5DC0, s23;
	[sflag:s6] =	ssyncset.done @p0 $0x0  }
0x7e: {  	s3 =	smul.u32 @!p0 $0x9C40, s3;
	[sflag:s6] =	ssyncadd.s32 @p0 $0xFFFFF830;
	s6 =	sshrl.u32 @p0 s21, $0x2  }
0x7f: {  	s21 =	sadd.s32 @p0 $0x2C00, s22;
	s22 =	sadd.s32 @p0 $0x4, s20;
	s6 =	sadd.s32 @p0 $0x7800, s6  }
0x80: {  	[tilespmem:s6], [sflag:s22] =	stream.indirect.gather @p0 [hbm4b:s4+s5], $0x10, s21, s5, $0xb8;
	[tilespmem:$0xC620] =	vst v63  }
0x81: {  	s3 =	sshrl.u32 @!p0 s3, $0x2;
	s5 =	sadd.s32 @p0 $0xF, s20  }
0x82: {  	s3 =	sadd.s32 @!p0 $0x7800, s3;
	s23 =	smul.u32 @!p0 $0x1F40, s20;
	_ =	swait.ge @p0 [sflag:s5], $0x7D0  }
0x83: {  	s6 =	sshra.s32 @!p0 s19, $0x2;
	s21 =	sadd.s32 @!p0 $0x1, s20;
	[sflag:s5] =	ssyncset.done @p0 $0x0  }
0x84: {  	s22 =	simm.s32 @!p0 $0x7D;
	[sflag:s5] =	ssyncadd.s32 @p0 $0xFFFFF830;
	s5 =	sadd.s32 @!p0 $0x2A80, s6  }
0x85: {  	[tilespmem:s3], [sflag:s21] =	stream.indirect.gather @!p0 [hbm4b:s4+s22], $0x10, s5, s22, $0xb8;
	[tilespmem:$0xC620] =	vst v63  }
0x86: {  	s3 =	sadd.s32 @!p0 $0x1F40, s23  }
0x87: {  	s18 =	sadd.s32 $0x1, s18;
	s3 =	sshrl.u32 @!p0 s3, $0x2  }
0x88: {  	s5 =	sadd.s32 @!p0 $0x2B00, s6;
	s21 =	sadd.s32 @!p0 $0x2, s20;
	s3 =	sadd.s32 @!p0 $0x7800, s3  }
0x89: {  	[tilespmem:s3], [sflag:s21] =	stream.indirect.gather @!p0 [hbm4b:s4+s22], $0x10, s5, s22, $0xb8;
	[tilespmem:$0xC620] =	vst v63  }
0x8a: {  	s24 =	smul.u32 $0x1F40, s20;
	s3 =	sadd.s32 @!p0 $0x2B80, s6;
	s5 =	simm.s32 @!p0 $0xAEB0  }
0x8b: {  	[tilespmem:s5], [sflag:$0x8] =	stream.indirect.gather @!p0 [hbm4b:s4+s22], $0x10, s3, s22, $0xb8;
	[tilespmem:$0xC620] =	vst v63  }
0x8c: {  	s6 =	sadd.s32 @!p0 $0x2C00, s6;
	s21 =	sadd.s32 @!p0 $0x4, s20;
	s3 =	sadd.s32 @!p0 $0x5DC0, s23  }
0x8d: {  	s5 =	sadd.s32 @p0 $0xA00, s19;
	s23 =	sadd.s32 $0x7D00, s24;
	s3 =	sshrl.u32 @!p0 s3, $0x2  }
.Ltmp3:
0x8e: {  	s5 =	simm.s32 @!p0 $0xA00;
	s3 =	sadd.s32 @!p0 $0x7800, s3;
	(pc) =	sbr.rel .LBB2_2-.Ltmp3, $4  }
0x8f: {  	[tilespmem:s3], [sflag:s21] =	stream.indirect.gather @!p0 [hbm4b:s4+s22], $0x10, s6, s22, $0xb8;
	[tilespmem:$0xC620] =	vst v63  }
0x90: {  	s24 =	sadd.s32 $0x5, s20;
	s5 =	sshra.s32 s5, $0x2;
	s3 =	sshrl.u32 s23, $0x2  }
0x91: {  	s19 =	sadd.s32 $0xA00, s19;
	s5 =	sadd.s32 $0x2A00, s5;
	s3 =	sadd.s32 $0x7800, s3  }
0x92: {  	[tilespmem:s3], [sflag:s24] =	stream.indirect.gather [hbm4b:s4+s15], $0x10, s5, s15, $0xb8;
	[tilespmem:$0xC620] =	vst v63  }
.LBB2_5:
0x93: {  	_ =	sfence.sel $0x180000  }
0x94: {  	[bflag:$0x0] =	sbarrier.arrive $0xFFFF  }
0x95: {  	_ =	strace $0x9000004D  }
0x96: {  	s0 =	stileid.u32;
	[bflag:$0x2] =	sbarrier.arrive $0xFFFF  }
0x97: {  	p0 =	sne.s32 s0, $0x0;
	s0 =	rddreg [dreg:$0x2]  }
0x98: {  	s0 =	sadd.s32 @!p0 $0x100000, s0  }
0x99: {  	[sflag:s0] =	ssyncadd.tile.s32 @!p0 $0x1;
	_ =	shalt  }
.Lfunc_end2:
_tile_overlayer_lowered:
.L_overlay_start_2:
0x9a: {  	(tag) =	ssettag $0x2  }
0x9b: {  	s0 =	rddreg [dreg:$0x0];
	s2 =	stileid.u32  }
0x9c: {  	s1 =	rddreg [dreg:$0x1];
	p0 =	sne.s32 s2, $0x0  }
0x9d: {  	s3 =	rddreg [dreg:$0x2];
	[bflag:$0x3] =	sbarrier.arrive $0xFFFF;
	s2 =	simm.s32 @!p0 $0x1C15  }
0x9e: {  	[timem:s3], [sflag:s2] =	dma.local @!p0 [hbm:s0], s1  }
0x9f: {  	s0 =	simm.s32 @!p0 $0x15  }
0xa0: {  	_ =	swait.ge @!p0 [sflag:s0], s1  }
0xa1: {  	s1 =	ssub.s32 @!p0 $0x0, s1;
	[sflag:s0] =	ssyncset.done @!p0 $0x0  }
0xa2: {  	[sflag:s0] =	ssyncadd.s32 @!p0 s1  }
0xa3: {  	[bflag:$0x3] =	sbarrier.arrive $0xFFFF  }
0xa4: {  	_ =	shalt  }

// kernel: kernel.8.cloned.1.call-start
scs
__scs_entry_jumppad:
0x0: {  	(pc) =	sbr.rel $0x88, $3  }
0x1: {  	(tag) =	ssettag $0x0;
	lr =	simm.s32 $0x1  }
0x2: {  	[smem:$0x3F9A] =	sst lr;
	_ =	strace $0xD0000000  }
0x3: {  	_ = 	snop  }
0x4: {  	_ = 	snop  }
0x5: {  	_ = 	snop  }
0x6: {  	_ = 	snop  }
0x7: {  	_ = 	snop  }
__scs_overlays_trampoline_lowered:
0x8: {  	[smem:$0x3FA9] =	sst s0  }
0x9: {  	[smem:$0x3FAA] =	sst s1  }
0xa: {  	[smem:$0x3FAB] =	sst s2  }
0xb: {  	[smem:$0x3FAC] =	sst s3  }
0xc: {  	[smem:$0x3FAD] =	sst s4  }
0xd: {  	[smem:$0x3FAE] =	sst s5  }
0xe: {  	[smem:$0x3FAF] =	sst s6  }
0xf: {  	[smem:$0x3FB0] =	sst s7  }
0x10: {  	[smem:$0x3FB1] =	sst s8  }
0x11: {  	[smem:$0x3FB2] =	sst s9;
	s0 =	simm.s32 @!p0 $0x0  }
0x12: {  	s1 =	sld [smem:$0x3F98];
	s0 =	simm.s32 @p0 $0x1  }
0x13: {  	[smem:$0x3FB3] =	sst s0;
	s0 =	simm.s32 @!p1 $0x0  }
0x14: {  	s2 =	sld [smem:$0x3F97];
	s0 =	simm.s32 @p1 $0x1  }
0x15: {  	[smem:$0x3FB4] =	sst s0;
	s0 =	simm.s32 @!p2 $0x0  }
0x16: {  	s3 =	sld [smem:$0x3FDB];
	s0 =	simm.s32 @p2 $0x1  }
0x17: {  	s4 =	simm.s32 $0x1BF5;
	[smem:$0x3FB6] =	sst s0  }
0x18: {  	s0 =	sld [smem:$0x3F99];
	_ =	swait.ge [sflag:s4], $0x0  }
0x19: {  	s7 =	sld [smem:$0x3F9A]  }
0x1a: {  	s8 =	sadd.s32 $0xFFFFE003, lr  }
0x1b: {  	s9 =	sadd.s32 $0xFFFFFEF7, lr;
	s5 =	simm.s32 $0xFFFFFFFF;
	p2 =	slt.u32 s8, $0xFFFFF086  }
0x1c: {  	p1 =	slt.u32 s9, $0xF7A;
	s5 =	simm.s32 @!p2 $0x0  }
0x1d: {  	s5 =	simm.s32 @p1 $0x1;
	p0 =	seq.s32 s7, s2  }
0x1e: {  	s7 =	smul.u32 @!p0 $0xF7A, s2;
	p2 =	seq.s32 @!p0 s5, $0x0  }
0x1f: {  	s9 =	smul.u32 $0xF7A, s1;
	s8 =	simm.s32 @!p0 $0x1BF5;
	p2 =	por !p2, p0  }
0x20: {  	[sflag:s8] =	ssyncset.s32 @!p0 $0xFFFFF086;
	s6 =	sadd.s32 @!p0 s3, s7;
	s7 =	simm.s32 @!p0 $0x108  }
0x21: {  	s3 =	sadd.s32 s3, s9;
	s6 =	sadd.s32 @!p0 $0x88, s6;
	s7 =	simm.s32 @p2 $0x1082  }
0x22: {  	[simem:s7], [sflag:s8] =	dma.local @!p0 [hbm:s6], $0xF7A  }
0x23: {  	s9 =	sor.u32 $0xD0000000, s2;
	s6 =	simm.s32 $0x108;
	_ =	swait.ge @!p0 [sflag:s8], $0x0  }
0x24: {  	s3 =	sadd.s32 $0x88, s3;
	s6 =	simm.s32 @!p1 $0x1082;
	[sflag:s4] =	ssyncset.s32 $0xFFFFF086  }
0x25: {  	[simem:s6], [sflag:s4] =	dma.local [hbm:s3], $0xF7A  }
0x26: {  	[smem:$0x3F9A] =	sst s1;
	(tag) =	ssettag s2;
	_ =	strace s9  }
0x27: {  	s1 =	sld [smem:$0x3FAA]  }
0x28: {  	s2 =	sld [smem:$0x3FAB]  }
0x29: {  	s4 =	sld [smem:$0x3FAD]  }
0x2a: {  	p0 =	seq.s32 s5, $0x0;
	s5 =	sld [smem:$0x3FAE]  }
0x2b: {  	s6 =	sld [smem:$0x3FAF]  }
0x2c: {  	s7 =	sld [smem:$0x3FB0]  }
0x2d: {  	s3 =	simm.s32 $0x108;
	s8 =	sld [smem:$0x3FB1]  }
0x2e: {  	s3 =	simm.s32 @!p0 $0x1082;
	s9 =	sld [smem:$0x3FB2]  }
0x2f: {  	lr =	sadd.s32 s0, s3;
	s0 =	sld [smem:$0x3FA9]  }
0x30: {  	s3 =	sld [smem:$0x3FAC]  }
0x31: {  	[smem:$0x3FB5] =	sst s10  }
0x32: {  	s10 =	sld [smem:$0x3FB3];
	_ =	sdelay $0x3  }
0x33: {  	p0 =	seq.s32 s10, $0x1;
	s10 =	sld [smem:$0x3FB5];
	_ =	sdelay $0x3  }
0x34: {  	[smem:$0x3FB5] =	sst s10  }
0x35: {  	s10 =	sld [smem:$0x3FB4];
	_ =	sdelay $0x3  }
0x36: {  	p1 =	seq.s32 s10, $0x1;
	s10 =	sld [smem:$0x3FB5];
	_ =	sdelay $0x3  }
0x37: {  	[smem:$0x3FB5] =	sst s10  }
0x38: {  	s10 =	sld [smem:$0x3FB6]  }
0x39: {  	_ = 	snop;
	(pc) =	sbr.ind lr, $3  }
0x3a: {  	_ = 	snop  }
0x3b: {  	_ = 	snop  }
0x3c: {  	p2 =	seq.s32 s10, $0x1;
	s10 =	sld [smem:$0x3FB5]  }
0x3d: {  	_ =	shalt  }
0x3e: {  	_ =	shalt  }
0x3f: {  	_ =	shalt  }
0x40: {  	_ =	shalt  }
0x41: {  	_ =	shalt  }
0x42: {  	_ =	shalt  }
0x43: {  	_ =	shalt  }
0x44: {  	_ =	shalt  }
0x45: {  	_ =	shalt  }
0x46: {  	_ =	shalt  }
0x47: {  	_ =	shalt  }
0x48: {  	_ =	shalt  }
0x49: {  	_ =	shalt  }
0x4a: {  	_ =	shalt  }
0x4b: {  	_ =	shalt  }
0x4c: {  	_ =	shalt  }
0x4d: {  	_ =	shalt  }
0x4e: {  	_ =	shalt  }
0x4f: {  	_ =	shalt  }
0x50: {  	_ =	shalt  }
0x51: {  	_ =	shalt  }
0x52: {  	_ =	shalt  }
0x53: {  	_ =	shalt  }
0x54: {  	_ =	shalt  }
0x55: {  	_ =	shalt  }
0x56: {  	_ =	shalt  }
0x57: {  	_ =	shalt  }
0x58: {  	_ =	shalt  }
0x59: {  	_ =	shalt  }
0x5a: {  	_ =	shalt  }
0x5b: {  	_ =	shalt  }
0x5c: {  	_ =	shalt  }
0x5d: {  	_ =	shalt  }
0x5e: {  	_ =	shalt  }
0x5f: {  	_ =	shalt  }
0x60: {  	_ =	shalt  }
0x61: {  	_ =	shalt  }
0x62: {  	_ =	shalt  }
0x63: {  	_ =	shalt  }
0x64: {  	_ =	shalt  }
0x65: {  	_ =	shalt  }
0x66: {  	_ =	shalt  }
0x67: {  	_ =	shalt  }
0x68: {  	_ =	shalt  }
0x69: {  	_ =	shalt  }
0x6a: {  	_ =	shalt  }
0x6b: {  	_ =	shalt  }
0x6c: {  	_ =	shalt  }
0x6d: {  	_ =	shalt  }
0x6e: {  	_ =	shalt  }
0x6f: {  	_ =	shalt  }
0x70: {  	_ =	shalt  }
0x71: {  	_ =	shalt  }
0x72: {  	_ =	shalt  }
0x73: {  	_ =	shalt  }
0x74: {  	_ =	shalt  }
0x75: {  	_ =	shalt  }
0x76: {  	_ =	shalt  }
0x77: {  	_ =	shalt  }
0x78: {  	_ =	shalt  }
0x79: {  	_ =	shalt  }
0x7a: {  	_ =	shalt  }
0x7b: {  	_ =	shalt  }
0x7c: {  	_ =	shalt  }
0x7d: {  	_ =	shalt  }
0x7e: {  	_ =	shalt  }
0x7f: {  	_ =	shalt  }
0x80: {  	_ =	shalt  }
0x81: {  	_ =	shalt  }
0x82: {  	_ =	shalt  }
0x83: {  	_ =	shalt  }
0x84: {  	_ =	shalt  }
0x85: {  	_ =	shalt  }
0x86: {  	_ =	shalt  }
0x87: {  	_ =	shalt  }
.Lfunc_end0:
.L_simem_size_0:
called_computation_lowered:
.L_overlay_start_0:
0x88: {  	s2 =	sld [smem:$0x3FD9]  }
0x89: {  	s3 =	sld [smem:$0x3FFE];
	_ =	sdelay $0x1  }
0x8a: {  	s1 =	srdreg.scid  }
0x8b: {  	s0 =	sand.u32 $0x1, s1  }
0x8c: {  	s16 =	sshll.u32 s0, $0xA;
	s2 =	sadd.s32 s3, s2  }
0x8d: {  	s2 =	sadd.s32 s2, s16  }
0x8e: {  	[smem:$0x3FC1] =	sst s2  }
0x8f: {  	_ = 	snop  }
0x90: {  	(tm) =	ssettm $0x1  }
0x91: {  	s17 =	sld [smem:$0x3FFB];
	_ =	sdelay $0x3  }
0x92: {  	_ =	strace s17  }
0x93: {  	s2 =	sld [smem:$0x3FFC];
	_ =	sdelay $0x3  }
0x94: {  	_ =	strace s2  }
0x95: {  	s2 =	sld [smem:$0x3FFD];
	_ =	sdelay $0x3  }
0x96: {  	_ =	strace s2  }
0x97: {  	_ =	strace $0x8FFFFFFF  }
0x98: {  	s18 =	sld [smem:$0x3FDB];
	_ =	sdelay $0x1  }
0x99: {  	s19 =	simm.s32 $_scs_section_size  }
0x9a: {  	s4 =	simm.s32 $_size__tile_overlayer_lowered;
	s5 =	simm.s32 $_tile_overlayer_lowered  }
0x9b: {  	s22 =	simm.s32 $0x1BFF;
	s21 =	sshll.u32 s5, $0x1;
	s2 =	sadd.s32 s19, s18  }
0x9c: {  	s6 =	simm.s32 $0x0;
	s20 =	sshll.u32 s4, $0x1;
	s4 =	sadd.s32 s21, s2  }
0x9d: {  	[timem:s6], [sflag:s22] =	dma.local [hbm:s4], s20  }
0x9e: {  	_ =	swait.ge [sflag:s22], s20  }
0x9f: {  	s3 =	ssub.s32 $0x0, s20;
	[sflag:s22] =	ssyncset.done $0x0  }
0xa0: {  	[sflag:s22] =	ssyncadd.s32 s3;
	_ =	sdelay $0x1  }
0xa1: {  	s23 =	simm.s32 $0x1B8B  }
0xa2: {  	_ =	swait.ge [sflag:s23], $0x1  }
0xa3: {  	[sflag:s23] =	ssyncset.done $0x0  }
0xa4: {  	s25 =	simm.s32 $0x1B8E;
	s24 =	sld [smem:$0x3FFE];
	[sflag:s23] =	ssyncadd.s32 $0xFFFFFFFF  }
0xa5: {  	s26 =	simm.s32 $execute0_lowered;
	[smem:$0x3FD2] =	sst s25  }
0xa6: {  	s4 =	sshll.u32 s26, $0x1;
	_ =	strace $0x80000046;
	[dreg:$0x1] =	wrdreg $0xFFFFFFFF  }
0xa7: {  	s28 =	simm.s32 $_size_execute0_lowered;
	s2 =	sadd.s32 s2, s4;
	[dreg:$0x0] =	wrdreg $0x0  }
0xa8: {  	s4 =	sshll.u32 s28, $0x1;
	[dreg:$0x2] =	wrdreg s2  }
0xa9: {  	[dreg:$0x3] =	wrdreg s4  }
0xaa: {  	[dreg:$0x4] =	wrdreg $0xC0  }
0xab: {  	_ =	task [dreg:s6], $0x5FFFF  }
0xac: {  	[dreg:$0x1] =	wrdreg $0xFFFFFFFF  }
0xad: {  	[dreg:$0x0] =	wrdreg $0x60  }
0xae: {  	[dreg:$0x2] =	wrdreg s24  }
0xaf: {  	[dreg:$0x3] =	wrdreg $0x0  }
0xb0: {  	[dreg:$0x4] =	wrdreg $0x9  }
0xb1: {  	_ =	task.clear_ibuf [dreg:s6], $0x5FFFF;
	_ =	strace $0x90000046  }
0xb2: {  	s29 =	simm.s32 $0x9;
	_ =	strace $0x80000048  }
0xb3: {  	_ =	swait.ge [sflag:s29], $0x1  }
0xb4: {  	[sflag:s29] =	ssyncadd.s32 $0xFFFFFFFF  }
0xb5: {  	_ =	strace $0x90000048  }
0xb6: {  	_ =	sfence  }
0xb7: {  	s30 =	sld [smem:$0x0];
	_ =	sdelay $0x2  }
0xb8: {  	s31 =	sshll.u32 s1, $0xD;
	s1 =	sshrl.u32 s1, $0x2  }
0xb9: {  	s3 =	sand.u32 $0x4000, s31;
	s1 =	sadd.s32 s1, s30  }
0xba: {  	s0 =	sor.u32 s3, s0;
	s1 =	sshll.u32 s1, $0x11  }
0xbb: {  	s0 =	sor.u32 s1, s0  }
0xbc: {  	s0 =	sadd.s32 $0x8F2B, s0  }
0xbd: {  	[sflag:s0] =	ssyncadd.remote.s32 $0x1  }
0xbe: {  	_ =	sfence.sel $0xFFFF  }
0xbf: {  	[dreg:$0x0] =	wrdreg $0xFFFFFFFF;
	(pc) =	sbr.abs _section_cstart, $3  }
0xc0: {  	[dreg:$0x1] =	wrdreg $0xFFFFFFFF  }
0xc1: {  	_ =	task.clear_ibuf [dreg:s6], $0x2FFFF;
	_ =	strace $0x9FFFFFFF  }
0xc2: {  	(tm) =	ssettm $0x7FFFFFFF  }
0xc3: {  	_ =	shalt  }
tec
execute0_lowered:
.L_overlay_start_1:
0x0: {  	(tag) =	ssettag $0x1  }
0x1: {  	s6 =	rddreg [dreg:$0x0]  }
0x2: {  	s0 =	srdreg.scid;
	s2 =	rddreg [dreg:$0x1]  }
0x3: {  	s3 =	simm.s32 $0x0;
	s10 =	simm.s32 $0xCA00;
	s11 =	simm.s32 $0x7D  }
0x4: {  	s12 =	simm.s32 $0x2A80;
	s13 =	simm.s32 $0x1;
	s16 =	simm.s32 $0x0  }
0x5: {  	s4 =	sand.u32 $0x1, s0;
	s0 =	stileid.u32;
	[smem:$0x7FF] =	sst s3  }
0x6: {  	s1 =	sshll.u32 s4, $0x4;
	s7 =	ssub.s32 $0x2, s4;
	s9 =	smul.u32 $0x280, s0  }
0x7: {  	p0 =	seq.s32 s4, $0x1;
	s14 =	sshll.u32 s0, $0x6;
	s5 =	sor.u32 s0, s1  }
0x8: {  	s1 =	rddreg [dreg:$0x2];
	_ =	strace $0x80000047;
	s8 =	sshrl.u32 s7, $0x1  }
0x9: {  	s10 =	simm.s32 @!p0 $0xC400;
	s14 =	sor.u32 $0x1C02, s14;
	s5 =	smul.u32 $0x500, s5  }
0xa: {  	s7 =	ssub.s32 s7, s8;
	s30 =	sshrl.u32 s9, $0x3;
	s31 =	sadd.s32 s10, s6  }
0xb: {  	s8 =	simm.s32 $0x280;
	s10 =	simm.s32 $0x2B00;
	s5 =	sadd.s32 s5, s6  }
0xc: {  	s6 =	smax.u32 s7, $0x1;
	s4 =	sadd.s32 $0x2400, s5;
	s5 =	sadd.s32 s9, s2  }
0xd: {  	v0 =	vimm.f32 $0.0e+00;
	v1 =	vimm.f32 $1.000000000e+00;
	s7 =	sadd.s32 s31, s30;
	s9 =	simm.s32 $0x2;
	s15 =	sshrl.u32 s5, $0x3  }
.LBB2_1:
0xe: {  	[tilespmem:s8], [sflag:$0x2] =	stream.linear.gather [hbm4b:s4+s3], $0x2800, $0x38;
	[tilespmem:$0x2D80] =	vst v63  }
0xf: {  	_ =	swait.ge [sflag:s9], $0x2800  }
0x10: {  	[sflag:s9] =	ssyncset.done $0x0  }
0x11: {  	[sflag:s9] =	ssyncadd.s32 $0xFFFFD800  }
0x12: {  	[tilespmem:$0x2B00] =	vst v0  }
0x13: {  	[tilespmem:$0x2B10] =	vst v0  }
0x14: {  	[tilespmem:$0x2B20] =	vst v0  }
0x15: {  	[tilespmem:$0x2B30] =	vst v0  }
0x16: {  	[tilespmem:$0x2B40] =	vst v0  }
0x17: {  	[tilespmem:$0x2B50] =	vst v0  }
0x18: {  	[tilespmem:$0x2B60] =	vst v0  }
0x19: {  	[tilespmem:$0x2B70] =	vst v0  }
0x1a: {  	[tilespmem:$0x2B80] =	vst v0  }
0x1b: {  	[tilespmem:$0x2B90] =	vst v0  }
0x1c: {  	[tilespmem:$0x2BA0] =	vst v0  }
0x1d: {  	[tilespmem:$0x2BB0] =	vst v0  }
0x1e: {  	[tilespmem:$0x2BC0] =	vst v0  }
0x1f: {  	[tilespmem:$0x2BD0] =	vst v0  }
0x20: {  	[tilespmem:$0x2BE0] =	vst v0  }
0x21: {  	[tilespmem:$0x2BF0] =	vst v0  }
0x22: {  	[tilespmem:$0x2C00] =	vst v0  }
0x23: {  	[tilespmem:$0x2C10] =	vst v0  }
0x24: {  	[tilespmem:$0x2C20] =	vst v0  }
0x25: {  	[tilespmem:$0x2C30] =	vst v0  }
0x26: {  	[tilespmem:$0x2C40] =	vst v0  }
0x27: {  	[tilespmem:$0x2C50] =	vst v0  }
0x28: {  	[tilespmem:$0x2C60] =	vst v0  }
0x29: {  	[tilespmem:$0x2C70] =	vst v0  }
0x2a: {  	[tilespmem:$0x2C80] =	vst v0  }
0x2b: {  	[tilespmem:$0x2C90] =	vst v0  }
0x2c: {  	[tilespmem:$0x2CA0] =	vst v0  }
0x2d: {  	[tilespmem:$0x2CB0] =	vst v0  }
0x2e: {  	[tilespmem:$0x2CC0] =	vst v0  }
0x2f: {  	[tilespmem:$0x2CD0] =	vst v0  }
0x30: {  	[tilespmem:$0x2CE0] =	vst v0  }
0x31: {  	[tilespmem:$0x2CF0] =	vst v0  }
0x32: {  	[tilespmem:$0x2D00] =	vst v0  }
0x33: {  	[tilespmem:$0x2D10] =	vst v0  }
0x34: {  	[tilespmem:$0x2D20] =	vst v0  }
0x35: {  	[tilespmem:$0x2D30] =	vst v0  }
0x36: {  	[tilespmem:$0x2D40] =	vst v0  }
0x37: {  	[tilespmem:$0x2D50] =	vst v0  }
0x38: {  	[tilespmem:$0x2D60] =	vst v0  }
0x39: {  	[tilespmem:$0x2D70] =	vst v0  }
0x3a: {  	[tilespmem:$0x2A80] =	vst v1  }
0x3b: {  	[tilespmem:$0x2A90] =	vst v1  }
0x3c: {  	[tilespmem:$0x2AA0] =	vst v1  }
0x3d: {  	[tilespmem:$0x2AB0] =	vst v1  }
0x3e: {  	[tilespmem:$0x2AC0] =	vst v1  }
0x3f: {  	[tilespmem:$0x2AD0] =	vst v1  }
0x40: {  	[tilespmem:$0x2AE0] =	vst v1  }
0x41: {  	[tilespmem:$0x2AF0] =	vst v1  }
0x42: {  	[spmem:s5] =	stream.linear.scatter [tilespmem:s10], [sflag:$0x2], $0x280, $0x38;
	[tilespmem:$0x2D80] =	vst v63  }
0x43: {  	_ =	swait.ge [sflag:s9], $0x280  }
0x44: {  	[sflag:s9] =	ssyncset.done $0x0  }
0x45: {  	[sflag:s9] =	ssyncadd.s32 $0xFFFFFD80  }
0x46: {  	s17 =	simm.s32 $0x0;
	[bflag:$0x0] =	sbarrier.arrive $0xFFFF  }
.LBB2_2:
0x47: {  	p0 =	sne.s32 s17, $0x9E00  }
.Ltmp0:
0x48: {  	_ = 	snop;
	(pc) =	sbr.rel @p0 .LBB2_2-.Ltmp0, $4  }
0x49: {  	_ = 	snop  }
0x4a: {  	s18 =	sshra.s32 s17, $0x2  }
0x4b: {  	s17 =	sadd.s32 $0x200, s17;
	s18 =	sadd.s32 $0x280, s18  }
0x4c: {  	[spmem:s2] =	stream.indirect.scatter.add.f32 [tilespmem:s12], [sflag:$0x1], $0x1, s18, s11, $0xb8;
	[tilespmem:$0x2D80] =	vst v63  }
0x4d: {  	_ =	swait.ge [sflag:s13], $0x7D  }
0x4e: {  	s17 =	simm.s32 $0x4F;
	[sflag:s13] =	ssyncset.done $0x0  }
.LBB2_4:
0x4f: {  	p0 =	sne.s32 s17, $0x1;
	s17 =	sadd.s32 $0xFFFFFFFF, s17;
	[sflag:s13] =	ssyncadd.s32 $0xFFFFFF83  }
.Ltmp1:
0x50: {  	(pc) =	sbr.rel @p0 .LBB2_4-.Ltmp1, $3  }
0x51: {  	_ =	sdelay $0x1  }
0x52: {  	_ =	swait.ge [sflag:s13], $0x7D  }
0x53: {  	[sflag:s13] =	ssyncset.done $0x0  }
0x54: {  	s16 =	sadd.s32 $0x1, s16  }
0x55: {  	[sflag:s13] =	ssyncadd.s32 $0xFFFFFF83;
	p0 =	sne.s32 s16, s6  }
.Ltmp2:
0x56: {  	[bflag:$0x0] =	sbarrier.arrive $0xFFFF;
	(pc) =	sbr.rel @p0 .LBB2_1-.Ltmp2, $4  }
0x57: {  	[hbm:s7], [sflag:s14] =	dma.local [spmem:s15], $0x50  }
0x58: {  	_ =	swait.ge [sflag:s9], $0x50  }
0x59: {  	[sflag:s9] =	ssyncset.done $0x0  }
0x5a: {  	[sflag:s9] =	ssyncadd.s32 $0xFFFFFFB0  }
0x5b: {  	_ =	sfence.sel $0x180000  }
0x5c: {  	[bflag:$0x0] =	sbarrier.arrive $0xFFFF  }
0x5d: {  	p0 =	sne.s32 s0, $0x0;
	_ =	strace $0x90000047  }
0x5e: {  	s0 =	sadd.s32 @!p0 $0x100000, s1;
	[bflag:$0x2] =	sbarrier.arrive $0xFFFF  }
0x5f: {  	[sflag:s0] =	ssyncadd.tile.s32 @!p0 $0x1;
	_ =	shalt  }
.Lfunc_end2:
_tile_overlayer_lowered:
.L_overlay_start_2:
0x60: {  	(tag) =	ssettag $0x2  }
0x61: {  	s0 =	rddreg [dreg:$0x0];
	s2 =	stileid.u32  }
0x62: {  	s1 =	rddreg [dreg:$0x1];
	p0 =	sne.s32 s2, $0x0  }
0x63: {  	s3 =	rddreg [dreg:$0x2];
	[bflag:$0x3] =	sbarrier.arrive $0xFFFF;
	s2 =	simm.s32 @!p0 $0x1C02  }
0x64: {  	[timem:s3], [sflag:s2] =	dma.local @!p0 [hbm:s0], s1  }
0x65: {  	s0 =	simm.s32 @!p0 $0x2  }
0x66: {  	_ =	swait.ge @!p0 [sflag:s0], s1  }
0x67: {  	s1 =	ssub.s32 @!p0 $0x0, s1;
	[sflag:s0] =	ssyncset.done @!p0 $0x0  }
0x68: {  	[sflag:s0] =	ssyncadd.s32 @!p0 s1  }
0x69: {  	[bflag:$0x3] =	sbarrier.arrive $0xFFFF  }
0x6a: {  	_ =	shalt  }

</sc_bundles>
